<compile_context>
chip_gen: v7x
topology: tpu7x:2x2x1
jax: 0.10.2.dev20260603
libtpu: 0.0.44.dev20260713+nightly
codegen_flags: <defaults>
</compile_context>

<pallas_src>
import functools
import math

import jax
import jax.numpy as jnp
from jax import lax
from jax.experimental import pallas as pl
from jax.experimental.pallas import tpu as pltpu
from jax.experimental.pallas import tpu_sc as plsc

NC = 2
NS = 16
NW = NC * NS
CH = 80
NR = 4
GB = 5
BLK = 2048


def _hist_call(npad, ep, rpt):
    mesh = plsc.VectorSubcoreMesh(core_axis_name="c", subcore_axis_name="s")
    c2 = 128
    ncks = ep // c2

    @functools.partial(
        pl.kernel,
        mesh=mesh,
        out_type=jax.ShapeDtypeStruct((NC * npad,), jnp.float32),
        scratch_types=[
            pltpu.VMEM((4, 2, c2), jnp.int32),
            pltpu.VMEM((c2,), jnp.float32),
            pltpu.VMEM((rpt,), jnp.float32),
            pltpu.VMEM_SHARED((npad,), jnp.float32),
            [pltpu.SemaphoreType.DMA] * 4,
        ],
    )
    def hist(ei_hbm, ones_hbm, zeros_hbm, out_hbm,
             ibuf, ones_v, buf_v, acc_sh, sems):
        cid = lax.axis_index("c")
        sid = lax.axis_index("s")
        wid = sid * NC + cid
        pltpu.sync_copy(ones_hbm, ones_v)
        pltpu.sync_copy(zeros_hbm, buf_v)
        pltpu.sync_copy(buf_v, acc_sh.at[pl.ds(sid * rpt, rpt)])
        plsc.subcore_barrier()

        for j in range(2):
            pltpu.sync_copy(
                ei_hbm.at[:, pl.ds((wid + NW * j) * c2, c2)], ibuf.at[j])

        def group(g, carry):
            for b in range(4):
                i = g * 4 + b
                bf = (b + 2) % 4

                @pl.when(wid + NW * (i + 2) < ncks)
                def _fetch():
                    off = (wid + NW * (i + 2)) * c2
                    pltpu.async_copy(
                        ei_hbm.at[:, pl.ds(off, c2)], ibuf.at[bf], sems[bf])

                @pl.when(wid + NW * i < ncks)
                def _scat():
                    if b in (0, 1):
                        @pl.when(g > 0)
                        def _wait():
                            pltpu.make_async_copy(
                                ei_hbm.at[:, pl.ds(0, c2)], ibuf.at[b],
                                sems[b]).wait()
                    else:
                        pltpu.make_async_copy(
                            ei_hbm.at[:, pl.ds(0, c2)], ibuf.at[b],
                            sems[b]).wait()
                    pltpu.sync_copy(ones_v, acc_sh.at[ibuf.at[b, 0]], add=True)
            return carry

        nv = -(-ncks // NW)
        lax.fori_loop(0, (nv + 3) // 4, group, 0)
        plsc.subcore_barrier()
        pltpu.sync_copy(acc_sh.at[pl.ds(sid * rpt, rpt)], buf_v)
        pltpu.sync_copy(buf_v, out_hbm.at[pl.ds(cid * npad + sid * rpt, rpt)])

    return hist


def _agg_call(npad, d, ep, rpt, nch):
    mesh = plsc.VectorSubcoreMesh(core_axis_name="c", subcore_axis_name="s")
    rc = math.gcd(rpt, CH)

    @functools.partial(
        pl.kernel,
        mesh=mesh,
        out_type=jax.ShapeDtypeStruct((NC * npad, d), jnp.float32),
        scratch_types=[
            pltpu.VMEM((NR, CH), jnp.int32),
            pltpu.VMEM((NR, CH), jnp.int32),
            pltpu.VMEM((NR, CH, d), jnp.float32),
            pltpu.VMEM_SHARED((npad, d), jnp.float32),
            [pltpu.SemaphoreType.DMA] * NR,
            [pltpu.SemaphoreType.DMA] * NR,
            [pltpu.SemaphoreType.DMA] * NR,
        ],
    )
    def agg(ef_hbm, y_hbm, zeros_hbm, out_hbm,
            cbuf, rbuf, rows, acc_sh, sis, sgs, sss):
        cid = lax.axis_index("c")
        sid = lax.axis_index("s")
        wid = sid * NC + cid
        pltpu.sync_copy(zeros_hbm, rows.at[0, pl.ds(0, rc)])
        for k in range(rpt // rc):
            pltpu.sync_copy(
                rows.at[0, pl.ds(0, rc)],
                acc_sh.at[pl.ds(sid * rpt + k * rc, rc)])
        plsc.subcore_barrier()

        base = wid * (ep // NW)
        cbase = ep + base

        for j in range(2):
            pltpu.sync_copy(ef_hbm.at[pl.ds(cbase + j * CH, CH)], cbuf.at[j])
            pltpu.sync_copy(ef_hbm.at[pl.ds(base + j * CH, CH)], rbuf.at[j])
        pltpu.async_copy(y_hbm.at[cbuf.at[0]], rows.at[0], sgs[0])

        def group(g, carry):
            for b in range(NR):
                i = g * NR + b
                b2 = (b + 2) % NR
                b1 = (b + 1) % NR

                @pl.when(i + 2 < nch)
                def _fetch():
                    if b in (0, 1):
                        @pl.when(g > 0)
                        def _ws():
                            pltpu.make_async_copy(
                                rows.at[b2], acc_sh.at[rbuf.at[b2]],
                                sss[b2]).wait()
                    else:
                        pltpu.make_async_copy(
                            rows.at[b2], acc_sh.at[rbuf.at[b2]],
                            sss[b2]).wait()
                    off = base + (i + 2) * CH
                    pltpu.async_copy(
                        ef_hbm.at[pl.ds(ep + off, CH)], cbuf.at[b2], sis[b2])
                    pltpu.async_copy(
                        ef_hbm.at[pl.ds(off, CH)], rbuf.at[b2], sis[b2])

                @pl.when(i + 1 < nch)
                def _gather():
                    if b == 0:
                        @pl.when(g > 0)
                        def _wi():
                            pltpu.make_async_copy(
                                ef_hbm.at[pl.ds(cbase, CH)], cbuf.at[b1],
                                sis[b1]).wait()
                            pltpu.make_async_copy(
                                ef_hbm.at[pl.ds(base, CH)], rbuf.at[b1],
                                sis[b1]).wait()
                    else:
                        pltpu.make_async_copy(
                            ef_hbm.at[pl.ds(cbase, CH)], cbuf.at[b1],
                            sis[b1]).wait()
                        pltpu.make_async_copy(
                            ef_hbm.at[pl.ds(base, CH)], rbuf.at[b1],
                            sis[b1]).wait()
                    pltpu.async_copy(
                        y_hbm.at[cbuf.at[b1]], rows.at[b1], sgs[b1])

                @pl.when(i < nch)
                def _scat():
                    pltpu.make_async_copy(
                        y_hbm.at[cbuf.at[b]], rows.at[b], sgs[b]).wait()
                    pltpu.async_copy(
                        rows.at[b], acc_sh.at[rbuf.at[b]], sss[b], add=True)
            return carry

        lax.fori_loop(0, (nch + NR - 1) // NR, group, 0)
        for b in range(NR):
            pltpu.make_async_copy(
                rows.at[b], acc_sh.at[rbuf.at[b]], sss[b]).wait()
        plsc.subcore_barrier()
        for k in range(rpt // rc):
            pltpu.sync_copy(
                acc_sh.at[pl.ds(sid * rpt + k * rc, rc)],
                rows.at[0, pl.ds(0, rc)])
            pltpu.sync_copy(
                rows.at[0, pl.ds(0, rc)],
                out_hbm.at[pl.ds(cid * npad + sid * rpt + k * rc, rc)])

    return agg


def _transform_kernel(d0_ref, d1_ref, x_ref, w_ref, y_ref):
    deg = d0_ref[...] + d1_ref[...] + 2.0
    dinv = lax.rsqrt(deg)
    xw = jnp.dot(x_ref[...], w_ref[...], preferred_element_type=jnp.float32)
    y_ref[...] = dinv[:, None] * xw


def _final_kernel(d0_ref, d1_ref, a0_ref, a1_ref, y_ref, o_ref):
    deg = d0_ref[...] + d1_ref[...] + 2.0
    dinv = lax.rsqrt(deg)
    s = a0_ref[...] + a1_ref[...] + 2.0 * y_ref[...]
    o_ref[...] = jnp.maximum(dinv[:, None] * s, 0.0)


def kernel(x, edge_index, W):
    n, d_in = x.shape
    d_out = W.shape[1]
    e = edge_index.shape[1]

    npad = -(-n // (NS * CH)) * (NS * CH)
    ep = -(-e // (NW * CH)) * (NW * CH)
    rpt = npad // NS
    nch = ep // (NW * CH)

    ei = edge_index.astype(jnp.int32)
    if ep != e:
        pad_idx = jnp.full((2, ep - e), npad - 1, dtype=jnp.int32)
        ei = jnp.concatenate([ei, pad_idx], axis=1)
    eflat = ei.reshape(-1)

    rc = math.gcd(rpt, CH)
    ones_ch = jnp.ones((128,), jnp.float32)
    zeros_rpt = jnp.zeros((rpt,), jnp.float32)
    zeros_blk = jnp.zeros((rc, d_out), jnp.float32)

    degp = _hist_call(npad, ep, rpt)(ei, ones_ch, zeros_rpt)

    nb = -(-n // BLK)
    nshift = npad // BLK
    y = pl.pallas_call(
        _transform_kernel,
        grid=(nb,),
        in_specs=[
            pl.BlockSpec((BLK,), lambda i: (i,)),
            pl.BlockSpec((BLK,), lambda i: (i + nshift,)),
            pl.BlockSpec((BLK, d_in), lambda i: (i, 0)),
            pl.BlockSpec((d_in, d_out), lambda i: (0, 0)),
        ],
        out_specs=pl.BlockSpec((BLK, d_out), lambda i: (i, 0)),
        out_shape=jax.ShapeDtypeStruct((n, d_out), jnp.float32),
    )(degp, degp, x, W)

    aggp = _agg_call(npad, d_out, ep, rpt, nch)(eflat, y, zeros_blk)

    out = pl.pallas_call(
        _final_kernel,
        grid=(nb,),
        in_specs=[
            pl.BlockSpec((BLK,), lambda i: (i,)),
            pl.BlockSpec((BLK,), lambda i: (i + nshift,)),
            pl.BlockSpec((BLK, d_out), lambda i: (i, 0)),
            pl.BlockSpec((BLK, d_out), lambda i: (i + nshift, 0)),
            pl.BlockSpec((BLK, d_out), lambda i: (i, 0)),
        ],
        out_specs=pl.BlockSpec((BLK, d_out), lambda i: (i, 0)),
        out_shape=jax.ShapeDtypeStruct((n, d_out), jnp.float32),
    )(degp, degp, aggp, aggp, y)

    return out

# --- scband reference (transcript-rebuilt; emitter-appended) ---
"""Pipeline reference for scband-vgrnn-82660940579224 (READ-ONLY COPY).

The authoritative reference and input builder live on the scoring server;
editing this copy changes nothing except your own understanding.
"""

import jax, jax.numpy as jnp
import numpy as np
import math

N = 10000
E = 320000
D_IN = 128
D_OUT = 128


def setup_inputs(seed: int = 0) -> dict:
    key = jax.random.key(seed)
    k1, k2, k3 = jax.random.split(key, 3)
    x = jax.random.normal(k1, (N, D_IN), dtype=jnp.float32)
    edge_index = jax.random.randint(k2, (2, E), 0, N).astype(jnp.int64)
    stdv = math.sqrt(6.0 / (D_IN + D_OUT))
    W = jax.random.uniform(k3, (D_IN, D_OUT), minval=-stdv, maxval=stdv, dtype=jnp.float32)
    return {"x": x, "edge_index": edge_index, "W": W}


def reference(x, edge_index, W):
    # Faithful JAX translation of GCNConv.forward (improved=True, bias=False, act=relu),
    # the core message-passing op inside VGRNN.
    n = x.shape[0]
    e = edge_index.shape[1]
    edge_weight = jnp.ones((e,), dtype=x.dtype)
    # add self loops
    loop_index = jnp.arange(n, dtype=edge_index.dtype)
    ei = jnp.concatenate([edge_index, jnp.stack([loop_index, loop_index], axis=0)], axis=1)
    loop_weight = jnp.full((n,), 2.0, dtype=x.dtype)  # improved=True -> 2
    ew = jnp.concatenate([edge_weight, loop_weight], axis=0)
    row = ei[0]
    col = ei[1]
    # symmetric normalization
    deg = jax.ops.segment_sum(ew, row, num_segments=n)
    deg_inv = jnp.where(deg > 0, deg ** -0.5, 0.0)
    norm = deg_inv[row] * ew * deg_inv[col]
    # linear transform then propagate
    xw = jnp.matmul(x, W)
    # message: norm * x_j  (x_j gathered at edge_index[1])
    msg = norm[:, None] * jnp.take(xw, col, axis=0)
    # aggregate: scatter-add at edge_index[0]
    out = jax.ops.segment_sum(msg, row, num_segments=n)
    return jax.nn.relu(out)

if __name__ == "__main__":
    import jax
    _d = setup_inputs()
    print(jax.jit(kernel)(*tuple(_d.values())))

</pallas_src>

<mosaic_0001>
#map = affine_map<(d0, d1) -> (0, 0)>
#map1 = affine_map<(d0, d1) -> (0)>
module attributes {stable_mosaic.version = 14 : i64} {
  func.func @hist(%arg0: i32, %arg1: i32, %arg2: memref<2x320000xi32, #tpu.memory_space<hbm>>, %arg3: memref<128xf32, #tpu.memory_space<hbm>>, %arg4: memref<640xf32, #tpu.memory_space<hbm>>, %arg5: memref<20480xf32, #tpu.memory_space<hbm>>, %arg6: memref<4x2x128xi32, #tpu.memory_space<vmem>>, %arg7: memref<128xf32, #tpu.memory_space<vmem>>, %arg8: memref<640xf32, #tpu.memory_space<vmem>>, %arg9: memref<10240xf32, #tpu.memory_space<vmem_shared>>, %arg10: memref<!tpu.dma_semaphore, #tpu.memory_space<semaphore_mem>>, %arg11: memref<!tpu.dma_semaphore, #tpu.memory_space<semaphore_mem>>, %arg12: memref<!tpu.dma_semaphore, #tpu.memory_space<semaphore_mem>>, %arg13: memref<!tpu.dma_semaphore, #tpu.memory_space<semaphore_mem>>) attributes {dimension_semantics = [#tpu.dimension_semantics<core_parallel>, #tpu.dimension_semantics<subcore_parallel>], iteration_bounds = array<i64: 2, 16>, scalar_prefetch = 0 : i64, scratch_operands = 8 : i64, tpu.core_type = #tpu.core_type<sc_vector_subcore>, window_params = [{transform_indices = #map}, {transform_indices = #map1}, {transform_indices = #map1}, {transform_indices = #map1}]} {
    %mul3A = arith.constant 2 : i32
    %mul3A_0 = arith.muli %arg1, %mul3A : i32
    %add3A = arith.addi %mul3A_0, %arg0 : i32
    "tpu.region"() ({
      %run_scoped3A_25 = tpu.sem_alloc : memref<!tpu.dma_semaphore, #tpu.memory_space<semaphore_mem>>
      tpu.enqueue_dma source(%arg3 : memref<128xf32, #tpu.memory_space<hbm>>) target(%arg7 : memref<128xf32, #tpu.memory_space<vmem>>) target_semaphore(%run_scoped3A_25 : memref<!tpu.dma_semaphore, #tpu.memory_space<semaphore_mem>>)
      tpu.wait_dma2 semaphore(%run_scoped3A_25 : memref<!tpu.dma_semaphore, #tpu.memory_space<semaphore_mem>>) src(%arg3 : memref<128xf32, #tpu.memory_space<hbm>>) dst(%arg7 : memref<128xf32, #tpu.memory_space<vmem>>)
      tpu.yield
    }) : () -> ()
    "tpu.region"() ({
      %run_scoped3A_25 = tpu.sem_alloc : memref<!tpu.dma_semaphore, #tpu.memory_space<semaphore_mem>>
      tpu.enqueue_dma source(%arg4 : memref<640xf32, #tpu.memory_space<hbm>>) target(%arg8 : memref<640xf32, #tpu.memory_space<vmem>>) target_semaphore(%run_scoped3A_25 : memref<!tpu.dma_semaphore, #tpu.memory_space<semaphore_mem>>)
      tpu.wait_dma2 semaphore(%run_scoped3A_25 : memref<!tpu.dma_semaphore, #tpu.memory_space<semaphore_mem>>) src(%arg4 : memref<640xf32, #tpu.memory_space<hbm>>) dst(%arg8 : memref<640xf32, #tpu.memory_space<vmem>>)
      tpu.yield
    }) : () -> ()
    %mul3A_1 = arith.constant 640 : i32
    %mul3A_2 = arith.muli %arg1, %mul3A_1 : i32
    "tpu.region"() ({
      %run_scoped3A_25 = tpu.sem_alloc : memref<!tpu.dma_semaphore, #tpu.memory_space<semaphore_mem>>
      %dma_start3A = tpu.memref_slice %arg9[%mul3A_2] : memref<10240xf32, #tpu.memory_space<vmem_shared>> -> memref<640xf32, #tpu.memory_space<vmem_shared>>
      %dma_start3A_26 = tpu.memref_slice %arg9[%mul3A_2] : memref<10240xf32, #tpu.memory_space<vmem_shared>> -> memref<640xf32, #tpu.memory_space<vmem_shared>>
      tpu.enqueue_dma source(%arg8 : memref<640xf32, #tpu.memory_space<vmem>>) target(%dma_start3A_26 : memref<640xf32, #tpu.memory_space<vmem_shared>>) target_semaphore(%run_scoped3A_25 : memref<!tpu.dma_semaphore, #tpu.memory_space<semaphore_mem>>)
      %dma_wait3A = tpu.memref_slice %arg9[%mul3A_2] : memref<10240xf32, #tpu.memory_space<vmem_shared>> -> memref<640xf32, #tpu.memory_space<vmem_shared>>
      %dma_wait3A_27 = tpu.memref_slice %arg9[%mul3A_2] : memref<10240xf32, #tpu.memory_space<vmem_shared>> -> memref<640xf32, #tpu.memory_space<vmem_shared>>
      tpu.wait_dma2 semaphore(%run_scoped3A_25 : memref<!tpu.dma_semaphore, #tpu.memory_space<semaphore_mem>>) src(%arg8 : memref<640xf32, #tpu.memory_space<vmem>>) dst(%dma_wait3A_27 : memref<640xf32, #tpu.memory_space<vmem_shared>>)
      tpu.yield
    }) : () -> ()
    %barrier3A = arith.constant 0 : index
    tpu.barrier barrier_id(%barrier3A)
    %add3A_3 = arith.constant 0 : i32
    %add3A_4 = arith.addi %add3A, %add3A_3 : i32
    %mul3A_5 = arith.constant 128 : i32
    %mul3A_6 = arith.muli %add3A_4, %mul3A_5 : i32
    %run_scoped3A = arith.constant 0 : i32
    "tpu.region"() ({
      %run_scoped3A_25 = tpu.sem_alloc : memref<!tpu.dma_semaphore, #tpu.memory_space<semaphore_mem>>
      %dma_start3A = arith.constant 0 : i32
      %dma_start3A_26 = arith.constant 0 : i32
      %dma_start3A_27 = tpu.memref_slice %arg6[%run_scoped3A, %dma_start3A, %dma_start3A_26] : memref<4x2x128xi32, #tpu.memory_space<vmem>> -> memref<1x2x128xi32, #tpu.memory_space<vmem>>
      %dma_start3A_28 = tpu.memref_squeeze %dma_start3A_27 : memref<1x2x128xi32, #tpu.memory_space<vmem>> -> memref<2x128xi32, #tpu.memory_space<vmem>>
      %dma_start3A_29 = arith.constant 0 : i32
      %dma_start3A_30 = tpu.memref_slice %arg2[%dma_start3A_29, %mul3A_6] : memref<2x320000xi32, #tpu.memory_space<hbm>> -> memref<2x128xi32, #tpu.memory_space<hbm>>
      %dma_start3A_31 = arith.constant 0 : i32
      %dma_start3A_32 = arith.constant 0 : i32
      %dma_start3A_33 = tpu.memref_slice %arg6[%run_scoped3A, %dma_start3A_31, %dma_start3A_32] : memref<4x2x128xi32, #tpu.memory_space<vmem>> -> memref<1x2x128xi32, #tpu.memory_space<vmem>>
      %dma_start3A_34 = tpu.memref_squeeze %dma_start3A_33 : memref<1x2x128xi32, #tpu.memory_space<vmem>> -> memref<2x128xi32, #tpu.memory_space<vmem>>
      %dma_start3A_35 = arith.constant 0 : i32
      %dma_start3A_36 = tpu.memref_slice %arg2[%dma_start3A_35, %mul3A_6] : memref<2x320000xi32, #tpu.memory_space<hbm>> -> memref<2x128xi32, #tpu.memory_space<hbm>>
      tpu.enqueue_dma source(%dma_start3A_36 : memref<2x128xi32, #tpu.memory_space<hbm>>) target(%dma_start3A_34 : memref<2x128xi32, #tpu.memory_space<vmem>>) target_semaphore(%run_scoped3A_25 : memref<!tpu.dma_semaphore, #tpu.memory_space<semaphore_mem>>)
      %dma_wait3A = arith.constant 0 : i32
      %dma_wait3A_37 = arith.constant 0 : i32
      %dma_wait3A_38 = tpu.memref_slice %arg6[%run_scoped3A, %dma_wait3A, %dma_wait3A_37] : memref<4x2x128xi32, #tpu.memory_space<vmem>> -> memref<1x2x128xi32, #tpu.memory_space<vmem>>
      %dma_wait3A_39 = tpu.memref_squeeze %dma_wait3A_38 : memref<1x2x128xi32, #tpu.memory_space<vmem>> -> memref<2x128xi32, #tpu.memory_space<vmem>>
      %dma_wait3A_40 = arith.constant 0 : i32
      %dma_wait3A_41 = tpu.memref_slice %arg2[%dma_wait3A_40, %mul3A_6] : memref<2x320000xi32, #tpu.memory_space<hbm>> -> memref<2x128xi32, #tpu.memory_space<hbm>>
      %dma_wait3A_42 = arith.constant 0 : i32
      %dma_wait3A_43 = arith.constant 0 : i32
      %dma_wait3A_44 = tpu.memref_slice %arg6[%run_scoped3A, %dma_wait3A_42, %dma_wait3A_43] : memref<4x2x128xi32, #tpu.memory_space<vmem>> -> memref<1x2x128xi32, #tpu.memory_space<vmem>>
      %dma_wait3A_45 = tpu.memref_squeeze %dma_wait3A_44 : memref<1x2x128xi32, #tpu.memory_space<vmem>> -> memref<2x128xi32, #tpu.memory_space<vmem>>
      %dma_wait3A_46 = arith.constant 0 : i32
      %dma_wait3A_47 = tpu.memref_slice %arg2[%dma_wait3A_46, %mul3A_6] : memref<2x320000xi32, #tpu.memory_space<hbm>> -> memref<2x128xi32, #tpu.memory_space<hbm>>
      tpu.wait_dma2 semaphore(%run_scoped3A_25 : memref<!tpu.dma_semaphore, #tpu.memory_space<semaphore_mem>>) src(%dma_wait3A_47 : memref<2x128xi32, #tpu.memory_space<hbm>>) dst(%dma_wait3A_45 : memref<2x128xi32, #tpu.memory_space<vmem>>)
      tpu.yield
    }) : () -> ()
    %add3A_7 = arith.constant 32 : i32
    %add3A_8 = arith.addi %add3A, %add3A_7 : i32
    %mul3A_9 = arith.constant 128 : i32
    %mul3A_10 = arith.muli %add3A_8, %mul3A_9 : i32
    %run_scoped3A_11 = arith.constant 1 : i32
    "tpu.region"() ({
      %run_scoped3A_25 = tpu.sem_alloc : memref<!tpu.dma_semaphore, #tpu.memory_space<semaphore_mem>>
      %dma_start3A = arith.constant 0 : i32
      %dma_start3A_26 = arith.constant 0 : i32
      %dma_start3A_27 = tpu.memref_slice %arg6[%run_scoped3A_11, %dma_start3A, %dma_start3A_26] : memref<4x2x128xi32, #tpu.memory_space<vmem>> -> memref<1x2x128xi32, #tpu.memory_space<vmem>>
      %dma_start3A_28 = tpu.memref_squeeze %dma_start3A_27 : memref<1x2x128xi32, #tpu.memory_space<vmem>> -> memref<2x128xi32, #tpu.memory_space<vmem>>
      %dma_start3A_29 = arith.constant 0 : i32
      %dma_start3A_30 = tpu.memref_slice %arg2[%dma_start3A_29, %mul3A_10] : memref<2x320000xi32, #tpu.memory_space<hbm>> -> memref<2x128xi32, #tpu.memory_space<hbm>>
      %dma_start3A_31 = arith.constant 0 : i32
      %dma_start3A_32 = arith.constant 0 : i32
      %dma_start3A_33 = tpu.memref_slice %arg6[%run_scoped3A_11, %dma_start3A_31, %dma_start3A_32] : memref<4x2x128xi32, #tpu.memory_space<vmem>> -> memref<1x2x128xi32, #tpu.memory_space<vmem>>
      %dma_start3A_34 = tpu.memref_squeeze %dma_start3A_33 : memref<1x2x128xi32, #tpu.memory_space<vmem>> -> memref<2x128xi32, #tpu.memory_space<vmem>>
      %dma_start3A_35 = arith.constant 0 : i32
      %dma_start3A_36 = tpu.memref_slice %arg2[%dma_start3A_35, %mul3A_10] : memref<2x320000xi32, #tpu.memory_space<hbm>> -> memref<2x128xi32, #tpu.memory_space<hbm>>
      tpu.enqueue_dma source(%dma_start3A_36 : memref<2x128xi32, #tpu.memory_space<hbm>>) target(%dma_start3A_34 : memref<2x128xi32, #tpu.memory_space<vmem>>) target_semaphore(%run_scoped3A_25 : memref<!tpu.dma_semaphore, #tpu.memory_space<semaphore_mem>>)
      %dma_wait3A = arith.constant 0 : i32
      %dma_wait3A_37 = arith.constant 0 : i32
      %dma_wait3A_38 = tpu.memref_slice %arg6[%run_scoped3A_11, %dma_wait3A, %dma_wait3A_37] : memref<4x2x128xi32, #tpu.memory_space<vmem>> -> memref<1x2x128xi32, #tpu.memory_space<vmem>>
      %dma_wait3A_39 = tpu.memref_squeeze %dma_wait3A_38 : memref<1x2x128xi32, #tpu.memory_space<vmem>> -> memref<2x128xi32, #tpu.memory_space<vmem>>
      %dma_wait3A_40 = arith.constant 0 : i32
      %dma_wait3A_41 = tpu.memref_slice %arg2[%dma_wait3A_40, %mul3A_10] : memref<2x320000xi32, #tpu.memory_space<hbm>> -> memref<2x128xi32, #tpu.memory_space<hbm>>
      %dma_wait3A_42 = arith.constant 0 : i32
      %dma_wait3A_43 = arith.constant 0 : i32
      %dma_wait3A_44 = tpu.memref_slice %arg6[%run_scoped3A_11, %dma_wait3A_42, %dma_wait3A_43] : memref<4x2x128xi32, #tpu.memory_space<vmem>> -> memref<1x2x128xi32, #tpu.memory_space<vmem>>
      %dma_wait3A_45 = tpu.memref_squeeze %dma_wait3A_44 : memref<1x2x128xi32, #tpu.memory_space<vmem>> -> memref<2x128xi32, #tpu.memory_space<vmem>>
      %dma_wait3A_46 = arith.constant 0 : i32
      %dma_wait3A_47 = tpu.memref_slice %arg2[%dma_wait3A_46, %mul3A_10] : memref<2x320000xi32, #tpu.memory_space<hbm>> -> memref<2x128xi32, #tpu.memory_space<hbm>>
      tpu.wait_dma2 semaphore(%run_scoped3A_25 : memref<!tpu.dma_semaphore, #tpu.memory_space<semaphore_mem>>) src(%dma_wait3A_47 : memref<2x128xi32, #tpu.memory_space<hbm>>) dst(%dma_wait3A_45 : memref<2x128xi32, #tpu.memory_space<vmem>>)
      tpu.yield
    }) : () -> ()
    %scan3A = arith.constant 0 : i32
    %scan3A_12 = arith.constant 0 : i32
    %scan3A_13 = arith.constant 20 : i32
    %scan3A_14 = arith.addi %scan3A_12, %scan3A_13 : i32
    %scan3A_15 = arith.constant 1 : i32
    scf.for %scan3A_25 = %scan3A_12 to %scan3A_14 step %scan3A_15  : i32 {
      %mul3A_26 = arith.constant 4 : i32
      %mul3A_27 = arith.muli %scan3A_25, %mul3A_26 : i32
      %add3A_28 = arith.constant 0 : i32
      %add3A_29 = arith.addi %mul3A_27, %add3A_28 : i32
      %add3A_30 = arith.constant 2 : i32
      %add3A_31 = arith.addi %add3A_29, %add3A_30 : i32
      %mul3A_32 = arith.constant 32 : i32
      %mul3A_33 = arith.muli %mul3A_32, %add3A_31 : i32
      %add3A_34 = arith.addi %add3A, %mul3A_33 : i32
      %lt3A = arith.constant 2500 : i32
      %lt3A_35 = arith.cmpi slt, %add3A_34, %lt3A : i32
      %convert_element_type3A = arith.extui %lt3A_35 : i1 to i32
      %cond3A = arith.constant 0 : i32
      %cond3A_36 = arith.cmpi ne, %convert_element_type3A, %cond3A : i32
      scf.if %cond3A_36 {
        %add3A_111 = arith.constant 2 : i32
        %add3A_112 = arith.addi %add3A_29, %add3A_111 : i32
        %mul3A_113 = arith.constant 32 : i32
        %mul3A_114 = arith.muli %mul3A_113, %add3A_112 : i32
        %add3A_115 = arith.addi %add3A, %mul3A_114 : i32
        %mul3A_116 = arith.constant 128 : i32
        %mul3A_117 = arith.muli %add3A_115, %mul3A_116 : i32
        %dma_start3A = arith.constant 2 : i32
        %dma_start3A_118 = arith.constant 0 : i32
        %dma_start3A_119 = arith.constant 0 : i32
        %dma_start3A_120 = tpu.memref_slice %arg6[%dma_start3A, %dma_start3A_118, %dma_start3A_119] : memref<4x2x128xi32, #tpu.memory_space<vmem>> -> memref<1x2x128xi32, #tpu.memory_space<vmem>>
        %dma_start3A_121 = tpu.memref_squeeze %dma_start3A_120 : memref<1x2x128xi32, #tpu.memory_space<vmem>> -> memref<2x128xi32, #tpu.memory_space<vmem>>
        %dma_start3A_122 = arith.constant 0 : i32
        %dma_start3A_123 = tpu.memref_slice %arg2[%dma_start3A_122, %mul3A_117] : memref<2x320000xi32, #tpu.memory_space<hbm>> -> memref<2x128xi32, #tpu.memory_space<hbm>>
        %dma_start3A_124 = arith.constant 0 : i32
        %dma_start3A_125 = arith.constant 0 : i32
        %dma_start3A_126 = tpu.memref_slice %arg6[%dma_start3A, %dma_start3A_124, %dma_start3A_125] : memref<4x2x128xi32, #tpu.memory_space<vmem>> -> memref<1x2x128xi32, #tpu.memory_space<vmem>>
        %dma_start3A_127 = tpu.memref_squeeze %dma_start3A_126 : memref<1x2x128xi32, #tpu.memory_space<vmem>> -> memref<2x128xi32, #tpu.memory_space<vmem>>
        %dma_start3A_128 = arith.constant 0 : i32
        %dma_start3A_129 = tpu.memref_slice %arg2[%dma_start3A_128, %mul3A_117] : memref<2x320000xi32, #tpu.memory_space<hbm>> -> memref<2x128xi32, #tpu.memory_space<hbm>>
        tpu.enqueue_dma source(%dma_start3A_129 : memref<2x128xi32, #tpu.memory_space<hbm>>) target(%dma_start3A_127 : memref<2x128xi32, #tpu.memory_space<vmem>>) target_semaphore(%arg12 : memref<!tpu.dma_semaphore, #tpu.memory_space<semaphore_mem>>)
      } else {
      }
      %mul3A_37 = arith.constant 32 : i32
      %mul3A_38 = arith.muli %mul3A_37, %add3A_29 : i32
      %add3A_39 = arith.addi %add3A, %mul3A_38 : i32
      %lt3A_40 = arith.constant 2500 : i32
      %lt3A_41 = arith.cmpi slt, %add3A_39, %lt3A_40 : i32
      %convert_element_type3A_42 = arith.extui %lt3A_41 : i1 to i32
      %cond3A_43 = arith.constant 0 : i32
      %cond3A_44 = arith.cmpi ne, %convert_element_type3A_42, %cond3A_43 : i32
      scf.if %cond3A_44 {
        %gt3A = arith.constant 0 : i32
        %gt3A_111 = arith.cmpi sgt, %scan3A_25, %gt3A : i32
        %convert_element_type3A_112 = arith.extui %gt3A_111 : i1 to i32
        %cond3A_113 = arith.constant 0 : i32
        %cond3A_114 = arith.cmpi ne, %convert_element_type3A_112, %cond3A_113 : i32
        scf.if %cond3A_114 {
          %dma_wait3A = arith.constant 0 : i32
          %dma_wait3A_117 = arith.constant 0 : i32
          %dma_wait3A_118 = arith.constant 0 : i32
          %dma_wait3A_119 = tpu.memref_slice %arg6[%dma_wait3A, %dma_wait3A_117, %dma_wait3A_118] : memref<4x2x128xi32, #tpu.memory_space<vmem>> -> memref<1x2x128xi32, #tpu.memory_space<vmem>>
          %dma_wait3A_120 = tpu.memref_squeeze %dma_wait3A_119 : memref<1x2x128xi32, #tpu.memory_space<vmem>> -> memref<2x128xi32, #tpu.memory_space<vmem>>
          %dma_wait3A_121 = arith.constant 0 : i32
          %dma_wait3A_122 = arith.constant 0 : i32
          %dma_wait3A_123 = tpu.memref_slice %arg2[%dma_wait3A_121, %dma_wait3A_122] : memref<2x320000xi32, #tpu.memory_space<hbm>> -> memref<2x128xi32, #tpu.memory_space<hbm>>
          %dma_wait3A_124 = arith.constant 0 : i32
          %dma_wait3A_125 = arith.constant 0 : i32
          %dma_wait3A_126 = tpu.memref_slice %arg6[%dma_wait3A, %dma_wait3A_124, %dma_wait3A_125] : memref<4x2x128xi32, #tpu.memory_space<vmem>> -> memref<1x2x128xi32, #tpu.memory_space<vmem>>
          %dma_wait3A_127 = tpu.memref_squeeze %dma_wait3A_126 : memref<1x2x128xi32, #tpu.memory_space<vmem>> -> memref<2x128xi32, #tpu.memory_space<vmem>>
          %dma_wait3A_128 = arith.constant 0 : i32
          %dma_wait3A_129 = arith.constant 0 : i32
          %dma_wait3A_130 = tpu.memref_slice %arg2[%dma_wait3A_128, %dma_wait3A_129] : memref<2x320000xi32, #tpu.memory_space<hbm>> -> memref<2x128xi32, #tpu.memory_space<hbm>>
          tpu.wait_dma2 semaphore(%arg10 : memref<!tpu.dma_semaphore, #tpu.memory_space<semaphore_mem>>) src(%dma_wait3A_130 : memref<2x128xi32, #tpu.memory_space<hbm>>) dst(%dma_wait3A_127 : memref<2x128xi32, #tpu.memory_space<vmem>>)
        } else {
        }
        %run_scoped3A_115 = arith.constant 0 : i32
        %run_scoped3A_116 = arith.constant 0 : i32
        "tpu.region"() ({
          %run_scoped3A_117 = tpu.sem_alloc : memref<!tpu.dma_semaphore, #tpu.memory_space<semaphore_mem>>
          %dma_start3A = arith.constant 0 : i32
          %dma_start3A_118 = tpu.memref_slice %arg6[%run_scoped3A_115, %run_scoped3A_116, %dma_start3A] : memref<4x2x128xi32, #tpu.memory_space<vmem>> -> memref<1x1x128xi32, #tpu.memory_space<vmem>>
          %dma_start3A_119 = tpu.memref_squeeze %dma_start3A_118 : memref<1x1x128xi32, #tpu.memory_space<vmem>> -> memref<128xi32, #tpu.memory_space<vmem>>
          %dma_start3A_120 = arith.constant 0 : i32
          %dma_start3A_121 = tpu.memref_slice %arg9[%dma_start3A_120] : memref<10240xf32, #tpu.memory_space<vmem_shared>> -> memref<10240xf32, #tpu.memory_space<vmem_shared>>
          tpu.enqueue_indirect_dma source(%arg7 : memref<128xf32, #tpu.memory_space<vmem>>) target(%dma_start3A_121 : memref<10240xf32, #tpu.memory_space<vmem_shared>>) offsets(%dma_start3A_119 : memref<128xi32, #tpu.memory_space<vmem>>) semaphore(%run_scoped3A_117 : memref<!tpu.dma_semaphore, #tpu.memory_space<semaphore_mem>>) {add = true}
          %dma_wait3A = arith.constant 0 : i32
          %dma_wait3A_122 = tpu.memref_slice %arg6[%run_scoped3A_115, %run_scoped3A_116, %dma_wait3A] : memref<4x2x128xi32, #tpu.memory_space<vmem>> -> memref<1x1x128xi32, #tpu.memory_space<vmem>>
          %dma_wait3A_123 = tpu.memref_squeeze %dma_wait3A_122 : memref<1x1x128xi32, #tpu.memory_space<vmem>> -> memref<128xi32, #tpu.memory_space<vmem>>
          %dma_wait3A_124 = arith.constant 0 : i32
          %dma_wait3A_125 = tpu.memref_slice %arg9[%dma_wait3A_124] : memref<10240xf32, #tpu.memory_space<vmem_shared>> -> memref<10240xf32, #tpu.memory_space<vmem_shared>>
          tpu.wait_indirect_dma semaphore(%run_scoped3A_117 : memref<!tpu.dma_semaphore, #tpu.memory_space<semaphore_mem>>) src(%arg7 : memref<128xf32, #tpu.memory_space<vmem>>) dst(%dma_wait3A_125 : memref<10240xf32, #tpu.memory_space<vmem_shared>>)
          tpu.yield
        }) : () -> ()
      } else {
      }
      %mul3A_45 = arith.constant 4 : i32
      %mul3A_46 = arith.muli %scan3A_25, %mul3A_45 : i32
      %add3A_47 = arith.constant 1 : i32
      %add3A_48 = arith.addi %mul3A_46, %add3A_47 : i32
      %add3A_49 = arith.constant 2 : i32
      %add3A_50 = arith.addi %add3A_48, %add3A_49 : i32
      %mul3A_51 = arith.constant 32 : i32
      %mul3A_52 = arith.muli %mul3A_51, %add3A_50 : i32
      %add3A_53 = arith.addi %add3A, %mul3A_52 : i32
      %lt3A_54 = arith.constant 2500 : i32
      %lt3A_55 = arith.cmpi slt, %add3A_53, %lt3A_54 : i32
      %convert_element_type3A_56 = arith.extui %lt3A_55 : i1 to i32
      %cond3A_57 = arith.constant 0 : i32
      %cond3A_58 = arith.cmpi ne, %convert_element_type3A_56, %cond3A_57 : i32
      scf.if %cond3A_58 {
        %add3A_111 = arith.constant 2 : i32
        %add3A_112 = arith.addi %add3A_48, %add3A_111 : i32
        %mul3A_113 = arith.constant 32 : i32
        %mul3A_114 = arith.muli %mul3A_113, %add3A_112 : i32
        %add3A_115 = arith.addi %add3A, %mul3A_114 : i32
        %mul3A_116 = arith.constant 128 : i32
        %mul3A_117 = arith.muli %add3A_115, %mul3A_116 : i32
        %dma_start3A = arith.constant 3 : i32
        %dma_start3A_118 = arith.constant 0 : i32
        %dma_start3A_119 = arith.constant 0 : i32
        %dma_start3A_120 = tpu.memref_slice %arg6[%dma_start3A, %dma_start3A_118, %dma_start3A_119] : memref<4x2x128xi32, #tpu.memory_space<vmem>> -> memref<1x2x128xi32, #tpu.memory_space<vmem>>
        %dma_start3A_121 = tpu.memref_squeeze %dma_start3A_120 : memref<1x2x128xi32, #tpu.memory_space<vmem>> -> memref<2x128xi32, #tpu.memory_space<vmem>>
        %dma_start3A_122 = arith.constant 0 : i32
        %dma_start3A_123 = tpu.memref_slice %arg2[%dma_start3A_122, %mul3A_117] : memref<2x320000xi32, #tpu.memory_space<hbm>> -> memref<2x128xi32, #tpu.memory_space<hbm>>
        %dma_start3A_124 = arith.constant 0 : i32
        %dma_start3A_125 = arith.constant 0 : i32
        %dma_start3A_126 = tpu.memref_slice %arg6[%dma_start3A, %dma_start3A_124, %dma_start3A_125] : memref<4x2x128xi32, #tpu.memory_space<vmem>> -> memref<1x2x128xi32, #tpu.memory_space<vmem>>
        %dma_start3A_127 = tpu.memref_squeeze %dma_start3A_126 : memref<1x2x128xi32, #tpu.memory_space<vmem>> -> memref<2x128xi32, #tpu.memory_space<vmem>>
        %dma_start3A_128 = arith.constant 0 : i32
        %dma_start3A_129 = tpu.memref_slice %arg2[%dma_start3A_128, %mul3A_117] : memref<2x320000xi32, #tpu.memory_space<hbm>> -> memref<2x128xi32, #tpu.memory_space<hbm>>
        tpu.enqueue_dma source(%dma_start3A_129 : memref<2x128xi32, #tpu.memory_space<hbm>>) target(%dma_start3A_127 : memref<2x128xi32, #tpu.memory_space<vmem>>) target_semaphore(%arg13 : memref<!tpu.dma_semaphore, #tpu.memory_space<semaphore_mem>>)
      } else {
      }
      %mul3A_59 = arith.constant 32 : i32
      %mul3A_60 = arith.muli %mul3A_59, %add3A_48 : i32
      %add3A_61 = arith.addi %add3A, %mul3A_60 : i32
      %lt3A_62 = arith.constant 2500 : i32
      %lt3A_63 = arith.cmpi slt, %add3A_61, %lt3A_62 : i32
      %convert_element_type3A_64 = arith.extui %lt3A_63 : i1 to i32
      %cond3A_65 = arith.constant 0 : i32
      %cond3A_66 = arith.cmpi ne, %convert_element_type3A_64, %cond3A_65 : i32
      scf.if %cond3A_66 {
        %gt3A = arith.constant 0 : i32
        %gt3A_111 = arith.cmpi sgt, %scan3A_25, %gt3A : i32
        %convert_element_type3A_112 = arith.extui %gt3A_111 : i1 to i32
        %cond3A_113 = arith.constant 0 : i32
        %cond3A_114 = arith.cmpi ne, %convert_element_type3A_112, %cond3A_113 : i32
        scf.if %cond3A_114 {
          %dma_wait3A = arith.constant 1 : i32
          %dma_wait3A_117 = arith.constant 0 : i32
          %dma_wait3A_118 = arith.constant 0 : i32
          %dma_wait3A_119 = tpu.memref_slice %arg6[%dma_wait3A, %dma_wait3A_117, %dma_wait3A_118] : memref<4x2x128xi32, #tpu.memory_space<vmem>> -> memref<1x2x128xi32, #tpu.memory_space<vmem>>
          %dma_wait3A_120 = tpu.memref_squeeze %dma_wait3A_119 : memref<1x2x128xi32, #tpu.memory_space<vmem>> -> memref<2x128xi32, #tpu.memory_space<vmem>>
          %dma_wait3A_121 = arith.constant 0 : i32
          %dma_wait3A_122 = arith.constant 0 : i32
          %dma_wait3A_123 = tpu.memref_slice %arg2[%dma_wait3A_121, %dma_wait3A_122] : memref<2x320000xi32, #tpu.memory_space<hbm>> -> memref<2x128xi32, #tpu.memory_space<hbm>>
          %dma_wait3A_124 = arith.constant 0 : i32
          %dma_wait3A_125 = arith.constant 0 : i32
          %dma_wait3A_126 = tpu.memref_slice %arg6[%dma_wait3A, %dma_wait3A_124, %dma_wait3A_125] : memref<4x2x128xi32, #tpu.memory_space<vmem>> -> memref<1x2x128xi32, #tpu.memory_space<vmem>>
          %dma_wait3A_127 = tpu.memref_squeeze %dma_wait3A_126 : memref<1x2x128xi32, #tpu.memory_space<vmem>> -> memref<2x128xi32, #tpu.memory_space<vmem>>
          %dma_wait3A_128 = arith.constant 0 : i32
          %dma_wait3A_129 = arith.constant 0 : i32
          %dma_wait3A_130 = tpu.memref_slice %arg2[%dma_wait3A_128, %dma_wait3A_129] : memref<2x320000xi32, #tpu.memory_space<hbm>> -> memref<2x128xi32, #tpu.memory_space<hbm>>
          tpu.wait_dma2 semaphore(%arg11 : memref<!tpu.dma_semaphore, #tpu.memory_space<semaphore_mem>>) src(%dma_wait3A_130 : memref<2x128xi32, #tpu.memory_space<hbm>>) dst(%dma_wait3A_127 : memref<2x128xi32, #tpu.memory_space<vmem>>)
        } else {
        }
        %run_scoped3A_115 = arith.constant 1 : i32
        %run_scoped3A_116 = arith.constant 0 : i32
        "tpu.region"() ({
          %run_scoped3A_117 = tpu.sem_alloc : memref<!tpu.dma_semaphore, #tpu.memory_space<semaphore_mem>>
          %dma_start3A = arith.constant 0 : i32
          %dma_start3A_118 = tpu.memref_slice %arg6[%run_scoped3A_115, %run_scoped3A_116, %dma_start3A] : memref<4x2x128xi32, #tpu.memory_space<vmem>> -> memref<1x1x128xi32, #tpu.memory_space<vmem>>
          %dma_start3A_119 = tpu.memref_squeeze %dma_start3A_118 : memref<1x1x128xi32, #tpu.memory_space<vmem>> -> memref<128xi32, #tpu.memory_space<vmem>>
          %dma_start3A_120 = arith.constant 0 : i32
          %dma_start3A_121 = tpu.memref_slice %arg9[%dma_start3A_120] : memref<10240xf32, #tpu.memory_space<vmem_shared>> -> memref<10240xf32, #tpu.memory_space<vmem_shared>>
          tpu.enqueue_indirect_dma source(%arg7 : memref<128xf32, #tpu.memory_space<vmem>>) target(%dma_start3A_121 : memref<10240xf32, #tpu.memory_space<vmem_shared>>) offsets(%dma_start3A_119 : memref<128xi32, #tpu.memory_space<vmem>>) semaphore(%run_scoped3A_117 : memref<!tpu.dma_semaphore, #tpu.memory_space<semaphore_mem>>) {add = true}
          %dma_wait3A = arith.constant 0 : i32
          %dma_wait3A_122 = tpu.memref_slice %arg6[%run_scoped3A_115, %run_scoped3A_116, %dma_wait3A] : memref<4x2x128xi32, #tpu.memory_space<vmem>> -> memref<1x1x128xi32, #tpu.memory_space<vmem>>
          %dma_wait3A_123 = tpu.memref_squeeze %dma_wait3A_122 : memref<1x1x128xi32, #tpu.memory_space<vmem>> -> memref<128xi32, #tpu.memory_space<vmem>>
          %dma_wait3A_124 = arith.constant 0 : i32
          %dma_wait3A_125 = tpu.memref_slice %arg9[%dma_wait3A_124] : memref<10240xf32, #tpu.memory_space<vmem_shared>> -> memref<10240xf32, #tpu.memory_space<vmem_shared>>
          tpu.wait_indirect_dma semaphore(%run_scoped3A_117 : memref<!tpu.dma_semaphore, #tpu.memory_space<semaphore_mem>>) src(%arg7 : memref<128xf32, #tpu.memory_space<vmem>>) dst(%dma_wait3A_125 : memref<10240xf32, #tpu.memory_space<vmem_shared>>)
          tpu.yield
        }) : () -> ()
      } else {
      }
      %mul3A_67 = arith.constant 4 : i32
      %mul3A_68 = arith.muli %scan3A_25, %mul3A_67 : i32
      %add3A_69 = arith.constant 2 : i32
      %add3A_70 = arith.addi %mul3A_68, %add3A_69 : i32
      %add3A_71 = arith.constant 2 : i32
      %add3A_72 = arith.addi %add3A_70, %add3A_71 : i32
      %mul3A_73 = arith.constant 32 : i32
      %mul3A_74 = arith.muli %mul3A_73, %add3A_72 : i32
      %add3A_75 = arith.addi %add3A, %mul3A_74 : i32
      %lt3A_76 = arith.constant 2500 : i32
      %lt3A_77 = arith.cmpi slt, %add3A_75, %lt3A_76 : i32
      %convert_element_type3A_78 = arith.extui %lt3A_77 : i1 to i32
      %cond3A_79 = arith.constant 0 : i32
      %cond3A_80 = arith.cmpi ne, %convert_element_type3A_78, %cond3A_79 : i32
      scf.if %cond3A_80 {
        %add3A_111 = arith.constant 2 : i32
        %add3A_112 = arith.addi %add3A_70, %add3A_111 : i32
        %mul3A_113 = arith.constant 32 : i32
        %mul3A_114 = arith.muli %mul3A_113, %add3A_112 : i32
        %add3A_115 = arith.addi %add3A, %mul3A_114 : i32
        %mul3A_116 = arith.constant 128 : i32
        %mul3A_117 = arith.muli %add3A_115, %mul3A_116 : i32
        %dma_start3A = arith.constant 0 : i32
        %dma_start3A_118 = arith.constant 0 : i32
        %dma_start3A_119 = arith.constant 0 : i32
        %dma_start3A_120 = tpu.memref_slice %arg6[%dma_start3A, %dma_start3A_118, %dma_start3A_119] : memref<4x2x128xi32, #tpu.memory_space<vmem>> -> memref<1x2x128xi32, #tpu.memory_space<vmem>>
        %dma_start3A_121 = tpu.memref_squeeze %dma_start3A_120 : memref<1x2x128xi32, #tpu.memory_space<vmem>> -> memref<2x128xi32, #tpu.memory_space<vmem>>
        %dma_start3A_122 = arith.constant 0 : i32
        %dma_start3A_123 = tpu.memref_slice %arg2[%dma_start3A_122, %mul3A_117] : memref<2x320000xi32, #tpu.memory_space<hbm>> -> memref<2x128xi32, #tpu.memory_space<hbm>>
        %dma_start3A_124 = arith.constant 0 : i32
        %dma_start3A_125 = arith.constant 0 : i32
        %dma_start3A_126 = tpu.memref_slice %arg6[%dma_start3A, %dma_start3A_124, %dma_start3A_125] : memref<4x2x128xi32, #tpu.memory_space<vmem>> -> memref<1x2x128xi32, #tpu.memory_space<vmem>>
        %dma_start3A_127 = tpu.memref_squeeze %dma_start3A_126 : memref<1x2x128xi32, #tpu.memory_space<vmem>> -> memref<2x128xi32, #tpu.memory_space<vmem>>
        %dma_start3A_128 = arith.constant 0 : i32
        %dma_start3A_129 = tpu.memref_slice %arg2[%dma_start3A_128, %mul3A_117] : memref<2x320000xi32, #tpu.memory_space<hbm>> -> memref<2x128xi32, #tpu.memory_space<hbm>>
        tpu.enqueue_dma source(%dma_start3A_129 : memref<2x128xi32, #tpu.memory_space<hbm>>) target(%dma_start3A_127 : memref<2x128xi32, #tpu.memory_space<vmem>>) target_semaphore(%arg10 : memref<!tpu.dma_semaphore, #tpu.memory_space<semaphore_mem>>)
      } else {
      }
      %mul3A_81 = arith.constant 32 : i32
      %mul3A_82 = arith.muli %mul3A_81, %add3A_70 : i32
      %add3A_83 = arith.addi %add3A, %mul3A_82 : i32
      %lt3A_84 = arith.constant 2500 : i32
      %lt3A_85 = arith.cmpi slt, %add3A_83, %lt3A_84 : i32
      %convert_element_type3A_86 = arith.extui %lt3A_85 : i1 to i32
      %cond3A_87 = arith.constant 0 : i32
      %cond3A_88 = arith.cmpi ne, %convert_element_type3A_86, %cond3A_87 : i32
      scf.if %cond3A_88 {
        %dma_wait3A = arith.constant 2 : i32
        %dma_wait3A_111 = arith.constant 0 : i32
        %dma_wait3A_112 = arith.constant 0 : i32
        %dma_wait3A_113 = tpu.memref_slice %arg6[%dma_wait3A, %dma_wait3A_111, %dma_wait3A_112] : memref<4x2x128xi32, #tpu.memory_space<vmem>> -> memref<1x2x128xi32, #tpu.memory_space<vmem>>
        %dma_wait3A_114 = tpu.memref_squeeze %dma_wait3A_113 : memref<1x2x128xi32, #tpu.memory_space<vmem>> -> memref<2x128xi32, #tpu.memory_space<vmem>>
        %dma_wait3A_115 = arith.constant 0 : i32
        %dma_wait3A_116 = arith.constant 0 : i32
        %dma_wait3A_117 = tpu.memref_slice %arg2[%dma_wait3A_115, %dma_wait3A_116] : memref<2x320000xi32, #tpu.memory_space<hbm>> -> memref<2x128xi32, #tpu.memory_space<hbm>>
        %dma_wait3A_118 = arith.constant 0 : i32
        %dma_wait3A_119 = arith.constant 0 : i32
        %dma_wait3A_120 = tpu.memref_slice %arg6[%dma_wait3A, %dma_wait3A_118, %dma_wait3A_119] : memref<4x2x128xi32, #tpu.memory_space<vmem>> -> memref<1x2x128xi32, #tpu.memory_space<vmem>>
        %dma_wait3A_121 = tpu.memref_squeeze %dma_wait3A_120 : memref<1x2x128xi32, #tpu.memory_space<vmem>> -> memref<2x128xi32, #tpu.memory_space<vmem>>
        %dma_wait3A_122 = arith.constant 0 : i32
        %dma_wait3A_123 = arith.constant 0 : i32
        %dma_wait3A_124 = tpu.memref_slice %arg2[%dma_wait3A_122, %dma_wait3A_123] : memref<2x320000xi32, #tpu.memory_space<hbm>> -> memref<2x128xi32, #tpu.memory_space<hbm>>
        tpu.wait_dma2 semaphore(%arg12 : memref<!tpu.dma_semaphore, #tpu.memory_space<semaphore_mem>>) src(%dma_wait3A_124 : memref<2x128xi32, #tpu.memory_space<hbm>>) dst(%dma_wait3A_121 : memref<2x128xi32, #tpu.memory_space<vmem>>)
        %run_scoped3A_125 = arith.constant 2 : i32
        %run_scoped3A_126 = arith.constant 0 : i32
        "tpu.region"() ({
          %run_scoped3A_127 = tpu.sem_alloc : memref<!tpu.dma_semaphore, #tpu.memory_space<semaphore_mem>>
          %dma_start3A = arith.constant 0 : i32
          %dma_start3A_128 = tpu.memref_slice %arg6[%run_scoped3A_125, %run_scoped3A_126, %dma_start3A] : memref<4x2x128xi32, #tpu.memory_space<vmem>> -> memref<1x1x128xi32, #tpu.memory_space<vmem>>
          %dma_start3A_129 = tpu.memref_squeeze %dma_start3A_128 : memref<1x1x128xi32, #tpu.memory_space<vmem>> -> memref<128xi32, #tpu.memory_space<vmem>>
          %dma_start3A_130 = arith.constant 0 : i32
          %dma_start3A_131 = tpu.memref_slice %arg9[%dma_start3A_130] : memref<10240xf32, #tpu.memory_space<vmem_shared>> -> memref<10240xf32, #tpu.memory_space<vmem_shared>>
          tpu.enqueue_indirect_dma source(%arg7 : memref<128xf32, #tpu.memory_space<vmem>>) target(%dma_start3A_131 : memref<10240xf32, #tpu.memory_space<vmem_shared>>) offsets(%dma_start3A_129 : memref<128xi32, #tpu.memory_space<vmem>>) semaphore(%run_scoped3A_127 : memref<!tpu.dma_semaphore, #tpu.memory_space<semaphore_mem>>) {add = true}
          %dma_wait3A_132 = arith.constant 0 : i32
          %dma_wait3A_133 = tpu.memref_slice %arg6[%run_scoped3A_125, %run_scoped3A_126, %dma_wait3A_132] : memref<4x2x128xi32, #tpu.memory_space<vmem>> -> memref<1x1x128xi32, #tpu.memory_space<vmem>>
          %dma_wait3A_134 = tpu.memref_squeeze %dma_wait3A_133 : memref<1x1x128xi32, #tpu.memory_space<vmem>> -> memref<128xi32, #tpu.memory_space<vmem>>
          %dma_wait3A_135 = arith.constant 0 : i32
          %dma_wait3A_136 = tpu.memref_slice %arg9[%dma_wait3A_135] : memref<10240xf32, #tpu.memory_space<vmem_shared>> -> memref<10240xf32, #tpu.memory_space<vmem_shared>>
          tpu.wait_indirect_dma semaphore(%run_scoped3A_127 : memref<!tpu.dma_semaphore, #tpu.memory_space<semaphore_mem>>) src(%arg7 : memref<128xf32, #tpu.memory_space<vmem>>) dst(%dma_wait3A_136 : memref<10240xf32, #tpu.memory_space<vmem_shared>>)
          tpu.yield
        }) : () -> ()
      } else {
      }
      %mul3A_89 = arith.constant 4 : i32
      %mul3A_90 = arith.muli %scan3A_25, %mul3A_89 : i32
      %add3A_91 = arith.constant 3 : i32
      %add3A_92 = arith.addi %mul3A_90, %add3A_91 : i32
      %add3A_93 = arith.constant 2 : i32
      %add3A_94 = arith.addi %add3A_92, %add3A_93 : i32
      %mul3A_95 = arith.constant 32 : i32
      %mul3A_96 = arith.muli %mul3A_95, %add3A_94 : i32
      %add3A_97 = arith.addi %add3A, %mul3A_96 : i32
      %lt3A_98 = arith.constant 2500 : i32
      %lt3A_99 = arith.cmpi slt, %add3A_97, %lt3A_98 : i32
      %convert_element_type3A_100 = arith.extui %lt3A_99 : i1 to i32
      %cond3A_101 = arith.constant 0 : i32
      %cond3A_102 = arith.cmpi ne, %convert_element_type3A_100, %cond3A_101 : i32
      scf.if %cond3A_102 {
        %add3A_111 = arith.constant 2 : i32
        %add3A_112 = arith.addi %add3A_92, %add3A_111 : i32
        %mul3A_113 = arith.constant 32 : i32
        %mul3A_114 = arith.muli %mul3A_113, %add3A_112 : i32
        %add3A_115 = arith.addi %add3A, %mul3A_114 : i32
        %mul3A_116 = arith.constant 128 : i32
        %mul3A_117 = arith.muli %add3A_115, %mul3A_116 : i32
        %dma_start3A = arith.constant 1 : i32
        %dma_start3A_118 = arith.constant 0 : i32
        %dma_start3A_119 = arith.constant 0 : i32
        %dma_start3A_120 = tpu.memref_slice %arg6[%dma_start3A, %dma_start3A_118, %dma_start3A_119] : memref<4x2x128xi32, #tpu.memory_space<vmem>> -> memref<1x2x128xi32, #tpu.memory_space<vmem>>
        %dma_start3A_121 = tpu.memref_squeeze %dma_start3A_120 : memref<1x2x128xi32, #tpu.memory_space<vmem>> -> memref<2x128xi32, #tpu.memory_space<vmem>>
        %dma_start3A_122 = arith.constant 0 : i32
        %dma_start3A_123 = tpu.memref_slice %arg2[%dma_start3A_122, %mul3A_117] : memref<2x320000xi32, #tpu.memory_space<hbm>> -> memref<2x128xi32, #tpu.memory_space<hbm>>
        %dma_start3A_124 = arith.constant 0 : i32
        %dma_start3A_125 = arith.constant 0 : i32
        %dma_start3A_126 = tpu.memref_slice %arg6[%dma_start3A, %dma_start3A_124, %dma_start3A_125] : memref<4x2x128xi32, #tpu.memory_space<vmem>> -> memref<1x2x128xi32, #tpu.memory_space<vmem>>
        %dma_start3A_127 = tpu.memref_squeeze %dma_start3A_126 : memref<1x2x128xi32, #tpu.memory_space<vmem>> -> memref<2x128xi32, #tpu.memory_space<vmem>>
        %dma_start3A_128 = arith.constant 0 : i32
        %dma_start3A_129 = tpu.memref_slice %arg2[%dma_start3A_128, %mul3A_117] : memref<2x320000xi32, #tpu.memory_space<hbm>> -> memref<2x128xi32, #tpu.memory_space<hbm>>
        tpu.enqueue_dma source(%dma_start3A_129 : memref<2x128xi32, #tpu.memory_space<hbm>>) target(%dma_start3A_127 : memref<2x128xi32, #tpu.memory_space<vmem>>) target_semaphore(%arg11 : memref<!tpu.dma_semaphore, #tpu.memory_space<semaphore_mem>>)
      } else {
      }
      %mul3A_103 = arith.constant 32 : i32
      %mul3A_104 = arith.muli %mul3A_103, %add3A_92 : i32
      %add3A_105 = arith.addi %add3A, %mul3A_104 : i32
      %lt3A_106 = arith.constant 2500 : i32
      %lt3A_107 = arith.cmpi slt, %add3A_105, %lt3A_106 : i32
      %convert_element_type3A_108 = arith.extui %lt3A_107 : i1 to i32
      %cond3A_109 = arith.constant 0 : i32
      %cond3A_110 = arith.cmpi ne, %convert_element_type3A_108, %cond3A_109 : i32
      scf.if %cond3A_110 {
        %dma_wait3A = arith.constant 3 : i32
        %dma_wait3A_111 = arith.constant 0 : i32
        %dma_wait3A_112 = arith.constant 0 : i32
        %dma_wait3A_113 = tpu.memref_slice %arg6[%dma_wait3A, %dma_wait3A_111, %dma_wait3A_112] : memref<4x2x128xi32, #tpu.memory_space<vmem>> -> memref<1x2x128xi32, #tpu.memory_space<vmem>>
        %dma_wait3A_114 = tpu.memref_squeeze %dma_wait3A_113 : memref<1x2x128xi32, #tpu.memory_space<vmem>> -> memref<2x128xi32, #tpu.memory_space<vmem>>
        %dma_wait3A_115 = arith.constant 0 : i32
        %dma_wait3A_116 = arith.constant 0 : i32
        %dma_wait3A_117 = tpu.memref_slice %arg2[%dma_wait3A_115, %dma_wait3A_116] : memref<2x320000xi32, #tpu.memory_space<hbm>> -> memref<2x128xi32, #tpu.memory_space<hbm>>
        %dma_wait3A_118 = arith.constant 0 : i32
        %dma_wait3A_119 = arith.constant 0 : i32
        %dma_wait3A_120 = tpu.memref_slice %arg6[%dma_wait3A, %dma_wait3A_118, %dma_wait3A_119] : memref<4x2x128xi32, #tpu.memory_space<vmem>> -> memref<1x2x128xi32, #tpu.memory_space<vmem>>
        %dma_wait3A_121 = tpu.memref_squeeze %dma_wait3A_120 : memref<1x2x128xi32, #tpu.memory_space<vmem>> -> memref<2x128xi32, #tpu.memory_space<vmem>>
        %dma_wait3A_122 = arith.constant 0 : i32
        %dma_wait3A_123 = arith.constant 0 : i32
        %dma_wait3A_124 = tpu.memref_slice %arg2[%dma_wait3A_122, %dma_wait3A_123] : memref<2x320000xi32, #tpu.memory_space<hbm>> -> memref<2x128xi32, #tpu.memory_space<hbm>>
        tpu.wait_dma2 semaphore(%arg13 : memref<!tpu.dma_semaphore, #tpu.memory_space<semaphore_mem>>) src(%dma_wait3A_124 : memref<2x128xi32, #tpu.memory_space<hbm>>) dst(%dma_wait3A_121 : memref<2x128xi32, #tpu.memory_space<vmem>>)
        %run_scoped3A_125 = arith.constant 3 : i32
        %run_scoped3A_126 = arith.constant 0 : i32
        "tpu.region"() ({
          %run_scoped3A_127 = tpu.sem_alloc : memref<!tpu.dma_semaphore, #tpu.memory_space<semaphore_mem>>
          %dma_start3A = arith.constant 0 : i32
          %dma_start3A_128 = tpu.memref_slice %arg6[%run_scoped3A_125, %run_scoped3A_126, %dma_start3A] : memref<4x2x128xi32, #tpu.memory_space<vmem>> -> memref<1x1x128xi32, #tpu.memory_space<vmem>>
          %dma_start3A_129 = tpu.memref_squeeze %dma_start3A_128 : memref<1x1x128xi32, #tpu.memory_space<vmem>> -> memref<128xi32, #tpu.memory_space<vmem>>
          %dma_start3A_130 = arith.constant 0 : i32
          %dma_start3A_131 = tpu.memref_slice %arg9[%dma_start3A_130] : memref<10240xf32, #tpu.memory_space<vmem_shared>> -> memref<10240xf32, #tpu.memory_space<vmem_shared>>
          tpu.enqueue_indirect_dma source(%arg7 : memref<128xf32, #tpu.memory_space<vmem>>) target(%dma_start3A_131 : memref<10240xf32, #tpu.memory_space<vmem_shared>>) offsets(%dma_start3A_129 : memref<128xi32, #tpu.memory_space<vmem>>) semaphore(%run_scoped3A_127 : memref<!tpu.dma_semaphore, #tpu.memory_space<semaphore_mem>>) {add = true}
          %dma_wait3A_132 = arith.constant 0 : i32
          %dma_wait3A_133 = tpu.memref_slice %arg6[%run_scoped3A_125, %run_scoped3A_126, %dma_wait3A_132] : memref<4x2x128xi32, #tpu.memory_space<vmem>> -> memref<1x1x128xi32, #tpu.memory_space<vmem>>
          %dma_wait3A_134 = tpu.memref_squeeze %dma_wait3A_133 : memref<1x1x128xi32, #tpu.memory_space<vmem>> -> memref<128xi32, #tpu.memory_space<vmem>>
          %dma_wait3A_135 = arith.constant 0 : i32
          %dma_wait3A_136 = tpu.memref_slice %arg9[%dma_wait3A_135] : memref<10240xf32, #tpu.memory_space<vmem_shared>> -> memref<10240xf32, #tpu.memory_space<vmem_shared>>
          tpu.wait_indirect_dma semaphore(%run_scoped3A_127 : memref<!tpu.dma_semaphore, #tpu.memory_space<semaphore_mem>>) src(%arg7 : memref<128xf32, #tpu.memory_space<vmem>>) dst(%dma_wait3A_136 : memref<10240xf32, #tpu.memory_space<vmem_shared>>)
          tpu.yield
        }) : () -> ()
      } else {
      }
    }
    %scan3A_16 = arith.constant 20 : i32
    %barrier3A_17 = arith.constant 0 : index
    tpu.barrier barrier_id(%barrier3A_17)
    %mul3A_18 = arith.constant 640 : i32
    %mul3A_19 = arith.muli %arg1, %mul3A_18 : i32
    "tpu.region"() ({
      %run_scoped3A_25 = tpu.sem_alloc : memref<!tpu.dma_semaphore, #tpu.memory_space<semaphore_mem>>
      %dma_start3A = tpu.memref_slice %arg9[%mul3A_19] : memref<10240xf32, #tpu.memory_space<vmem_shared>> -> memref<640xf32, #tpu.memory_space<vmem_shared>>
      %dma_start3A_26 = tpu.memref_slice %arg9[%mul3A_19] : memref<10240xf32, #tpu.memory_space<vmem_shared>> -> memref<640xf32, #tpu.memory_space<vmem_shared>>
      tpu.enqueue_dma source(%dma_start3A_26 : memref<640xf32, #tpu.memory_space<vmem_shared>>) target(%arg8 : memref<640xf32, #tpu.memory_space<vmem>>) target_semaphore(%run_scoped3A_25 : memref<!tpu.dma_semaphore, #tpu.memory_space<semaphore_mem>>)
      %dma_wait3A = tpu.memref_slice %arg9[%mul3A_19] : memref<10240xf32, #tpu.memory_space<vmem_shared>> -> memref<640xf32, #tpu.memory_space<vmem_shared>>
      %dma_wait3A_27 = tpu.memref_slice %arg9[%mul3A_19] : memref<10240xf32, #tpu.memory_space<vmem_shared>> -> memref<640xf32, #tpu.memory_space<vmem_shared>>
      tpu.wait_dma2 semaphore(%run_scoped3A_25 : memref<!tpu.dma_semaphore, #tpu.memory_space<semaphore_mem>>) src(%dma_wait3A_27 : memref<640xf32, #tpu.memory_space<vmem_shared>>) dst(%arg8 : memref<640xf32, #tpu.memory_space<vmem>>)
      tpu.yield
    }) : () -> ()
    %mul3A_20 = arith.constant 10240 : i32
    %mul3A_21 = arith.muli %arg0, %mul3A_20 : i32
    %mul3A_22 = arith.constant 640 : i32
    %mul3A_23 = arith.muli %arg1, %mul3A_22 : i32
    %add3A_24 = arith.addi %mul3A_21, %mul3A_23 : i32
    "tpu.region"() ({
      %run_scoped3A_25 = tpu.sem_alloc : memref<!tpu.dma_semaphore, #tpu.memory_space<semaphore_mem>>
      %dma_start3A = tpu.memref_slice %arg5[%add3A_24] : memref<20480xf32, #tpu.memory_space<hbm>> -> memref<640xf32, #tpu.memory_space<hbm>>
      %dma_start3A_26 = tpu.memref_slice %arg5[%add3A_24] : memref<20480xf32, #tpu.memory_space<hbm>> -> memref<640xf32, #tpu.memory_space<hbm>>
      tpu.enqueue_dma source(%arg8 : memref<640xf32, #tpu.memory_space<vmem>>) target(%dma_start3A_26 : memref<640xf32, #tpu.memory_space<hbm>>) target_semaphore(%run_scoped3A_25 : memref<!tpu.dma_semaphore, #tpu.memory_space<semaphore_mem>>)
      %dma_wait3A = tpu.memref_slice %arg5[%add3A_24] : memref<20480xf32, #tpu.memory_space<hbm>> -> memref<640xf32, #tpu.memory_space<hbm>>
      %dma_wait3A_27 = tpu.memref_slice %arg5[%add3A_24] : memref<20480xf32, #tpu.memory_space<hbm>> -> memref<640xf32, #tpu.memory_space<hbm>>
      tpu.wait_dma2 semaphore(%run_scoped3A_25 : memref<!tpu.dma_semaphore, #tpu.memory_space<semaphore_mem>>) src(%arg8 : memref<640xf32, #tpu.memory_space<vmem>>) dst(%dma_wait3A_27 : memref<640xf32, #tpu.memory_space<hbm>>)
      tpu.yield
    }) : () -> ()
    return
  }
}

#map = affine_map<(d0, d1) -> (0)>
#map1 = affine_map<(d0, d1) -> (0, 0)>
module attributes {stable_mosaic.version = 14 : i64} {
  func.func @agg(%arg0: i32, %arg1: i32, %arg2: memref<640000xi32, #tpu.memory_space<hbm>>, %arg3: memref<10000x128xf32, #tpu.memory_space<hbm>>, %arg4: memref<80x128xf32, #tpu.memory_space<hbm>>, %arg5: memref<20480x128xf32, #tpu.memory_space<hbm>>, %arg6: memref<4x80xi32, #tpu.memory_space<vmem>>, %arg7: memref<4x80xi32, #tpu.memory_space<vmem>>, %arg8: memref<4x80x128xf32, #tpu.memory_space<vmem>>, %arg9: memref<10240x128xf32, #tpu.memory_space<vmem_shared>>, %arg10: memref<!tpu.dma_semaphore, #tpu.memory_space<semaphore_mem>>, %arg11: memref<!tpu.dma_semaphore, #tpu.memory_space<semaphore_mem>>, %arg12: memref<!tpu.dma_semaphore, #tpu.memory_space<semaphore_mem>>, %arg13: memref<!tpu.dma_semaphore, #tpu.memory_space<semaphore_mem>>, %arg14: memref<!tpu.dma_semaphore, #tpu.memory_space<semaphore_mem>>, %arg15: memref<!tpu.dma_semaphore, #tpu.memory_space<semaphore_mem>>, %arg16: memref<!tpu.dma_semaphore, #tpu.memory_space<semaphore_mem>>, %arg17: memref<!tpu.dma_semaphore, #tpu.memory_space<semaphore_mem>>, %arg18: memref<!tpu.dma_semaphore, #tpu.memory_space<semaphore_mem>>, %arg19: memref<!tpu.dma_semaphore, #tpu.memory_space<semaphore_mem>>, %arg20: memref<!tpu.dma_semaphore, #tpu.memory_space<semaphore_mem>>, %arg21: memref<!tpu.dma_semaphore, #tpu.memory_space<semaphore_mem>>) attributes {dimension_semantics = [#tpu.dimension_semantics<core_parallel>, #tpu.dimension_semantics<subcore_parallel>], iteration_bounds = array<i64: 2, 16>, scalar_prefetch = 0 : i64, scratch_operands = 16 : i64, tpu.core_type = #tpu.core_type<sc_vector_subcore>, window_params = [{transform_indices = #map}, {transform_indices = #map1}, {transform_indices = #map1}, {transform_indices = #map1}]} {
    %mul3A = arith.constant 2 : i32
    %mul3A_0 = arith.muli %arg1, %mul3A : i32
    %add3A = arith.addi %mul3A_0, %arg0 : i32
    %run_scoped3A = arith.constant 0 : i32
    "tpu.region"() ({
      %run_scoped3A_225 = tpu.sem_alloc : memref<!tpu.dma_semaphore, #tpu.memory_space<semaphore_mem>>
      %dma_start3A_226 = arith.constant 0 : i32
      %dma_start3A_227 = arith.constant 0 : i32
      %dma_start3A_228 = tpu.memref_slice %arg8[%run_scoped3A, %dma_start3A_226, %dma_start3A_227] : memref<4x80x128xf32, #tpu.memory_space<vmem>> -> memref<1x80x128xf32, #tpu.memory_space<vmem>>
      %dma_start3A_229 = tpu.memref_squeeze %dma_start3A_228 : memref<1x80x128xf32, #tpu.memory_space<vmem>> -> memref<80x128xf32, #tpu.memory_space<vmem>>
      %dma_start3A_230 = arith.constant 0 : i32
      %dma_start3A_231 = arith.constant 0 : i32
      %dma_start3A_232 = tpu.memref_slice %arg8[%run_scoped3A, %dma_start3A_230, %dma_start3A_231] : memref<4x80x128xf32, #tpu.memory_space<vmem>> -> memref<1x80x128xf32, #tpu.memory_space<vmem>>
      %dma_start3A_233 = tpu.memref_squeeze %dma_start3A_232 : memref<1x80x128xf32, #tpu.memory_space<vmem>> -> memref<80x128xf32, #tpu.memory_space<vmem>>
      tpu.enqueue_dma source(%arg4 : memref<80x128xf32, #tpu.memory_space<hbm>>) target(%dma_start3A_233 : memref<80x128xf32, #tpu.memory_space<vmem>>) target_semaphore(%run_scoped3A_225 : memref<!tpu.dma_semaphore, #tpu.memory_space<semaphore_mem>>)
      %dma_wait3A_234 = arith.constant 0 : i32
      %dma_wait3A_235 = arith.constant 0 : i32
      %dma_wait3A_236 = tpu.memref_slice %arg8[%run_scoped3A, %dma_wait3A_234, %dma_wait3A_235] : memref<4x80x128xf32, #tpu.memory_space<vmem>> -> memref<1x80x128xf32, #tpu.memory_space<vmem>>
      %dma_wait3A_237 = tpu.memref_squeeze %dma_wait3A_236 : memref<1x80x128xf32, #tpu.memory_space<vmem>> -> memref<80x128xf32, #tpu.memory_space<vmem>>
      %dma_wait3A_238 = arith.constant 0 : i32
      %dma_wait3A_239 = arith.constant 0 : i32
      %dma_wait3A_240 = tpu.memref_slice %arg8[%run_scoped3A, %dma_wait3A_238, %dma_wait3A_239] : memref<4x80x128xf32, #tpu.memory_space<vmem>> -> memref<1x80x128xf32, #tpu.memory_space<vmem>>
      %dma_wait3A_241 = tpu.memref_squeeze %dma_wait3A_240 : memref<1x80x128xf32, #tpu.memory_space<vmem>> -> memref<80x128xf32, #tpu.memory_space<vmem>>
      tpu.wait_dma2 semaphore(%run_scoped3A_225 : memref<!tpu.dma_semaphore, #tpu.memory_space<semaphore_mem>>) src(%arg4 : memref<80x128xf32, #tpu.memory_space<hbm>>) dst(%dma_wait3A_241 : memref<80x128xf32, #tpu.memory_space<vmem>>)
      tpu.yield
    }) : () -> ()
    %mul3A_1 = arith.constant 640 : i32
    %mul3A_2 = arith.muli %arg1, %mul3A_1 : i32
    %add3A_3 = arith.constant 0 : i32
    %add3A_4 = arith.addi %mul3A_2, %add3A_3 : i32
    %run_scoped3A_5 = arith.constant 0 : i32
    "tpu.region"() ({
      %run_scoped3A_225 = tpu.sem_alloc : memref<!tpu.dma_semaphore, #tpu.memory_space<semaphore_mem>>
      %dma_start3A_226 = arith.constant 0 : i32
      %dma_start3A_227 = arith.constant 0 : i32
      %dma_start3A_228 = tpu.memref_slice %arg8[%run_scoped3A_5, %dma_start3A_226, %dma_start3A_227] : memref<4x80x128xf32, #tpu.memory_space<vmem>> -> memref<1x80x128xf32, #tpu.memory_space<vmem>>
      %dma_start3A_229 = tpu.memref_squeeze %dma_start3A_228 : memref<1x80x128xf32, #tpu.memory_space<vmem>> -> memref<80x128xf32, #tpu.memory_space<vmem>>
      %dma_start3A_230 = arith.constant 0 : i32
      %dma_start3A_231 = tpu.memref_slice %arg9[%add3A_4, %dma_start3A_230] : memref<10240x128xf32, #tpu.memory_space<vmem_shared>> -> memref<80x128xf32, #tpu.memory_space<vmem_shared>>
      %dma_start3A_232 = arith.constant 0 : i32
      %dma_start3A_233 = tpu.memref_slice %arg9[%add3A_4, %dma_start3A_232] : memref<10240x128xf32, #tpu.memory_space<vmem_shared>> -> memref<80x128xf32, #tpu.memory_space<vmem_shared>>
      %dma_start3A_234 = arith.constant 0 : i32
      %dma_start3A_235 = arith.constant 0 : i32
      %dma_start3A_236 = tpu.memref_slice %arg8[%run_scoped3A_5, %dma_start3A_234, %dma_start3A_235] : memref<4x80x128xf32, #tpu.memory_space<vmem>> -> memref<1x80x128xf32, #tpu.memory_space<vmem>>
      %dma_start3A_237 = tpu.memref_squeeze %dma_start3A_236 : memref<1x80x128xf32, #tpu.memory_space<vmem>> -> memref<80x128xf32, #tpu.memory_space<vmem>>
      tpu.enqueue_dma source(%dma_start3A_237 : memref<80x128xf32, #tpu.memory_space<vmem>>) target(%dma_start3A_233 : memref<80x128xf32, #tpu.memory_space<vmem_shared>>) target_semaphore(%run_scoped3A_225 : memref<!tpu.dma_semaphore, #tpu.memory_space<semaphore_mem>>)
      %dma_wait3A_238 = arith.constant 0 : i32
      %dma_wait3A_239 = arith.constant 0 : i32
      %dma_wait3A_240 = tpu.memref_slice %arg8[%run_scoped3A_5, %dma_wait3A_238, %dma_wait3A_239] : memref<4x80x128xf32, #tpu.memory_space<vmem>> -> memref<1x80x128xf32, #tpu.memory_space<vmem>>
      %dma_wait3A_241 = tpu.memref_squeeze %dma_wait3A_240 : memref<1x80x128xf32, #tpu.memory_space<vmem>> -> memref<80x128xf32, #tpu.memory_space<vmem>>
      %dma_wait3A_242 = arith.constant 0 : i32
      %dma_wait3A_243 = tpu.memref_slice %arg9[%add3A_4, %dma_wait3A_242] : memref<10240x128xf32, #tpu.memory_space<vmem_shared>> -> memref<80x128xf32, #tpu.memory_space<vmem_shared>>
      %dma_wait3A_244 = arith.constant 0 : i32
      %dma_wait3A_245 = tpu.memref_slice %arg9[%add3A_4, %dma_wait3A_244] : memref<10240x128xf32, #tpu.memory_space<vmem_shared>> -> memref<80x128xf32, #tpu.memory_space<vmem_shared>>
      %dma_wait3A_246 = arith.constant 0 : i32
      %dma_wait3A_247 = arith.constant 0 : i32
      %dma_wait3A_248 = tpu.memref_slice %arg8[%run_scoped3A_5, %dma_wait3A_246, %dma_wait3A_247] : memref<4x80x128xf32, #tpu.memory_space<vmem>> -> memref<1x80x128xf32, #tpu.memory_space<vmem>>
      %dma_wait3A_249 = tpu.memref_squeeze %dma_wait3A_248 : memref<1x80x128xf32, #tpu.memory_space<vmem>> -> memref<80x128xf32, #tpu.memory_space<vmem>>
      tpu.wait_dma2 semaphore(%run_scoped3A_225 : memref<!tpu.dma_semaphore, #tpu.memory_space<semaphore_mem>>) src(%dma_wait3A_249 : memref<80x128xf32, #tpu.memory_space<vmem>>) dst(%dma_wait3A_245 : memref<80x128xf32, #tpu.memory_space<vmem_shared>>)
      tpu.yield
    }) : () -> ()
    %mul3A_6 = arith.constant 640 : i32
    %mul3A_7 = arith.muli %arg1, %mul3A_6 : i32
    %add3A_8 = arith.constant 80 : i32
    %add3A_9 = arith.addi %mul3A_7, %add3A_8 : i32
    %run_scoped3A_10 = arith.constant 0 : i32
    "tpu.region"() ({
      %run_scoped3A_225 = tpu.sem_alloc : memref<!tpu.dma_semaphore, #tpu.memory_space<semaphore_mem>>
      %dma_start3A_226 = arith.constant 0 : i32
      %dma_start3A_227 = arith.constant 0 : i32
      %dma_start3A_228 = tpu.memref_slice %arg8[%run_scoped3A_10, %dma_start3A_226, %dma_start3A_227] : memref<4x80x128xf32, #tpu.memory_space<vmem>> -> memref<1x80x128xf32, #tpu.memory_space<vmem>>
      %dma_start3A_229 = tpu.memref_squeeze %dma_start3A_228 : memref<1x80x128xf32, #tpu.memory_space<vmem>> -> memref<80x128xf32, #tpu.memory_space<vmem>>
      %dma_start3A_230 = arith.constant 0 : i32
      %dma_start3A_231 = tpu.memref_slice %arg9[%add3A_9, %dma_start3A_230] : memref<10240x128xf32, #tpu.memory_space<vmem_shared>> -> memref<80x128xf32, #tpu.memory_space<vmem_shared>>
      %dma_start3A_232 = arith.constant 0 : i32
      %dma_start3A_233 = tpu.memref_slice %arg9[%add3A_9, %dma_start3A_232] : memref<10240x128xf32, #tpu.memory_space<vmem_shared>> -> memref<80x128xf32, #tpu.memory_space<vmem_shared>>
      %dma_start3A_234 = arith.constant 0 : i32
      %dma_start3A_235 = arith.constant 0 : i32
      %dma_start3A_236 = tpu.memref_slice %arg8[%run_scoped3A_10, %dma_start3A_234, %dma_start3A_235] : memref<4x80x128xf32, #tpu.memory_space<vmem>> -> memref<1x80x128xf32, #tpu.memory_space<vmem>>
      %dma_start3A_237 = tpu.memref_squeeze %dma_start3A_236 : memref<1x80x128xf32, #tpu.memory_space<vmem>> -> memref<80x128xf32, #tpu.memory_space<vmem>>
      tpu.enqueue_dma source(%dma_start3A_237 : memref<80x128xf32, #tpu.memory_space<vmem>>) target(%dma_start3A_233 : memref<80x128xf32, #tpu.memory_space<vmem_shared>>) target_semaphore(%run_scoped3A_225 : memref<!tpu.dma_semaphore, #tpu.memory_space<semaphore_mem>>)
      %dma_wait3A_238 = arith.constant 0 : i32
      %dma_wait3A_239 = arith.constant 0 : i32
      %dma_wait3A_240 = tpu.memref_slice %arg8[%run_scoped3A_10, %dma_wait3A_238, %dma_wait3A_239] : memref<4x80x128xf32, #tpu.memory_space<vmem>> -> memref<1x80x128xf32, #tpu.memory_space<vmem>>
      %dma_wait3A_241 = tpu.memref_squeeze %dma_wait3A_240 : memref<1x80x128xf32, #tpu.memory_space<vmem>> -> memref<80x128xf32, #tpu.memory_space<vmem>>
      %dma_wait3A_242 = arith.constant 0 : i32
      %dma_wait3A_243 = tpu.memref_slice %arg9[%add3A_9, %dma_wait3A_242] : memref<10240x128xf32, #tpu.memory_space<vmem_shared>> -> memref<80x128xf32, #tpu.memory_space<vmem_shared>>
      %dma_wait3A_244 = arith.constant 0 : i32
      %dma_wait3A_245 = tpu.memref_slice %arg9[%add3A_9, %dma_wait3A_244] : memref<10240x128xf32, #tpu.memory_space<vmem_shared>> -> memref<80x128xf32, #tpu.memory_space<vmem_shared>>
      %dma_wait3A_246 = arith.constant 0 : i32
      %dma_wait3A_247 = arith.constant 0 : i32
      %dma_wait3A_248 = tpu.memref_slice %arg8[%run_scoped3A_10, %dma_wait3A_246, %dma_wait3A_247] : memref<4x80x128xf32, #tpu.memory_space<vmem>> -> memref<1x80x128xf32, #tpu.memory_space<vmem>>
      %dma_wait3A_249 = tpu.memref_squeeze %dma_wait3A_248 : memref<1x80x128xf32, #tpu.memory_space<vmem>> -> memref<80x128xf32, #tpu.memory_space<vmem>>
      tpu.wait_dma2 semaphore(%run_scoped3A_225 : memref<!tpu.dma_semaphore, #tpu.memory_space<semaphore_mem>>) src(%dma_wait3A_249 : memref<80x128xf32, #tpu.memory_space<vmem>>) dst(%dma_wait3A_245 : memref<80x128xf32, #tpu.memory_space<vmem_shared>>)
      tpu.yield
    }) : () -> ()
    %mul3A_11 = arith.constant 640 : i32
    %mul3A_12 = arith.muli %arg1, %mul3A_11 : i32
    %add3A_13 = arith.constant 160 : i32
    %add3A_14 = arith.addi %mul3A_12, %add3A_13 : i32
    %run_scoped3A_15 = arith.constant 0 : i32
    "tpu.region"() ({
      %run_scoped3A_225 = tpu.sem_alloc : memref<!tpu.dma_semaphore, #tpu.memory_space<semaphore_mem>>
      %dma_start3A_226 = arith.constant 0 : i32
      %dma_start3A_227 = arith.constant 0 : i32
      %dma_start3A_228 = tpu.memref_slice %arg8[%run_scoped3A_15, %dma_start3A_226, %dma_start3A_227] : memref<4x80x128xf32, #tpu.memory_space<vmem>> -> memref<1x80x128xf32, #tpu.memory_space<vmem>>
      %dma_start3A_229 = tpu.memref_squeeze %dma_start3A_228 : memref<1x80x128xf32, #tpu.memory_space<vmem>> -> memref<80x128xf32, #tpu.memory_space<vmem>>
      %dma_start3A_230 = arith.constant 0 : i32
      %dma_start3A_231 = tpu.memref_slice %arg9[%add3A_14, %dma_start3A_230] : memref<10240x128xf32, #tpu.memory_space<vmem_shared>> -> memref<80x128xf32, #tpu.memory_space<vmem_shared>>
      %dma_start3A_232 = arith.constant 0 : i32
      %dma_start3A_233 = tpu.memref_slice %arg9[%add3A_14, %dma_start3A_232] : memref<10240x128xf32, #tpu.memory_space<vmem_shared>> -> memref<80x128xf32, #tpu.memory_space<vmem_shared>>
      %dma_start3A_234 = arith.constant 0 : i32
      %dma_start3A_235 = arith.constant 0 : i32
      %dma_start3A_236 = tpu.memref_slice %arg8[%run_scoped3A_15, %dma_start3A_234, %dma_start3A_235] : memref<4x80x128xf32, #tpu.memory_space<vmem>> -> memref<1x80x128xf32, #tpu.memory_space<vmem>>
      %dma_start3A_237 = tpu.memref_squeeze %dma_start3A_236 : memref<1x80x128xf32, #tpu.memory_space<vmem>> -> memref<80x128xf32, #tpu.memory_space<vmem>>
      tpu.enqueue_dma source(%dma_start3A_237 : memref<80x128xf32, #tpu.memory_space<vmem>>) target(%dma_start3A_233 : memref<80x128xf32, #tpu.memory_space<vmem_shared>>) target_semaphore(%run_scoped3A_225 : memref<!tpu.dma_semaphore, #tpu.memory_space<semaphore_mem>>)
      %dma_wait3A_238 = arith.constant 0 : i32
      %dma_wait3A_239 = arith.constant 0 : i32
      %dma_wait3A_240 = tpu.memref_slice %arg8[%run_scoped3A_15, %dma_wait3A_238, %dma_wait3A_239] : memref<4x80x128xf32, #tpu.memory_space<vmem>> -> memref<1x80x128xf32, #tpu.memory_space<vmem>>
      %dma_wait3A_241 = tpu.memref_squeeze %dma_wait3A_240 : memref<1x80x128xf32, #tpu.memory_space<vmem>> -> memref<80x128xf32, #tpu.memory_space<vmem>>
      %dma_wait3A_242 = arith.constant 0 : i32
      %dma_wait3A_243 = tpu.memref_slice %arg9[%add3A_14, %dma_wait3A_242] : memref<10240x128xf32, #tpu.memory_space<vmem_shared>> -> memref<80x128xf32, #tpu.memory_space<vmem_shared>>
      %dma_wait3A_244 = arith.constant 0 : i32
      %dma_wait3A_245 = tpu.memref_slice %arg9[%add3A_14, %dma_wait3A_244] : memref<10240x128xf32, #tpu.memory_space<vmem_shared>> -> memref<80x128xf32, #tpu.memory_space<vmem_shared>>
      %dma_wait3A_246 = arith.constant 0 : i32
      %dma_wait3A_247 = arith.constant 0 : i32
      %dma_wait3A_248 = tpu.memref_slice %arg8[%run_scoped3A_15, %dma_wait3A_246, %dma_wait3A_247] : memref<4x80x128xf32, #tpu.memory_space<vmem>> -> memref<1x80x128xf32, #tpu.memory_space<vmem>>
      %dma_wait3A_249 = tpu.memref_squeeze %dma_wait3A_248 : memref<1x80x128xf32, #tpu.memory_space<vmem>> -> memref<80x128xf32, #tpu.memory_space<vmem>>
      tpu.wait_dma2 semaphore(%run_scoped3A_225 : memref<!tpu.dma_semaphore, #tpu.memory_space<semaphore_mem>>) src(%dma_wait3A_249 : memref<80x128xf32, #tpu.memory_space<vmem>>) dst(%dma_wait3A_245 : memref<80x128xf32, #tpu.memory_space<vmem_shared>>)
      tpu.yield
    }) : () -> ()
    %mul3A_16 = arith.constant 640 : i32
    %mul3A_17 = arith.muli %arg1, %mul3A_16 : i32
    %add3A_18 = arith.constant 240 : i32
    %add3A_19 = arith.addi %mul3A_17, %add3A_18 : i32
    %run_scoped3A_20 = arith.constant 0 : i32
    "tpu.region"() ({
      %run_scoped3A_225 = tpu.sem_alloc : memref<!tpu.dma_semaphore, #tpu.memory_space<semaphore_mem>>
      %dma_start3A_226 = arith.constant 0 : i32
      %dma_start3A_227 = arith.constant 0 : i32
      %dma_start3A_228 = tpu.memref_slice %arg8[%run_scoped3A_20, %dma_start3A_226, %dma_start3A_227] : memref<4x80x128xf32, #tpu.memory_space<vmem>> -> memref<1x80x128xf32, #tpu.memory_space<vmem>>
      %dma_start3A_229 = tpu.memref_squeeze %dma_start3A_228 : memref<1x80x128xf32, #tpu.memory_space<vmem>> -> memref<80x128xf32, #tpu.memory_space<vmem>>
      %dma_start3A_230 = arith.constant 0 : i32
      %dma_start3A_231 = tpu.memref_slice %arg9[%add3A_19, %dma_start3A_230] : memref<10240x128xf32, #tpu.memory_space<vmem_shared>> -> memref<80x128xf32, #tpu.memory_space<vmem_shared>>
      %dma_start3A_232 = arith.constant 0 : i32
      %dma_start3A_233 = tpu.memref_slice %arg9[%add3A_19, %dma_start3A_232] : memref<10240x128xf32, #tpu.memory_space<vmem_shared>> -> memref<80x128xf32, #tpu.memory_space<vmem_shared>>
      %dma_start3A_234 = arith.constant 0 : i32
      %dma_start3A_235 = arith.constant 0 : i32
      %dma_start3A_236 = tpu.memref_slice %arg8[%run_scoped3A_20, %dma_start3A_234, %dma_start3A_235] : memref<4x80x128xf32, #tpu.memory_space<vmem>> -> memref<1x80x128xf32, #tpu.memory_space<vmem>>
      %dma_start3A_237 = tpu.memref_squeeze %dma_start3A_236 : memref<1x80x128xf32, #tpu.memory_space<vmem>> -> memref<80x128xf32, #tpu.memory_space<vmem>>
      tpu.enqueue_dma source(%dma_start3A_237 : memref<80x128xf32, #tpu.memory_space<vmem>>) target(%dma_start3A_233 : memref<80x128xf32, #tpu.memory_space<vmem_shared>>) target_semaphore(%run_scoped3A_225 : memref<!tpu.dma_semaphore, #tpu.memory_space<semaphore_mem>>)
      %dma_wait3A_238 = arith.constant 0 : i32
      %dma_wait3A_239 = arith.constant 0 : i32
      %dma_wait3A_240 = tpu.memref_slice %arg8[%run_scoped3A_20, %dma_wait3A_238, %dma_wait3A_239] : memref<4x80x128xf32, #tpu.memory_space<vmem>> -> memref<1x80x128xf32, #tpu.memory_space<vmem>>
      %dma_wait3A_241 = tpu.memref_squeeze %dma_wait3A_240 : memref<1x80x128xf32, #tpu.memory_space<vmem>> -> memref<80x128xf32, #tpu.memory_space<vmem>>
      %dma_wait3A_242 = arith.constant 0 : i32
      %dma_wait3A_243 = tpu.memref_slice %arg9[%add3A_19, %dma_wait3A_242] : memref<10240x128xf32, #tpu.memory_space<vmem_shared>> -> memref<80x128xf32, #tpu.memory_space<vmem_shared>>
      %dma_wait3A_244 = arith.constant 0 : i32
      %dma_wait3A_245 = tpu.memref_slice %arg9[%add3A_19, %dma_wait3A_244] : memref<10240x128xf32, #tpu.memory_space<vmem_shared>> -> memref<80x128xf32, #tpu.memory_space<vmem_shared>>
      %dma_wait3A_246 = arith.constant 0 : i32
      %dma_wait3A_247 = arith.constant 0 : i32
      %dma_wait3A_248 = tpu.memref_slice %arg8[%run_scoped3A_20, %dma_wait3A_246, %dma_wait3A_247] : memref<4x80x128xf32, #tpu.memory_space<vmem>> -> memref<1x80x128xf32, #tpu.memory_space<vmem>>
      %dma_wait3A_249 = tpu.memref_squeeze %dma_wait3A_248 : memref<1x80x128xf32, #tpu.memory_space<vmem>> -> memref<80x128xf32, #tpu.memory_space<vmem>>
      tpu.wait_dma2 semaphore(%run_scoped3A_225 : memref<!tpu.dma_semaphore, #tpu.memory_space<semaphore_mem>>) src(%dma_wait3A_249 : memref<80x128xf32, #tpu.memory_space<vmem>>) dst(%dma_wait3A_245 : memref<80x128xf32, #tpu.memory_space<vmem_shared>>)
      tpu.yield
    }) : () -> ()
    %mul3A_21 = arith.constant 640 : i32
    %mul3A_22 = arith.muli %arg1, %mul3A_21 : i32
    %add3A_23 = arith.constant 320 : i32
    %add3A_24 = arith.addi %mul3A_22, %add3A_23 : i32
    %run_scoped3A_25 = arith.constant 0 : i32
    "tpu.region"() ({
      %run_scoped3A_225 = tpu.sem_alloc : memref<!tpu.dma_semaphore, #tpu.memory_space<semaphore_mem>>
      %dma_start3A_226 = arith.constant 0 : i32
      %dma_start3A_227 = arith.constant 0 : i32
      %dma_start3A_228 = tpu.memref_slice %arg8[%run_scoped3A_25, %dma_start3A_226, %dma_start3A_227] : memref<4x80x128xf32, #tpu.memory_space<vmem>> -> memref<1x80x128xf32, #tpu.memory_space<vmem>>
      %dma_start3A_229 = tpu.memref_squeeze %dma_start3A_228 : memref<1x80x128xf32, #tpu.memory_space<vmem>> -> memref<80x128xf32, #tpu.memory_space<vmem>>
      %dma_start3A_230 = arith.constant 0 : i32
      %dma_start3A_231 = tpu.memref_slice %arg9[%add3A_24, %dma_start3A_230] : memref<10240x128xf32, #tpu.memory_space<vmem_shared>> -> memref<80x128xf32, #tpu.memory_space<vmem_shared>>
      %dma_start3A_232 = arith.constant 0 : i32
      %dma_start3A_233 = tpu.memref_slice %arg9[%add3A_24, %dma_start3A_232] : memref<10240x128xf32, #tpu.memory_space<vmem_shared>> -> memref<80x128xf32, #tpu.memory_space<vmem_shared>>
      %dma_start3A_234 = arith.constant 0 : i32
      %dma_start3A_235 = arith.constant 0 : i32
      %dma_start3A_236 = tpu.memref_slice %arg8[%run_scoped3A_25, %dma_start3A_234, %dma_start3A_235] : memref<4x80x128xf32, #tpu.memory_space<vmem>> -> memref<1x80x128xf32, #tpu.memory_space<vmem>>
      %dma_start3A_237 = tpu.memref_squeeze %dma_start3A_236 : memref<1x80x128xf32, #tpu.memory_space<vmem>> -> memref<80x128xf32, #tpu.memory_space<vmem>>
      tpu.enqueue_dma source(%dma_start3A_237 : memref<80x128xf32, #tpu.memory_space<vmem>>) target(%dma_start3A_233 : memref<80x128xf32, #tpu.memory_space<vmem_shared>>) target_semaphore(%run_scoped3A_225 : memref<!tpu.dma_semaphore, #tpu.memory_space<semaphore_mem>>)
      %dma_wait3A_238 = arith.constant 0 : i32
      %dma_wait3A_239 = arith.constant 0 : i32
      %dma_wait3A_240 = tpu.memref_slice %arg8[%run_scoped3A_25, %dma_wait3A_238, %dma_wait3A_239] : memref<4x80x128xf32, #tpu.memory_space<vmem>> -> memref<1x80x128xf32, #tpu.memory_space<vmem>>
      %dma_wait3A_241 = tpu.memref_squeeze %dma_wait3A_240 : memref<1x80x128xf32, #tpu.memory_space<vmem>> -> memref<80x128xf32, #tpu.memory_space<vmem>>
      %dma_wait3A_242 = arith.constant 0 : i32
      %dma_wait3A_243 = tpu.memref_slice %arg9[%add3A_24, %dma_wait3A_242] : memref<10240x128xf32, #tpu.memory_space<vmem_shared>> -> memref<80x128xf32, #tpu.memory_space<vmem_shared>>
      %dma_wait3A_244 = arith.constant 0 : i32
      %dma_wait3A_245 = tpu.memref_slice %arg9[%add3A_24, %dma_wait3A_244] : memref<10240x128xf32, #tpu.memory_space<vmem_shared>> -> memref<80x128xf32, #tpu.memory_space<vmem_shared>>
      %dma_wait3A_246 = arith.constant 0 : i32
      %dma_wait3A_247 = arith.constant 0 : i32
      %dma_wait3A_248 = tpu.memref_slice %arg8[%run_scoped3A_25, %dma_wait3A_246, %dma_wait3A_247] : memref<4x80x128xf32, #tpu.memory_space<vmem>> -> memref<1x80x128xf32, #tpu.memory_space<vmem>>
      %dma_wait3A_249 = tpu.memref_squeeze %dma_wait3A_248 : memref<1x80x128xf32, #tpu.memory_space<vmem>> -> memref<80x128xf32, #tpu.memory_space<vmem>>
      tpu.wait_dma2 semaphore(%run_scoped3A_225 : memref<!tpu.dma_semaphore, #tpu.memory_space<semaphore_mem>>) src(%dma_wait3A_249 : memref<80x128xf32, #tpu.memory_space<vmem>>) dst(%dma_wait3A_245 : memref<80x128xf32, #tpu.memory_space<vmem_shared>>)
      tpu.yield
    }) : () -> ()
    %mul3A_26 = arith.constant 640 : i32
    %mul3A_27 = arith.muli %arg1, %mul3A_26 : i32
    %add3A_28 = arith.constant 400 : i32
    %add3A_29 = arith.addi %mul3A_27, %add3A_28 : i32
    %run_scoped3A_30 = arith.constant 0 : i32
    "tpu.region"() ({
      %run_scoped3A_225 = tpu.sem_alloc : memref<!tpu.dma_semaphore, #tpu.memory_space<semaphore_mem>>
      %dma_start3A_226 = arith.constant 0 : i32
      %dma_start3A_227 = arith.constant 0 : i32
      %dma_start3A_228 = tpu.memref_slice %arg8[%run_scoped3A_30, %dma_start3A_226, %dma_start3A_227] : memref<4x80x128xf32, #tpu.memory_space<vmem>> -> memref<1x80x128xf32, #tpu.memory_space<vmem>>
      %dma_start3A_229 = tpu.memref_squeeze %dma_start3A_228 : memref<1x80x128xf32, #tpu.memory_space<vmem>> -> memref<80x128xf32, #tpu.memory_space<vmem>>
      %dma_start3A_230 = arith.constant 0 : i32
      %dma_start3A_231 = tpu.memref_slice %arg9[%add3A_29, %dma_start3A_230] : memref<10240x128xf32, #tpu.memory_space<vmem_shared>> -> memref<80x128xf32, #tpu.memory_space<vmem_shared>>
      %dma_start3A_232 = arith.constant 0 : i32
      %dma_start3A_233 = tpu.memref_slice %arg9[%add3A_29, %dma_start3A_232] : memref<10240x128xf32, #tpu.memory_space<vmem_shared>> -> memref<80x128xf32, #tpu.memory_space<vmem_shared>>
      %dma_start3A_234 = arith.constant 0 : i32
      %dma_start3A_235 = arith.constant 0 : i32
      %dma_start3A_236 = tpu.memref_slice %arg8[%run_scoped3A_30, %dma_start3A_234, %dma_start3A_235] : memref<4x80x128xf32, #tpu.memory_space<vmem>> -> memref<1x80x128xf32, #tpu.memory_space<vmem>>
      %dma_start3A_237 = tpu.memref_squeeze %dma_start3A_236 : memref<1x80x128xf32, #tpu.memory_space<vmem>> -> memref<80x128xf32, #tpu.memory_space<vmem>>
      tpu.enqueue_dma source(%dma_start3A_237 : memref<80x128xf32, #tpu.memory_space<vmem>>) target(%dma_start3A_233 : memref<80x128xf32, #tpu.memory_space<vmem_shared>>) target_semaphore(%run_scoped3A_225 : memref<!tpu.dma_semaphore, #tpu.memory_space<semaphore_mem>>)
      %dma_wait3A_238 = arith.constant 0 : i32
      %dma_wait3A_239 = arith.constant 0 : i32
      %dma_wait3A_240 = tpu.memref_slice %arg8[%run_scoped3A_30, %dma_wait3A_238, %dma_wait3A_239] : memref<4x80x128xf32, #tpu.memory_space<vmem>> -> memref<1x80x128xf32, #tpu.memory_space<vmem>>
      %dma_wait3A_241 = tpu.memref_squeeze %dma_wait3A_240 : memref<1x80x128xf32, #tpu.memory_space<vmem>> -> memref<80x128xf32, #tpu.memory_space<vmem>>
      %dma_wait3A_242 = arith.constant 0 : i32
      %dma_wait3A_243 = tpu.memref_slice %arg9[%add3A_29, %dma_wait3A_242] : memref<10240x128xf32, #tpu.memory_space<vmem_shared>> -> memref<80x128xf32, #tpu.memory_space<vmem_shared>>
      %dma_wait3A_244 = arith.constant 0 : i32
      %dma_wait3A_245 = tpu.memref_slice %arg9[%add3A_29, %dma_wait3A_244] : memref<10240x128xf32, #tpu.memory_space<vmem_shared>> -> memref<80x128xf32, #tpu.memory_space<vmem_shared>>
      %dma_wait3A_246 = arith.constant 0 : i32
      %dma_wait3A_247 = arith.constant 0 : i32
      %dma_wait3A_248 = tpu.memref_slice %arg8[%run_scoped3A_30, %dma_wait3A_246, %dma_wait3A_247] : memref<4x80x128xf32, #tpu.memory_space<vmem>> -> memref<1x80x128xf32, #tpu.memory_space<vmem>>
      %dma_wait3A_249 = tpu.memref_squeeze %dma_wait3A_248 : memref<1x80x128xf32, #tpu.memory_space<vmem>> -> memref<80x128xf32, #tpu.memory_space<vmem>>
      tpu.wait_dma2 semaphore(%run_scoped3A_225 : memref<!tpu.dma_semaphore, #tpu.memory_space<semaphore_mem>>) src(%dma_wait3A_249 : memref<80x128xf32, #tpu.memory_space<vmem>>) dst(%dma_wait3A_245 : memref<80x128xf32, #tpu.memory_space<vmem_shared>>)
      tpu.yield
    }) : () -> ()
    %mul3A_31 = arith.constant 640 : i32
    %mul3A_32 = arith.muli %arg1, %mul3A_31 : i32
    %add3A_33 = arith.constant 480 : i32
    %add3A_34 = arith.addi %mul3A_32, %add3A_33 : i32
    %run_scoped3A_35 = arith.constant 0 : i32
    "tpu.region"() ({
      %run_scoped3A_225 = tpu.sem_alloc : memref<!tpu.dma_semaphore, #tpu.memory_space<semaphore_mem>>
      %dma_start3A_226 = arith.constant 0 : i32
      %dma_start3A_227 = arith.constant 0 : i32
      %dma_start3A_228 = tpu.memref_slice %arg8[%run_scoped3A_35, %dma_start3A_226, %dma_start3A_227] : memref<4x80x128xf32, #tpu.memory_space<vmem>> -> memref<1x80x128xf32, #tpu.memory_space<vmem>>
      %dma_start3A_229 = tpu.memref_squeeze %dma_start3A_228 : memref<1x80x128xf32, #tpu.memory_space<vmem>> -> memref<80x128xf32, #tpu.memory_space<vmem>>
      %dma_start3A_230 = arith.constant 0 : i32
      %dma_start3A_231 = tpu.memref_slice %arg9[%add3A_34, %dma_start3A_230] : memref<10240x128xf32, #tpu.memory_space<vmem_shared>> -> memref<80x128xf32, #tpu.memory_space<vmem_shared>>
      %dma_start3A_232 = arith.constant 0 : i32
      %dma_start3A_233 = tpu.memref_slice %arg9[%add3A_34, %dma_start3A_232] : memref<10240x128xf32, #tpu.memory_space<vmem_shared>> -> memref<80x128xf32, #tpu.memory_space<vmem_shared>>
      %dma_start3A_234 = arith.constant 0 : i32
      %dma_start3A_235 = arith.constant 0 : i32
      %dma_start3A_236 = tpu.memref_slice %arg8[%run_scoped3A_35, %dma_start3A_234, %dma_start3A_235] : memref<4x80x128xf32, #tpu.memory_space<vmem>> -> memref<1x80x128xf32, #tpu.memory_space<vmem>>
      %dma_start3A_237 = tpu.memref_squeeze %dma_start3A_236 : memref<1x80x128xf32, #tpu.memory_space<vmem>> -> memref<80x128xf32, #tpu.memory_space<vmem>>
      tpu.enqueue_dma source(%dma_start3A_237 : memref<80x128xf32, #tpu.memory_space<vmem>>) target(%dma_start3A_233 : memref<80x128xf32, #tpu.memory_space<vmem_shared>>) target_semaphore(%run_scoped3A_225 : memref<!tpu.dma_semaphore, #tpu.memory_space<semaphore_mem>>)
      %dma_wait3A_238 = arith.constant 0 : i32
      %dma_wait3A_239 = arith.constant 0 : i32
      %dma_wait3A_240 = tpu.memref_slice %arg8[%run_scoped3A_35, %dma_wait3A_238, %dma_wait3A_239] : memref<4x80x128xf32, #tpu.memory_space<vmem>> -> memref<1x80x128xf32, #tpu.memory_space<vmem>>
      %dma_wait3A_241 = tpu.memref_squeeze %dma_wait3A_240 : memref<1x80x128xf32, #tpu.memory_space<vmem>> -> memref<80x128xf32, #tpu.memory_space<vmem>>
      %dma_wait3A_242 = arith.constant 0 : i32
      %dma_wait3A_243 = tpu.memref_slice %arg9[%add3A_34, %dma_wait3A_242] : memref<10240x128xf32, #tpu.memory_space<vmem_shared>> -> memref<80x128xf32, #tpu.memory_space<vmem_shared>>
      %dma_wait3A_244 = arith.constant 0 : i32
      %dma_wait3A_245 = tpu.memref_slice %arg9[%add3A_34, %dma_wait3A_244] : memref<10240x128xf32, #tpu.memory_space<vmem_shared>> -> memref<80x128xf32, #tpu.memory_space<vmem_shared>>
      %dma_wait3A_246 = arith.constant 0 : i32
      %dma_wait3A_247 = arith.constant 0 : i32
      %dma_wait3A_248 = tpu.memref_slice %arg8[%run_scoped3A_35, %dma_wait3A_246, %dma_wait3A_247] : memref<4x80x128xf32, #tpu.memory_space<vmem>> -> memref<1x80x128xf32, #tpu.memory_space<vmem>>
      %dma_wait3A_249 = tpu.memref_squeeze %dma_wait3A_248 : memref<1x80x128xf32, #tpu.memory_space<vmem>> -> memref<80x128xf32, #tpu.memory_space<vmem>>
      tpu.wait_dma2 semaphore(%run_scoped3A_225 : memref<!tpu.dma_semaphore, #tpu.memory_space<semaphore_mem>>) src(%dma_wait3A_249 : memref<80x128xf32, #tpu.memory_space<vmem>>) dst(%dma_wait3A_245 : memref<80x128xf32, #tpu.memory_space<vmem_shared>>)
      tpu.yield
    }) : () -> ()
    %mul3A_36 = arith.constant 640 : i32
    %mul3A_37 = arith.muli %arg1, %mul3A_36 : i32
    %add3A_38 = arith.constant 560 : i32
    %add3A_39 = arith.addi %mul3A_37, %add3A_38 : i32
    %run_scoped3A_40 = arith.constant 0 : i32
    "tpu.region"() ({
      %run_scoped3A_225 = tpu.sem_alloc : memref<!tpu.dma_semaphore, #tpu.memory_space<semaphore_mem>>
      %dma_start3A_226 = arith.constant 0 : i32
      %dma_start3A_227 = arith.constant 0 : i32
      %dma_start3A_228 = tpu.memref_slice %arg8[%run_scoped3A_40, %dma_start3A_226, %dma_start3A_227] : memref<4x80x128xf32, #tpu.memory_space<vmem>> -> memref<1x80x128xf32, #tpu.memory_space<vmem>>
      %dma_start3A_229 = tpu.memref_squeeze %dma_start3A_228 : memref<1x80x128xf32, #tpu.memory_space<vmem>> -> memref<80x128xf32, #tpu.memory_space<vmem>>
      %dma_start3A_230 = arith.constant 0 : i32
      %dma_start3A_231 = tpu.memref_slice %arg9[%add3A_39, %dma_start3A_230] : memref<10240x128xf32, #tpu.memory_space<vmem_shared>> -> memref<80x128xf32, #tpu.memory_space<vmem_shared>>
      %dma_start3A_232 = arith.constant 0 : i32
      %dma_start3A_233 = tpu.memref_slice %arg9[%add3A_39, %dma_start3A_232] : memref<10240x128xf32, #tpu.memory_space<vmem_shared>> -> memref<80x128xf32, #tpu.memory_space<vmem_shared>>
      %dma_start3A_234 = arith.constant 0 : i32
      %dma_start3A_235 = arith.constant 0 : i32
      %dma_start3A_236 = tpu.memref_slice %arg8[%run_scoped3A_40, %dma_start3A_234, %dma_start3A_235] : memref<4x80x128xf32, #tpu.memory_space<vmem>> -> memref<1x80x128xf32, #tpu.memory_space<vmem>>
      %dma_start3A_237 = tpu.memref_squeeze %dma_start3A_236 : memref<1x80x128xf32, #tpu.memory_space<vmem>> -> memref<80x128xf32, #tpu.memory_space<vmem>>
      tpu.enqueue_dma source(%dma_start3A_237 : memref<80x128xf32, #tpu.memory_space<vmem>>) target(%dma_start3A_233 : memref<80x128xf32, #tpu.memory_space<vmem_shared>>) target_semaphore(%run_scoped3A_225 : memref<!tpu.dma_semaphore, #tpu.memory_space<semaphore_mem>>)
      %dma_wait3A_238 = arith.constant 0 : i32
      %dma_wait3A_239 = arith.constant 0 : i32
      %dma_wait3A_240 = tpu.memref_slice %arg8[%run_scoped3A_40, %dma_wait3A_238, %dma_wait3A_239] : memref<4x80x128xf32, #tpu.memory_space<vmem>> -> memref<1x80x128xf32, #tpu.memory_space<vmem>>
      %dma_wait3A_241 = tpu.memref_squeeze %dma_wait3A_240 : memref<1x80x128xf32, #tpu.memory_space<vmem>> -> memref<80x128xf32, #tpu.memory_space<vmem>>
      %dma_wait3A_242 = arith.constant 0 : i32
      %dma_wait3A_243 = tpu.memref_slice %arg9[%add3A_39, %dma_wait3A_242] : memref<10240x128xf32, #tpu.memory_space<vmem_shared>> -> memref<80x128xf32, #tpu.memory_space<vmem_shared>>
      %dma_wait3A_244 = arith.constant 0 : i32
      %dma_wait3A_245 = tpu.memref_slice %arg9[%add3A_39, %dma_wait3A_244] : memref<10240x128xf32, #tpu.memory_space<vmem_shared>> -> memref<80x128xf32, #tpu.memory_space<vmem_shared>>
      %dma_wait3A_246 = arith.constant 0 : i32
      %dma_wait3A_247 = arith.constant 0 : i32
      %dma_wait3A_248 = tpu.memref_slice %arg8[%run_scoped3A_40, %dma_wait3A_246, %dma_wait3A_247] : memref<4x80x128xf32, #tpu.memory_space<vmem>> -> memref<1x80x128xf32, #tpu.memory_space<vmem>>
      %dma_wait3A_249 = tpu.memref_squeeze %dma_wait3A_248 : memref<1x80x128xf32, #tpu.memory_space<vmem>> -> memref<80x128xf32, #tpu.memory_space<vmem>>
      tpu.wait_dma2 semaphore(%run_scoped3A_225 : memref<!tpu.dma_semaphore, #tpu.memory_space<semaphore_mem>>) src(%dma_wait3A_249 : memref<80x128xf32, #tpu.memory_space<vmem>>) dst(%dma_wait3A_245 : memref<80x128xf32, #tpu.memory_space<vmem_shared>>)
      tpu.yield
    }) : () -> ()
    %barrier3A = arith.constant 0 : index
    tpu.barrier barrier_id(%barrier3A)
    %mul3A_41 = arith.constant 10000 : i32
    %mul3A_42 = arith.muli %add3A, %mul3A_41 : i32
    %add3A_43 = arith.constant 320000 : i32
    %add3A_44 = arith.addi %add3A_43, %mul3A_42 : i32
    %add3A_45 = arith.constant 0 : i32
    %add3A_46 = arith.addi %add3A_44, %add3A_45 : i32
    %run_scoped3A_47 = arith.constant 0 : i32
    "tpu.region"() ({
      %run_scoped3A_225 = tpu.sem_alloc : memref<!tpu.dma_semaphore, #tpu.memory_space<semaphore_mem>>
      %dma_start3A_226 = arith.constant 0 : i32
      %dma_start3A_227 = tpu.memref_slice %arg6[%run_scoped3A_47, %dma_start3A_226] : memref<4x80xi32, #tpu.memory_space<vmem>> -> memref<1x80xi32, #tpu.memory_space<vmem>>
      %dma_start3A_228 = tpu.memref_squeeze %dma_start3A_227 : memref<1x80xi32, #tpu.memory_space<vmem>> -> memref<80xi32, #tpu.memory_space<vmem>>
      %dma_start3A_229 = tpu.memref_slice %arg2[%add3A_46] : memref<640000xi32, #tpu.memory_space<hbm>> -> memref<80xi32, #tpu.memory_space<hbm>>
      %dma_start3A_230 = arith.constant 0 : i32
      %dma_start3A_231 = tpu.memref_slice %arg6[%run_scoped3A_47, %dma_start3A_230] : memref<4x80xi32, #tpu.memory_space<vmem>> -> memref<1x80xi32, #tpu.memory_space<vmem>>
      %dma_start3A_232 = tpu.memref_squeeze %dma_start3A_231 : memref<1x80xi32, #tpu.memory_space<vmem>> -> memref<80xi32, #tpu.memory_space<vmem>>
      %dma_start3A_233 = tpu.memref_slice %arg2[%add3A_46] : memref<640000xi32, #tpu.memory_space<hbm>> -> memref<80xi32, #tpu.memory_space<hbm>>
      tpu.enqueue_dma source(%dma_start3A_233 : memref<80xi32, #tpu.memory_space<hbm>>) target(%dma_start3A_232 : memref<80xi32, #tpu.memory_space<vmem>>) target_semaphore(%run_scoped3A_225 : memref<!tpu.dma_semaphore, #tpu.memory_space<semaphore_mem>>)
      %dma_wait3A_234 = arith.constant 0 : i32
      %dma_wait3A_235 = tpu.memref_slice %arg6[%run_scoped3A_47, %dma_wait3A_234] : memref<4x80xi32, #tpu.memory_space<vmem>> -> memref<1x80xi32, #tpu.memory_space<vmem>>
      %dma_wait3A_236 = tpu.memref_squeeze %dma_wait3A_235 : memref<1x80xi32, #tpu.memory_space<vmem>> -> memref<80xi32, #tpu.memory_space<vmem>>
      %dma_wait3A_237 = tpu.memref_slice %arg2[%add3A_46] : memref<640000xi32, #tpu.memory_space<hbm>> -> memref<80xi32, #tpu.memory_space<hbm>>
      %dma_wait3A_238 = arith.constant 0 : i32
      %dma_wait3A_239 = tpu.memref_slice %arg6[%run_scoped3A_47, %dma_wait3A_238] : memref<4x80xi32, #tpu.memory_space<vmem>> -> memref<1x80xi32, #tpu.memory_space<vmem>>
      %dma_wait3A_240 = tpu.memref_squeeze %dma_wait3A_239 : memref<1x80xi32, #tpu.memory_space<vmem>> -> memref<80xi32, #tpu.memory_space<vmem>>
      %dma_wait3A_241 = tpu.memref_slice %arg2[%add3A_46] : memref<640000xi32, #tpu.memory_space<hbm>> -> memref<80xi32, #tpu.memory_space<hbm>>
      tpu.wait_dma2 semaphore(%run_scoped3A_225 : memref<!tpu.dma_semaphore, #tpu.memory_space<semaphore_mem>>) src(%dma_wait3A_241 : memref<80xi32, #tpu.memory_space<hbm>>) dst(%dma_wait3A_240 : memref<80xi32, #tpu.memory_space<vmem>>)
      tpu.yield
    }) : () -> ()
    %add3A_48 = arith.constant 0 : i32
    %add3A_49 = arith.addi %mul3A_42, %add3A_48 : i32
    %run_scoped3A_50 = arith.constant 0 : i32
    "tpu.region"() ({
      %run_scoped3A_225 = tpu.sem_alloc : memref<!tpu.dma_semaphore, #tpu.memory_space<semaphore_mem>>
      %dma_start3A_226 = arith.constant 0 : i32
      %dma_start3A_227 = tpu.memref_slice %arg7[%run_scoped3A_50, %dma_start3A_226] : memref<4x80xi32, #tpu.memory_space<vmem>> -> memref<1x80xi32, #tpu.memory_space<vmem>>
      %dma_start3A_228 = tpu.memref_squeeze %dma_start3A_227 : memref<1x80xi32, #tpu.memory_space<vmem>> -> memref<80xi32, #tpu.memory_space<vmem>>
      %dma_start3A_229 = tpu.memref_slice %arg2[%add3A_49] : memref<640000xi32, #tpu.memory_space<hbm>> -> memref<80xi32, #tpu.memory_space<hbm>>
      %dma_start3A_230 = arith.constant 0 : i32
      %dma_start3A_231 = tpu.memref_slice %arg7[%run_scoped3A_50, %dma_start3A_230] : memref<4x80xi32, #tpu.memory_space<vmem>> -> memref<1x80xi32, #tpu.memory_space<vmem>>
      %dma_start3A_232 = tpu.memref_squeeze %dma_start3A_231 : memref<1x80xi32, #tpu.memory_space<vmem>> -> memref<80xi32, #tpu.memory_space<vmem>>
      %dma_start3A_233 = tpu.memref_slice %arg2[%add3A_49] : memref<640000xi32, #tpu.memory_space<hbm>> -> memref<80xi32, #tpu.memory_space<hbm>>
      tpu.enqueue_dma source(%dma_start3A_233 : memref<80xi32, #tpu.memory_space<hbm>>) target(%dma_start3A_232 : memref<80xi32, #tpu.memory_space<vmem>>) target_semaphore(%run_scoped3A_225 : memref<!tpu.dma_semaphore, #tpu.memory_space<semaphore_mem>>)
      %dma_wait3A_234 = arith.constant 0 : i32
      %dma_wait3A_235 = tpu.memref_slice %arg7[%run_scoped3A_50, %dma_wait3A_234] : memref<4x80xi32, #tpu.memory_space<vmem>> -> memref<1x80xi32, #tpu.memory_space<vmem>>
      %dma_wait3A_236 = tpu.memref_squeeze %dma_wait3A_235 : memref<1x80xi32, #tpu.memory_space<vmem>> -> memref<80xi32, #tpu.memory_space<vmem>>
      %dma_wait3A_237 = tpu.memref_slice %arg2[%add3A_49] : memref<640000xi32, #tpu.memory_space<hbm>> -> memref<80xi32, #tpu.memory_space<hbm>>
      %dma_wait3A_238 = arith.constant 0 : i32
      %dma_wait3A_239 = tpu.memref_slice %arg7[%run_scoped3A_50, %dma_wait3A_238] : memref<4x80xi32, #tpu.memory_space<vmem>> -> memref<1x80xi32, #tpu.memory_space<vmem>>
      %dma_wait3A_240 = tpu.memref_squeeze %dma_wait3A_239 : memref<1x80xi32, #tpu.memory_space<vmem>> -> memref<80xi32, #tpu.memory_space<vmem>>
      %dma_wait3A_241 = tpu.memref_slice %arg2[%add3A_49] : memref<640000xi32, #tpu.memory_space<hbm>> -> memref<80xi32, #tpu.memory_space<hbm>>
      tpu.wait_dma2 semaphore(%run_scoped3A_225 : memref<!tpu.dma_semaphore, #tpu.memory_space<semaphore_mem>>) src(%dma_wait3A_241 : memref<80xi32, #tpu.memory_space<hbm>>) dst(%dma_wait3A_240 : memref<80xi32, #tpu.memory_space<vmem>>)
      tpu.yield
    }) : () -> ()
    %add3A_51 = arith.constant 80 : i32
    %add3A_52 = arith.addi %add3A_44, %add3A_51 : i32
    %run_scoped3A_53 = arith.constant 1 : i32
    "tpu.region"() ({
      %run_scoped3A_225 = tpu.sem_alloc : memref<!tpu.dma_semaphore, #tpu.memory_space<semaphore_mem>>
      %dma_start3A_226 = arith.constant 0 : i32
      %dma_start3A_227 = tpu.memref_slice %arg6[%run_scoped3A_53, %dma_start3A_226] : memref<4x80xi32, #tpu.memory_space<vmem>> -> memref<1x80xi32, #tpu.memory_space<vmem>>
      %dma_start3A_228 = tpu.memref_squeeze %dma_start3A_227 : memref<1x80xi32, #tpu.memory_space<vmem>> -> memref<80xi32, #tpu.memory_space<vmem>>
      %dma_start3A_229 = tpu.memref_slice %arg2[%add3A_52] : memref<640000xi32, #tpu.memory_space<hbm>> -> memref<80xi32, #tpu.memory_space<hbm>>
      %dma_start3A_230 = arith.constant 0 : i32
      %dma_start3A_231 = tpu.memref_slice %arg6[%run_scoped3A_53, %dma_start3A_230] : memref<4x80xi32, #tpu.memory_space<vmem>> -> memref<1x80xi32, #tpu.memory_space<vmem>>
      %dma_start3A_232 = tpu.memref_squeeze %dma_start3A_231 : memref<1x80xi32, #tpu.memory_space<vmem>> -> memref<80xi32, #tpu.memory_space<vmem>>
      %dma_start3A_233 = tpu.memref_slice %arg2[%add3A_52] : memref<640000xi32, #tpu.memory_space<hbm>> -> memref<80xi32, #tpu.memory_space<hbm>>
      tpu.enqueue_dma source(%dma_start3A_233 : memref<80xi32, #tpu.memory_space<hbm>>) target(%dma_start3A_232 : memref<80xi32, #tpu.memory_space<vmem>>) target_semaphore(%run_scoped3A_225 : memref<!tpu.dma_semaphore, #tpu.memory_space<semaphore_mem>>)
      %dma_wait3A_234 = arith.constant 0 : i32
      %dma_wait3A_235 = tpu.memref_slice %arg6[%run_scoped3A_53, %dma_wait3A_234] : memref<4x80xi32, #tpu.memory_space<vmem>> -> memref<1x80xi32, #tpu.memory_space<vmem>>
      %dma_wait3A_236 = tpu.memref_squeeze %dma_wait3A_235 : memref<1x80xi32, #tpu.memory_space<vmem>> -> memref<80xi32, #tpu.memory_space<vmem>>
      %dma_wait3A_237 = tpu.memref_slice %arg2[%add3A_52] : memref<640000xi32, #tpu.memory_space<hbm>> -> memref<80xi32, #tpu.memory_space<hbm>>
      %dma_wait3A_238 = arith.constant 0 : i32
      %dma_wait3A_239 = tpu.memref_slice %arg6[%run_scoped3A_53, %dma_wait3A_238] : memref<4x80xi32, #tpu.memory_space<vmem>> -> memref<1x80xi32, #tpu.memory_space<vmem>>
      %dma_wait3A_240 = tpu.memref_squeeze %dma_wait3A_239 : memref<1x80xi32, #tpu.memory_space<vmem>> -> memref<80xi32, #tpu.memory_space<vmem>>
      %dma_wait3A_241 = tpu.memref_slice %arg2[%add3A_52] : memref<640000xi32, #tpu.memory_space<hbm>> -> memref<80xi32, #tpu.memory_space<hbm>>
      tpu.wait_dma2 semaphore(%run_scoped3A_225 : memref<!tpu.dma_semaphore, #tpu.memory_space<semaphore_mem>>) src(%dma_wait3A_241 : memref<80xi32, #tpu.memory_space<hbm>>) dst(%dma_wait3A_240 : memref<80xi32, #tpu.memory_space<vmem>>)
      tpu.yield
    }) : () -> ()
    %add3A_54 = arith.constant 80 : i32
    %add3A_55 = arith.addi %mul3A_42, %add3A_54 : i32
    %run_scoped3A_56 = arith.constant 1 : i32
    "tpu.region"() ({
      %run_scoped3A_225 = tpu.sem_alloc : memref<!tpu.dma_semaphore, #tpu.memory_space<semaphore_mem>>
      %dma_start3A_226 = arith.constant 0 : i32
      %dma_start3A_227 = tpu.memref_slice %arg7[%run_scoped3A_56, %dma_start3A_226] : memref<4x80xi32, #tpu.memory_space<vmem>> -> memref<1x80xi32, #tpu.memory_space<vmem>>
      %dma_start3A_228 = tpu.memref_squeeze %dma_start3A_227 : memref<1x80xi32, #tpu.memory_space<vmem>> -> memref<80xi32, #tpu.memory_space<vmem>>
      %dma_start3A_229 = tpu.memref_slice %arg2[%add3A_55] : memref<640000xi32, #tpu.memory_space<hbm>> -> memref<80xi32, #tpu.memory_space<hbm>>
      %dma_start3A_230 = arith.constant 0 : i32
      %dma_start3A_231 = tpu.memref_slice %arg7[%run_scoped3A_56, %dma_start3A_230] : memref<4x80xi32, #tpu.memory_space<vmem>> -> memref<1x80xi32, #tpu.memory_space<vmem>>
      %dma_start3A_232 = tpu.memref_squeeze %dma_start3A_231 : memref<1x80xi32, #tpu.memory_space<vmem>> -> memref<80xi32, #tpu.memory_space<vmem>>
      %dma_start3A_233 = tpu.memref_slice %arg2[%add3A_55] : memref<640000xi32, #tpu.memory_space<hbm>> -> memref<80xi32, #tpu.memory_space<hbm>>
      tpu.enqueue_dma source(%dma_start3A_233 : memref<80xi32, #tpu.memory_space<hbm>>) target(%dma_start3A_232 : memref<80xi32, #tpu.memory_space<vmem>>) target_semaphore(%run_scoped3A_225 : memref<!tpu.dma_semaphore, #tpu.memory_space<semaphore_mem>>)
      %dma_wait3A_234 = arith.constant 0 : i32
      %dma_wait3A_235 = tpu.memref_slice %arg7[%run_scoped3A_56, %dma_wait3A_234] : memref<4x80xi32, #tpu.memory_space<vmem>> -> memref<1x80xi32, #tpu.memory_space<vmem>>
      %dma_wait3A_236 = tpu.memref_squeeze %dma_wait3A_235 : memref<1x80xi32, #tpu.memory_space<vmem>> -> memref<80xi32, #tpu.memory_space<vmem>>
      %dma_wait3A_237 = tpu.memref_slice %arg2[%add3A_55] : memref<640000xi32, #tpu.memory_space<hbm>> -> memref<80xi32, #tpu.memory_space<hbm>>
      %dma_wait3A_238 = arith.constant 0 : i32
      %dma_wait3A_239 = tpu.memref_slice %arg7[%run_scoped3A_56, %dma_wait3A_238] : memref<4x80xi32, #tpu.memory_space<vmem>> -> memref<1x80xi32, #tpu.memory_space<vmem>>
      %dma_wait3A_240 = tpu.memref_squeeze %dma_wait3A_239 : memref<1x80xi32, #tpu.memory_space<vmem>> -> memref<80xi32, #tpu.memory_space<vmem>>
      %dma_wait3A_241 = tpu.memref_slice %arg2[%add3A_55] : memref<640000xi32, #tpu.memory_space<hbm>> -> memref<80xi32, #tpu.memory_space<hbm>>
      tpu.wait_dma2 semaphore(%run_scoped3A_225 : memref<!tpu.dma_semaphore, #tpu.memory_space<semaphore_mem>>) src(%dma_wait3A_241 : memref<80xi32, #tpu.memory_space<hbm>>) dst(%dma_wait3A_240 : memref<80xi32, #tpu.memory_space<vmem>>)
      tpu.yield
    }) : () -> ()
    %dma_start3A = arith.constant 0 : i32
    %dma_start3A_57 = arith.constant 0 : i32
    %dma_start3A_58 = arith.constant 0 : i32
    %dma_start3A_59 = arith.constant 0 : i32
    %dma_start3A_60 = tpu.memref_slice %arg8[%dma_start3A_57, %dma_start3A_58, %dma_start3A_59] : memref<4x80x128xf32, #tpu.memory_space<vmem>> -> memref<1x80x128xf32, #tpu.memory_space<vmem>>
    %dma_start3A_61 = tpu.memref_squeeze %dma_start3A_60 : memref<1x80x128xf32, #tpu.memory_space<vmem>> -> memref<80x128xf32, #tpu.memory_space<vmem>>
    %dma_start3A_62 = arith.constant 0 : i32
    %dma_start3A_63 = tpu.memref_slice %arg6[%dma_start3A, %dma_start3A_62] : memref<4x80xi32, #tpu.memory_space<vmem>> -> memref<1x80xi32, #tpu.memory_space<vmem>>
    %dma_start3A_64 = tpu.memref_squeeze %dma_start3A_63 : memref<1x80xi32, #tpu.memory_space<vmem>> -> memref<80xi32, #tpu.memory_space<vmem>>
    %dma_start3A_65 = arith.constant 0 : i32
    %dma_start3A_66 = arith.constant 0 : i32
    %dma_start3A_67 = tpu.memref_slice %arg3[%dma_start3A_65, %dma_start3A_66] : memref<10000x128xf32, #tpu.memory_space<hbm>> -> memref<10000x128xf32, #tpu.memory_space<hbm>>
    tpu.enqueue_indirect_dma source(%dma_start3A_67 : memref<10000x128xf32, #tpu.memory_space<hbm>>) target(%dma_start3A_61 : memref<80x128xf32, #tpu.memory_space<vmem>>) offsets(%dma_start3A_64 : memref<80xi32, #tpu.memory_space<vmem>>) semaphore(%arg14 : memref<!tpu.dma_semaphore, #tpu.memory_space<semaphore_mem>>)
    %scan3A = arith.constant 0 : i32
    %scan3A_68 = arith.constant 0 : i32
    %scan3A_69 = arith.constant 32 : i32
    %scan3A_70 = arith.addi %scan3A_68, %scan3A_69 : i32
    %scan3A_71 = arith.constant 1 : i32
    scf.for %scan3A_225 = %scan3A_68 to %scan3A_70 step %scan3A_71  : i32 {
      %mul3A_226 = arith.constant 4 : i32
      %mul3A_227 = arith.muli %scan3A_225, %mul3A_226 : i32
      %add3A_228 = arith.constant 0 : i32
      %add3A_229 = arith.addi %mul3A_227, %add3A_228 : i32
      %add3A_230 = arith.constant 2 : i32
      %add3A_231 = arith.addi %add3A_229, %add3A_230 : i32
      %lt3A = arith.constant 125 : i32
      %lt3A_232 = arith.cmpi slt, %add3A_231, %lt3A : i32
      %convert_element_type3A = arith.extui %lt3A_232 : i1 to i32
      %cond3A = arith.constant 0 : i32
      %cond3A_233 = arith.cmpi ne, %convert_element_type3A, %cond3A : i32
      scf.if %cond3A_233 {
        %gt3A = arith.constant 0 : i32
        %gt3A_315 = arith.cmpi sgt, %scan3A_225, %gt3A : i32
        %convert_element_type3A_316 = arith.extui %gt3A_315 : i1 to i32
        %cond3A_317 = arith.constant 0 : i32
        %cond3A_318 = arith.cmpi ne, %convert_element_type3A_316, %cond3A_317 : i32
        scf.if %cond3A_318 {
          %dma_wait3A_344 = arith.constant 2 : i32
          %dma_wait3A_345 = arith.constant 2 : i32
          %dma_wait3A_346 = arith.constant 0 : i32
          %dma_wait3A_347 = arith.constant 0 : i32
          %dma_wait3A_348 = tpu.memref_slice %arg8[%dma_wait3A_344, %dma_wait3A_346, %dma_wait3A_347] : memref<4x80x128xf32, #tpu.memory_space<vmem>> -> memref<1x80x128xf32, #tpu.memory_space<vmem>>
          %dma_wait3A_349 = tpu.memref_squeeze %dma_wait3A_348 : memref<1x80x128xf32, #tpu.memory_space<vmem>> -> memref<80x128xf32, #tpu.memory_space<vmem>>
          %dma_wait3A_350 = arith.constant 0 : i32
          %dma_wait3A_351 = tpu.memref_slice %arg7[%dma_wait3A_345, %dma_wait3A_350] : memref<4x80xi32, #tpu.memory_space<vmem>> -> memref<1x80xi32, #tpu.memory_space<vmem>>
          %dma_wait3A_352 = tpu.memref_squeeze %dma_wait3A_351 : memref<1x80xi32, #tpu.memory_space<vmem>> -> memref<80xi32, #tpu.memory_space<vmem>>
          %dma_wait3A_353 = arith.constant 0 : i32
          %dma_wait3A_354 = arith.constant 0 : i32
          %dma_wait3A_355 = tpu.memref_slice %arg9[%dma_wait3A_353, %dma_wait3A_354] : memref<10240x128xf32, #tpu.memory_space<vmem_shared>> -> memref<10240x128xf32, #tpu.memory_space<vmem_shared>>
          tpu.wait_indirect_dma semaphore(%arg20 : memref<!tpu.dma_semaphore, #tpu.memory_space<semaphore_mem>>) src(%dma_wait3A_349 : memref<80x128xf32, #tpu.memory_space<vmem>>) dst(%dma_wait3A_355 : memref<10240x128xf32, #tpu.memory_space<vmem_shared>>)
        } else {
        }
        %add3A_319 = arith.constant 2 : i32
        %add3A_320 = arith.addi %add3A_229, %add3A_319 : i32
        %mul3A_321 = arith.constant 80 : i32
        %mul3A_322 = arith.muli %add3A_320, %mul3A_321 : i32
        %add3A_323 = arith.addi %mul3A_42, %mul3A_322 : i32
        %add3A_324 = arith.constant 320000 : i32
        %add3A_325 = arith.addi %add3A_324, %add3A_323 : i32
        %dma_start3A_326 = arith.constant 2 : i32
        %dma_start3A_327 = arith.constant 0 : i32
        %dma_start3A_328 = tpu.memref_slice %arg6[%dma_start3A_326, %dma_start3A_327] : memref<4x80xi32, #tpu.memory_space<vmem>> -> memref<1x80xi32, #tpu.memory_space<vmem>>
        %dma_start3A_329 = tpu.memref_squeeze %dma_start3A_328 : memref<1x80xi32, #tpu.memory_space<vmem>> -> memref<80xi32, #tpu.memory_space<vmem>>
        %dma_start3A_330 = tpu.memref_slice %arg2[%add3A_325] : memref<640000xi32, #tpu.memory_space<hbm>> -> memref<80xi32, #tpu.memory_space<hbm>>
        %dma_start3A_331 = arith.constant 0 : i32
        %dma_start3A_332 = tpu.memref_slice %arg6[%dma_start3A_326, %dma_start3A_331] : memref<4x80xi32, #tpu.memory_space<vmem>> -> memref<1x80xi32, #tpu.memory_space<vmem>>
        %dma_start3A_333 = tpu.memref_squeeze %dma_start3A_332 : memref<1x80xi32, #tpu.memory_space<vmem>> -> memref<80xi32, #tpu.memory_space<vmem>>
        %dma_start3A_334 = tpu.memref_slice %arg2[%add3A_325] : memref<640000xi32, #tpu.memory_space<hbm>> -> memref<80xi32, #tpu.memory_space<hbm>>
        tpu.enqueue_dma source(%dma_start3A_334 : memref<80xi32, #tpu.memory_space<hbm>>) target(%dma_start3A_333 : memref<80xi32, #tpu.memory_space<vmem>>) target_semaphore(%arg12 : memref<!tpu.dma_semaphore, #tpu.memory_space<semaphore_mem>>)
        %dma_start3A_335 = arith.constant 2 : i32
        %dma_start3A_336 = arith.constant 0 : i32
        %dma_start3A_337 = tpu.memref_slice %arg7[%dma_start3A_335, %dma_start3A_336] : memref<4x80xi32, #tpu.memory_space<vmem>> -> memref<1x80xi32, #tpu.memory_space<vmem>>
        %dma_start3A_338 = tpu.memref_squeeze %dma_start3A_337 : memref<1x80xi32, #tpu.memory_space<vmem>> -> memref<80xi32, #tpu.memory_space<vmem>>
        %dma_start3A_339 = tpu.memref_slice %arg2[%add3A_323] : memref<640000xi32, #tpu.memory_space<hbm>> -> memref<80xi32, #tpu.memory_space<hbm>>
        %dma_start3A_340 = arith.constant 0 : i32
        %dma_start3A_341 = tpu.memref_slice %arg7[%dma_start3A_335, %dma_start3A_340] : memref<4x80xi32, #tpu.memory_space<vmem>> -> memref<1x80xi32, #tpu.memory_space<vmem>>
        %dma_start3A_342 = tpu.memref_squeeze %dma_start3A_341 : memref<1x80xi32, #tpu.memory_space<vmem>> -> memref<80xi32, #tpu.memory_space<vmem>>
        %dma_start3A_343 = tpu.memref_slice %arg2[%add3A_323] : memref<640000xi32, #tpu.memory_space<hbm>> -> memref<80xi32, #tpu.memory_space<hbm>>
        tpu.enqueue_dma source(%dma_start3A_343 : memref<80xi32, #tpu.memory_space<hbm>>) target(%dma_start3A_342 : memref<80xi32, #tpu.memory_space<vmem>>) target_semaphore(%arg12 : memref<!tpu.dma_semaphore, #tpu.memory_space<semaphore_mem>>)
      } else {
      }
      %add3A_234 = arith.constant 1 : i32
      %add3A_235 = arith.addi %add3A_229, %add3A_234 : i32
      %lt3A_236 = arith.constant 125 : i32
      %lt3A_237 = arith.cmpi slt, %add3A_235, %lt3A_236 : i32
      %convert_element_type3A_238 = arith.extui %lt3A_237 : i1 to i32
      %cond3A_239 = arith.constant 0 : i32
      %cond3A_240 = arith.cmpi ne, %convert_element_type3A_238, %cond3A_239 : i32
      scf.if %cond3A_240 {
        %gt3A = arith.constant 0 : i32
        %gt3A_315 = arith.cmpi sgt, %scan3A_225, %gt3A : i32
        %convert_element_type3A_316 = arith.extui %gt3A_315 : i1 to i32
        %cond3A_317 = arith.constant 0 : i32
        %cond3A_318 = arith.cmpi ne, %convert_element_type3A_316, %cond3A_317 : i32
        scf.if %cond3A_318 {
          %dma_wait3A_331 = arith.constant 1 : i32
          %dma_wait3A_332 = arith.constant 0 : i32
          %dma_wait3A_333 = tpu.memref_slice %arg6[%dma_wait3A_331, %dma_wait3A_332] : memref<4x80xi32, #tpu.memory_space<vmem>> -> memref<1x80xi32, #tpu.memory_space<vmem>>
          %dma_wait3A_334 = tpu.memref_squeeze %dma_wait3A_333 : memref<1x80xi32, #tpu.memory_space<vmem>> -> memref<80xi32, #tpu.memory_space<vmem>>
          %dma_wait3A_335 = tpu.memref_slice %arg2[%add3A_44] : memref<640000xi32, #tpu.memory_space<hbm>> -> memref<80xi32, #tpu.memory_space<hbm>>
          %dma_wait3A_336 = arith.constant 0 : i32
          %dma_wait3A_337 = tpu.memref_slice %arg6[%dma_wait3A_331, %dma_wait3A_336] : memref<4x80xi32, #tpu.memory_space<vmem>> -> memref<1x80xi32, #tpu.memory_space<vmem>>
          %dma_wait3A_338 = tpu.memref_squeeze %dma_wait3A_337 : memref<1x80xi32, #tpu.memory_space<vmem>> -> memref<80xi32, #tpu.memory_space<vmem>>
          %dma_wait3A_339 = tpu.memref_slice %arg2[%add3A_44] : memref<640000xi32, #tpu.memory_space<hbm>> -> memref<80xi32, #tpu.memory_space<hbm>>
          tpu.wait_dma2 semaphore(%arg11 : memref<!tpu.dma_semaphore, #tpu.memory_space<semaphore_mem>>) src(%dma_wait3A_339 : memref<80xi32, #tpu.memory_space<hbm>>) dst(%dma_wait3A_338 : memref<80xi32, #tpu.memory_space<vmem>>)
          %dma_wait3A_340 = arith.constant 1 : i32
          %dma_wait3A_341 = arith.constant 0 : i32
          %dma_wait3A_342 = tpu.memref_slice %arg7[%dma_wait3A_340, %dma_wait3A_341] : memref<4x80xi32, #tpu.memory_space<vmem>> -> memref<1x80xi32, #tpu.memory_space<vmem>>
          %dma_wait3A_343 = tpu.memref_squeeze %dma_wait3A_342 : memref<1x80xi32, #tpu.memory_space<vmem>> -> memref<80xi32, #tpu.memory_space<vmem>>
          %dma_wait3A_344 = tpu.memref_slice %arg2[%mul3A_42] : memref<640000xi32, #tpu.memory_space<hbm>> -> memref<80xi32, #tpu.memory_space<hbm>>
          %dma_wait3A_345 = arith.constant 0 : i32
          %dma_wait3A_346 = tpu.memref_slice %arg7[%dma_wait3A_340, %dma_wait3A_345] : memref<4x80xi32, #tpu.memory_space<vmem>> -> memref<1x80xi32, #tpu.memory_space<vmem>>
          %dma_wait3A_347 = tpu.memref_squeeze %dma_wait3A_346 : memref<1x80xi32, #tpu.memory_space<vmem>> -> memref<80xi32, #tpu.memory_space<vmem>>
          %dma_wait3A_348 = tpu.memref_slice %arg2[%mul3A_42] : memref<640000xi32, #tpu.memory_space<hbm>> -> memref<80xi32, #tpu.memory_space<hbm>>
          tpu.wait_dma2 semaphore(%arg11 : memref<!tpu.dma_semaphore, #tpu.memory_space<semaphore_mem>>) src(%dma_wait3A_348 : memref<80xi32, #tpu.memory_space<hbm>>) dst(%dma_wait3A_347 : memref<80xi32, #tpu.memory_space<vmem>>)
        } else {
        }
        %dma_start3A_319 = arith.constant 1 : i32
        %dma_start3A_320 = arith.constant 1 : i32
        %dma_start3A_321 = arith.constant 0 : i32
        %dma_start3A_322 = arith.constant 0 : i32
        %dma_start3A_323 = tpu.memref_slice %arg8[%dma_start3A_320, %dma_start3A_321, %dma_start3A_322] : memref<4x80x128xf32, #tpu.memory_space<vmem>> -> memref<1x80x128xf32, #tpu.memory_space<vmem>>
        %dma_start3A_324 = tpu.memref_squeeze %dma_start3A_323 : memref<1x80x128xf32, #tpu.memory_space<vmem>> -> memref<80x128xf32, #tpu.memory_space<vmem>>
        %dma_start3A_325 = arith.constant 0 : i32
        %dma_start3A_326 = tpu.memref_slice %arg6[%dma_start3A_319, %dma_start3A_325] : memref<4x80xi32, #tpu.memory_space<vmem>> -> memref<1x80xi32, #tpu.memory_space<vmem>>
        %dma_start3A_327 = tpu.memref_squeeze %dma_start3A_326 : memref<1x80xi32, #tpu.memory_space<vmem>> -> memref<80xi32, #tpu.memory_space<vmem>>
        %dma_start3A_328 = arith.constant 0 : i32
        %dma_start3A_329 = arith.constant 0 : i32
        %dma_start3A_330 = tpu.memref_slice %arg3[%dma_start3A_328, %dma_start3A_329] : memref<10000x128xf32, #tpu.memory_space<hbm>> -> memref<10000x128xf32, #tpu.memory_space<hbm>>
        tpu.enqueue_indirect_dma source(%dma_start3A_330 : memref<10000x128xf32, #tpu.memory_space<hbm>>) target(%dma_start3A_324 : memref<80x128xf32, #tpu.memory_space<vmem>>) offsets(%dma_start3A_327 : memref<80xi32, #tpu.memory_space<vmem>>) semaphore(%arg15 : memref<!tpu.dma_semaphore, #tpu.memory_space<semaphore_mem>>)
      } else {
      }
      %lt3A_241 = arith.constant 125 : i32
      %lt3A_242 = arith.cmpi slt, %add3A_229, %lt3A_241 : i32
      %convert_element_type3A_243 = arith.extui %lt3A_242 : i1 to i32
      %cond3A_244 = arith.constant 0 : i32
      %cond3A_245 = arith.cmpi ne, %convert_element_type3A_243, %cond3A_244 : i32
      scf.if %cond3A_245 {
        %dma_wait3A_315 = arith.constant 0 : i32
        %dma_wait3A_316 = arith.constant 0 : i32
        %dma_wait3A_317 = arith.constant 0 : i32
        %dma_wait3A_318 = arith.constant 0 : i32
        %dma_wait3A_319 = tpu.memref_slice %arg8[%dma_wait3A_316, %dma_wait3A_317, %dma_wait3A_318] : memref<4x80x128xf32, #tpu.memory_space<vmem>> -> memref<1x80x128xf32, #tpu.memory_space<vmem>>
        %dma_wait3A_320 = tpu.memref_squeeze %dma_wait3A_319 : memref<1x80x128xf32, #tpu.memory_space<vmem>> -> memref<80x128xf32, #tpu.memory_space<vmem>>
        %dma_wait3A_321 = arith.constant 0 : i32
        %dma_wait3A_322 = tpu.memref_slice %arg6[%dma_wait3A_315, %dma_wait3A_321] : memref<4x80xi32, #tpu.memory_space<vmem>> -> memref<1x80xi32, #tpu.memory_space<vmem>>
        %dma_wait3A_323 = tpu.memref_squeeze %dma_wait3A_322 : memref<1x80xi32, #tpu.memory_space<vmem>> -> memref<80xi32, #tpu.memory_space<vmem>>
        %dma_wait3A_324 = arith.constant 0 : i32
        %dma_wait3A_325 = arith.constant 0 : i32
        %dma_wait3A_326 = tpu.memref_slice %arg3[%dma_wait3A_324, %dma_wait3A_325] : memref<10000x128xf32, #tpu.memory_space<hbm>> -> memref<10000x128xf32, #tpu.memory_space<hbm>>
        tpu.wait_indirect_dma semaphore(%arg14 : memref<!tpu.dma_semaphore, #tpu.memory_space<semaphore_mem>>) src(%dma_wait3A_326 : memref<10000x128xf32, #tpu.memory_space<hbm>>) dst(%dma_wait3A_320 : memref<80x128xf32, #tpu.memory_space<vmem>>)
        %dma_start3A_327 = arith.constant 0 : i32
        %dma_start3A_328 = arith.constant 0 : i32
        %dma_start3A_329 = arith.constant 0 : i32
        %dma_start3A_330 = arith.constant 0 : i32
        %dma_start3A_331 = tpu.memref_slice %arg8[%dma_start3A_327, %dma_start3A_329, %dma_start3A_330] : memref<4x80x128xf32, #tpu.memory_space<vmem>> -> memref<1x80x128xf32, #tpu.memory_space<vmem>>
        %dma_start3A_332 = tpu.memref_squeeze %dma_start3A_331 : memref<1x80x128xf32, #tpu.memory_space<vmem>> -> memref<80x128xf32, #tpu.memory_space<vmem>>
        %dma_start3A_333 = arith.constant 0 : i32
        %dma_start3A_334 = tpu.memref_slice %arg7[%dma_start3A_328, %dma_start3A_333] : memref<4x80xi32, #tpu.memory_space<vmem>> -> memref<1x80xi32, #tpu.memory_space<vmem>>
        %dma_start3A_335 = tpu.memref_squeeze %dma_start3A_334 : memref<1x80xi32, #tpu.memory_space<vmem>> -> memref<80xi32, #tpu.memory_space<vmem>>
        %dma_start3A_336 = arith.constant 0 : i32
        %dma_start3A_337 = arith.constant 0 : i32
        %dma_start3A_338 = tpu.memref_slice %arg9[%dma_start3A_336, %dma_start3A_337] : memref<10240x128xf32, #tpu.memory_space<vmem_shared>> -> memref<10240x128xf32, #tpu.memory_space<vmem_shared>>
        tpu.enqueue_indirect_dma source(%dma_start3A_332 : memref<80x128xf32, #tpu.memory_space<vmem>>) target(%dma_start3A_338 : memref<10240x128xf32, #tpu.memory_space<vmem_shared>>) offsets(%dma_start3A_335 : memref<80xi32, #tpu.memory_space<vmem>>) semaphore(%arg18 : memref<!tpu.dma_semaphore, #tpu.memory_space<semaphore_mem>>) {add = true}
      } else {
      }
      %mul3A_246 = arith.constant 4 : i32
      %mul3A_247 = arith.muli %scan3A_225, %mul3A_246 : i32
      %add3A_248 = arith.constant 1 : i32
      %add3A_249 = arith.addi %mul3A_247, %add3A_248 : i32
      %add3A_250 = arith.constant 2 : i32
      %add3A_251 = arith.addi %add3A_249, %add3A_250 : i32
      %lt3A_252 = arith.constant 125 : i32
      %lt3A_253 = arith.cmpi slt, %add3A_251, %lt3A_252 : i32
      %convert_element_type3A_254 = arith.extui %lt3A_253 : i1 to i32
      %cond3A_255 = arith.constant 0 : i32
      %cond3A_256 = arith.cmpi ne, %convert_element_type3A_254, %cond3A_255 : i32
      scf.if %cond3A_256 {
        %gt3A = arith.constant 0 : i32
        %gt3A_315 = arith.cmpi sgt, %scan3A_225, %gt3A : i32
        %convert_element_type3A_316 = arith.extui %gt3A_315 : i1 to i32
        %cond3A_317 = arith.constant 0 : i32
        %cond3A_318 = arith.cmpi ne, %convert_element_type3A_316, %cond3A_317 : i32
        scf.if %cond3A_318 {
          %dma_wait3A_344 = arith.constant 3 : i32
          %dma_wait3A_345 = arith.constant 3 : i32
          %dma_wait3A_346 = arith.constant 0 : i32
          %dma_wait3A_347 = arith.constant 0 : i32
          %dma_wait3A_348 = tpu.memref_slice %arg8[%dma_wait3A_344, %dma_wait3A_346, %dma_wait3A_347] : memref<4x80x128xf32, #tpu.memory_space<vmem>> -> memref<1x80x128xf32, #tpu.memory_space<vmem>>
          %dma_wait3A_349 = tpu.memref_squeeze %dma_wait3A_348 : memref<1x80x128xf32, #tpu.memory_space<vmem>> -> memref<80x128xf32, #tpu.memory_space<vmem>>
          %dma_wait3A_350 = arith.constant 0 : i32
          %dma_wait3A_351 = tpu.memref_slice %arg7[%dma_wait3A_345, %dma_wait3A_350] : memref<4x80xi32, #tpu.memory_space<vmem>> -> memref<1x80xi32, #tpu.memory_space<vmem>>
          %dma_wait3A_352 = tpu.memref_squeeze %dma_wait3A_351 : memref<1x80xi32, #tpu.memory_space<vmem>> -> memref<80xi32, #tpu.memory_space<vmem>>
          %dma_wait3A_353 = arith.constant 0 : i32
          %dma_wait3A_354 = arith.constant 0 : i32
          %dma_wait3A_355 = tpu.memref_slice %arg9[%dma_wait3A_353, %dma_wait3A_354] : memref<10240x128xf32, #tpu.memory_space<vmem_shared>> -> memref<10240x128xf32, #tpu.memory_space<vmem_shared>>
          tpu.wait_indirect_dma semaphore(%arg21 : memref<!tpu.dma_semaphore, #tpu.memory_space<semaphore_mem>>) src(%dma_wait3A_349 : memref<80x128xf32, #tpu.memory_space<vmem>>) dst(%dma_wait3A_355 : memref<10240x128xf32, #tpu.memory_space<vmem_shared>>)
        } else {
        }
        %add3A_319 = arith.constant 2 : i32
        %add3A_320 = arith.addi %add3A_249, %add3A_319 : i32
        %mul3A_321 = arith.constant 80 : i32
        %mul3A_322 = arith.muli %add3A_320, %mul3A_321 : i32
        %add3A_323 = arith.addi %mul3A_42, %mul3A_322 : i32
        %add3A_324 = arith.constant 320000 : i32
        %add3A_325 = arith.addi %add3A_324, %add3A_323 : i32
        %dma_start3A_326 = arith.constant 3 : i32
        %dma_start3A_327 = arith.constant 0 : i32
        %dma_start3A_328 = tpu.memref_slice %arg6[%dma_start3A_326, %dma_start3A_327] : memref<4x80xi32, #tpu.memory_space<vmem>> -> memref<1x80xi32, #tpu.memory_space<vmem>>
        %dma_start3A_329 = tpu.memref_squeeze %dma_start3A_328 : memref<1x80xi32, #tpu.memory_space<vmem>> -> memref<80xi32, #tpu.memory_space<vmem>>
        %dma_start3A_330 = tpu.memref_slice %arg2[%add3A_325] : memref<640000xi32, #tpu.memory_space<hbm>> -> memref<80xi32, #tpu.memory_space<hbm>>
        %dma_start3A_331 = arith.constant 0 : i32
        %dma_start3A_332 = tpu.memref_slice %arg6[%dma_start3A_326, %dma_start3A_331] : memref<4x80xi32, #tpu.memory_space<vmem>> -> memref<1x80xi32, #tpu.memory_space<vmem>>
        %dma_start3A_333 = tpu.memref_squeeze %dma_start3A_332 : memref<1x80xi32, #tpu.memory_space<vmem>> -> memref<80xi32, #tpu.memory_space<vmem>>
        %dma_start3A_334 = tpu.memref_slice %arg2[%add3A_325] : memref<640000xi32, #tpu.memory_space<hbm>> -> memref<80xi32, #tpu.memory_space<hbm>>
        tpu.enqueue_dma source(%dma_start3A_334 : memref<80xi32, #tpu.memory_space<hbm>>) target(%dma_start3A_333 : memref<80xi32, #tpu.memory_space<vmem>>) target_semaphore(%arg13 : memref<!tpu.dma_semaphore, #tpu.memory_space<semaphore_mem>>)
        %dma_start3A_335 = arith.constant 3 : i32
        %dma_start3A_336 = arith.constant 0 : i32
        %dma_start3A_337 = tpu.memref_slice %arg7[%dma_start3A_335, %dma_start3A_336] : memref<4x80xi32, #tpu.memory_space<vmem>> -> memref<1x80xi32, #tpu.memory_space<vmem>>
        %dma_start3A_338 = tpu.memref_squeeze %dma_start3A_337 : memref<1x80xi32, #tpu.memory_space<vmem>> -> memref<80xi32, #tpu.memory_space<vmem>>
        %dma_start3A_339 = tpu.memref_slice %arg2[%add3A_323] : memref<640000xi32, #tpu.memory_space<hbm>> -> memref<80xi32, #tpu.memory_space<hbm>>
        %dma_start3A_340 = arith.constant 0 : i32
        %dma_start3A_341 = tpu.memref_slice %arg7[%dma_start3A_335, %dma_start3A_340] : memref<4x80xi32, #tpu.memory_space<vmem>> -> memref<1x80xi32, #tpu.memory_space<vmem>>
        %dma_start3A_342 = tpu.memref_squeeze %dma_start3A_341 : memref<1x80xi32, #tpu.memory_space<vmem>> -> memref<80xi32, #tpu.memory_space<vmem>>
        %dma_start3A_343 = tpu.memref_slice %arg2[%add3A_323] : memref<640000xi32, #tpu.memory_space<hbm>> -> memref<80xi32, #tpu.memory_space<hbm>>
        tpu.enqueue_dma source(%dma_start3A_343 : memref<80xi32, #tpu.memory_space<hbm>>) target(%dma_start3A_342 : memref<80xi32, #tpu.memory_space<vmem>>) target_semaphore(%arg13 : memref<!tpu.dma_semaphore, #tpu.memory_space<semaphore_mem>>)
      } else {
      }
      %add3A_257 = arith.constant 1 : i32
      %add3A_258 = arith.addi %add3A_249, %add3A_257 : i32
      %lt3A_259 = arith.constant 125 : i32
      %lt3A_260 = arith.cmpi slt, %add3A_258, %lt3A_259 : i32
      %convert_element_type3A_261 = arith.extui %lt3A_260 : i1 to i32
      %cond3A_262 = arith.constant 0 : i32
      %cond3A_263 = arith.cmpi ne, %convert_element_type3A_261, %cond3A_262 : i32
      scf.if %cond3A_263 {
        %dma_wait3A_315 = arith.constant 2 : i32
        %dma_wait3A_316 = arith.constant 0 : i32
        %dma_wait3A_317 = tpu.memref_slice %arg6[%dma_wait3A_315, %dma_wait3A_316] : memref<4x80xi32, #tpu.memory_space<vmem>> -> memref<1x80xi32, #tpu.memory_space<vmem>>
        %dma_wait3A_318 = tpu.memref_squeeze %dma_wait3A_317 : memref<1x80xi32, #tpu.memory_space<vmem>> -> memref<80xi32, #tpu.memory_space<vmem>>
        %dma_wait3A_319 = tpu.memref_slice %arg2[%add3A_44] : memref<640000xi32, #tpu.memory_space<hbm>> -> memref<80xi32, #tpu.memory_space<hbm>>
        %dma_wait3A_320 = arith.constant 0 : i32
        %dma_wait3A_321 = tpu.memref_slice %arg6[%dma_wait3A_315, %dma_wait3A_320] : memref<4x80xi32, #tpu.memory_space<vmem>> -> memref<1x80xi32, #tpu.memory_space<vmem>>
        %dma_wait3A_322 = tpu.memref_squeeze %dma_wait3A_321 : memref<1x80xi32, #tpu.memory_space<vmem>> -> memref<80xi32, #tpu.memory_space<vmem>>
        %dma_wait3A_323 = tpu.memref_slice %arg2[%add3A_44] : memref<640000xi32, #tpu.memory_space<hbm>> -> memref<80xi32, #tpu.memory_space<hbm>>
        tpu.wait_dma2 semaphore(%arg12 : memref<!tpu.dma_semaphore, #tpu.memory_space<semaphore_mem>>) src(%dma_wait3A_323 : memref<80xi32, #tpu.memory_space<hbm>>) dst(%dma_wait3A_322 : memref<80xi32, #tpu.memory_space<vmem>>)
        %dma_wait3A_324 = arith.constant 2 : i32
        %dma_wait3A_325 = arith.constant 0 : i32
        %dma_wait3A_326 = tpu.memref_slice %arg7[%dma_wait3A_324, %dma_wait3A_325] : memref<4x80xi32, #tpu.memory_space<vmem>> -> memref<1x80xi32, #tpu.memory_space<vmem>>
        %dma_wait3A_327 = tpu.memref_squeeze %dma_wait3A_326 : memref<1x80xi32, #tpu.memory_space<vmem>> -> memref<80xi32, #tpu.memory_space<vmem>>
        %dma_wait3A_328 = tpu.memref_slice %arg2[%mul3A_42] : memref<640000xi32, #tpu.memory_space<hbm>> -> memref<80xi32, #tpu.memory_space<hbm>>
        %dma_wait3A_329 = arith.constant 0 : i32
        %dma_wait3A_330 = tpu.memref_slice %arg7[%dma_wait3A_324, %dma_wait3A_329] : memref<4x80xi32, #tpu.memory_space<vmem>> -> memref<1x80xi32, #tpu.memory_space<vmem>>
        %dma_wait3A_331 = tpu.memref_squeeze %dma_wait3A_330 : memref<1x80xi32, #tpu.memory_space<vmem>> -> memref<80xi32, #tpu.memory_space<vmem>>
        %dma_wait3A_332 = tpu.memref_slice %arg2[%mul3A_42] : memref<640000xi32, #tpu.memory_space<hbm>> -> memref<80xi32, #tpu.memory_space<hbm>>
        tpu.wait_dma2 semaphore(%arg12 : memref<!tpu.dma_semaphore, #tpu.memory_space<semaphore_mem>>) src(%dma_wait3A_332 : memref<80xi32, #tpu.memory_space<hbm>>) dst(%dma_wait3A_331 : memref<80xi32, #tpu.memory_space<vmem>>)
        %dma_start3A_333 = arith.constant 2 : i32
        %dma_start3A_334 = arith.constant 2 : i32
        %dma_start3A_335 = arith.constant 0 : i32
        %dma_start3A_336 = arith.constant 0 : i32
        %dma_start3A_337 = tpu.memref_slice %arg8[%dma_start3A_334, %dma_start3A_335, %dma_start3A_336] : memref<4x80x128xf32, #tpu.memory_space<vmem>> -> memref<1x80x128xf32, #tpu.memory_space<vmem>>
        %dma_start3A_338 = tpu.memref_squeeze %dma_start3A_337 : memref<1x80x128xf32, #tpu.memory_space<vmem>> -> memref<80x128xf32, #tpu.memory_space<vmem>>
        %dma_start3A_339 = arith.constant 0 : i32
        %dma_start3A_340 = tpu.memref_slice %arg6[%dma_start3A_333, %dma_start3A_339] : memref<4x80xi32, #tpu.memory_space<vmem>> -> memref<1x80xi32, #tpu.memory_space<vmem>>
        %dma_start3A_341 = tpu.memref_squeeze %dma_start3A_340 : memref<1x80xi32, #tpu.memory_space<vmem>> -> memref<80xi32, #tpu.memory_space<vmem>>
        %dma_start3A_342 = arith.constant 0 : i32
        %dma_start3A_343 = arith.constant 0 : i32
        %dma_start3A_344 = tpu.memref_slice %arg3[%dma_start3A_342, %dma_start3A_343] : memref<10000x128xf32, #tpu.memory_space<hbm>> -> memref<10000x128xf32, #tpu.memory_space<hbm>>
        tpu.enqueue_indirect_dma source(%dma_start3A_344 : memref<10000x128xf32, #tpu.memory_space<hbm>>) target(%dma_start3A_338 : memref<80x128xf32, #tpu.memory_space<vmem>>) offsets(%dma_start3A_341 : memref<80xi32, #tpu.memory_space<vmem>>) semaphore(%arg16 : memref<!tpu.dma_semaphore, #tpu.memory_space<semaphore_mem>>)
      } else {
      }
      %lt3A_264 = arith.constant 125 : i32
      %lt3A_265 = arith.cmpi slt, %add3A_249, %lt3A_264 : i32
      %convert_element_type3A_266 = arith.extui %lt3A_265 : i1 to i32
      %cond3A_267 = arith.constant 0 : i32
      %cond3A_268 = arith.cmpi ne, %convert_element_type3A_266, %cond3A_267 : i32
      scf.if %cond3A_268 {
        %dma_wait3A_315 = arith.constant 1 : i32
        %dma_wait3A_316 = arith.constant 1 : i32
        %dma_wait3A_317 = arith.constant 0 : i32
        %dma_wait3A_318 = arith.constant 0 : i32
        %dma_wait3A_319 = tpu.memref_slice %arg8[%dma_wait3A_316, %dma_wait3A_317, %dma_wait3A_318] : memref<4x80x128xf32, #tpu.memory_space<vmem>> -> memref<1x80x128xf32, #tpu.memory_space<vmem>>
        %dma_wait3A_320 = tpu.memref_squeeze %dma_wait3A_319 : memref<1x80x128xf32, #tpu.memory_space<vmem>> -> memref<80x128xf32, #tpu.memory_space<vmem>>
        %dma_wait3A_321 = arith.constant 0 : i32
        %dma_wait3A_322 = tpu.memref_slice %arg6[%dma_wait3A_315, %dma_wait3A_321] : memref<4x80xi32, #tpu.memory_space<vmem>> -> memref<1x80xi32, #tpu.memory_space<vmem>>
        %dma_wait3A_323 = tpu.memref_squeeze %dma_wait3A_322 : memref<1x80xi32, #tpu.memory_space<vmem>> -> memref<80xi32, #tpu.memory_space<vmem>>
        %dma_wait3A_324 = arith.constant 0 : i32
        %dma_wait3A_325 = arith.constant 0 : i32
        %dma_wait3A_326 = tpu.memref_slice %arg3[%dma_wait3A_324, %dma_wait3A_325] : memref<10000x128xf32, #tpu.memory_space<hbm>> -> memref<10000x128xf32, #tpu.memory_space<hbm>>
        tpu.wait_indirect_dma semaphore(%arg15 : memref<!tpu.dma_semaphore, #tpu.memory_space<semaphore_mem>>) src(%dma_wait3A_326 : memref<10000x128xf32, #tpu.memory_space<hbm>>) dst(%dma_wait3A_320 : memref<80x128xf32, #tpu.memory_space<vmem>>)
        %dma_start3A_327 = arith.constant 1 : i32
        %dma_start3A_328 = arith.constant 1 : i32
        %dma_start3A_329 = arith.constant 0 : i32
        %dma_start3A_330 = arith.constant 0 : i32
        %dma_start3A_331 = tpu.memref_slice %arg8[%dma_start3A_327, %dma_start3A_329, %dma_start3A_330] : memref<4x80x128xf32, #tpu.memory_space<vmem>> -> memref<1x80x128xf32, #tpu.memory_space<vmem>>
        %dma_start3A_332 = tpu.memref_squeeze %dma_start3A_331 : memref<1x80x128xf32, #tpu.memory_space<vmem>> -> memref<80x128xf32, #tpu.memory_space<vmem>>
        %dma_start3A_333 = arith.constant 0 : i32
        %dma_start3A_334 = tpu.memref_slice %arg7[%dma_start3A_328, %dma_start3A_333] : memref<4x80xi32, #tpu.memory_space<vmem>> -> memref<1x80xi32, #tpu.memory_space<vmem>>
        %dma_start3A_335 = tpu.memref_squeeze %dma_start3A_334 : memref<1x80xi32, #tpu.memory_space<vmem>> -> memref<80xi32, #tpu.memory_space<vmem>>
        %dma_start3A_336 = arith.constant 0 : i32
        %dma_start3A_337 = arith.constant 0 : i32
        %dma_start3A_338 = tpu.memref_slice %arg9[%dma_start3A_336, %dma_start3A_337] : memref<10240x128xf32, #tpu.memory_space<vmem_shared>> -> memref<10240x128xf32, #tpu.memory_space<vmem_shared>>
        tpu.enqueue_indirect_dma source(%dma_start3A_332 : memref<80x128xf32, #tpu.memory_space<vmem>>) target(%dma_start3A_338 : memref<10240x128xf32, #tpu.memory_space<vmem_shared>>) offsets(%dma_start3A_335 : memref<80xi32, #tpu.memory_space<vmem>>) semaphore(%arg19 : memref<!tpu.dma_semaphore, #tpu.memory_space<semaphore_mem>>) {add = true}
      } else {
      }
      %mul3A_269 = arith.constant 4 : i32
      %mul3A_270 = arith.muli %scan3A_225, %mul3A_269 : i32
      %add3A_271 = arith.constant 2 : i32
      %add3A_272 = arith.addi %mul3A_270, %add3A_271 : i32
      %add3A_273 = arith.constant 2 : i32
      %add3A_274 = arith.addi %add3A_272, %add3A_273 : i32
      %lt3A_275 = arith.constant 125 : i32
      %lt3A_276 = arith.cmpi slt, %add3A_274, %lt3A_275 : i32
      %convert_element_type3A_277 = arith.extui %lt3A_276 : i1 to i32
      %cond3A_278 = arith.constant 0 : i32
      %cond3A_279 = arith.cmpi ne, %convert_element_type3A_277, %cond3A_278 : i32
      scf.if %cond3A_279 {
        %dma_wait3A_315 = arith.constant 0 : i32
        %dma_wait3A_316 = arith.constant 0 : i32
        %dma_wait3A_317 = arith.constant 0 : i32
        %dma_wait3A_318 = arith.constant 0 : i32
        %dma_wait3A_319 = tpu.memref_slice %arg8[%dma_wait3A_315, %dma_wait3A_317, %dma_wait3A_318] : memref<4x80x128xf32, #tpu.memory_space<vmem>> -> memref<1x80x128xf32, #tpu.memory_space<vmem>>
        %dma_wait3A_320 = tpu.memref_squeeze %dma_wait3A_319 : memref<1x80x128xf32, #tpu.memory_space<vmem>> -> memref<80x128xf32, #tpu.memory_space<vmem>>
        %dma_wait3A_321 = arith.constant 0 : i32
        %dma_wait3A_322 = tpu.memref_slice %arg7[%dma_wait3A_316, %dma_wait3A_321] : memref<4x80xi32, #tpu.memory_space<vmem>> -> memref<1x80xi32, #tpu.memory_space<vmem>>
        %dma_wait3A_323 = tpu.memref_squeeze %dma_wait3A_322 : memref<1x80xi32, #tpu.memory_space<vmem>> -> memref<80xi32, #tpu.memory_space<vmem>>
        %dma_wait3A_324 = arith.constant 0 : i32
        %dma_wait3A_325 = arith.constant 0 : i32
        %dma_wait3A_326 = tpu.memref_slice %arg9[%dma_wait3A_324, %dma_wait3A_325] : memref<10240x128xf32, #tpu.memory_space<vmem_shared>> -> memref<10240x128xf32, #tpu.memory_space<vmem_shared>>
        tpu.wait_indirect_dma semaphore(%arg18 : memref<!tpu.dma_semaphore, #tpu.memory_space<semaphore_mem>>) src(%dma_wait3A_320 : memref<80x128xf32, #tpu.memory_space<vmem>>) dst(%dma_wait3A_326 : memref<10240x128xf32, #tpu.memory_space<vmem_shared>>)
        %add3A_327 = arith.constant 2 : i32
        %add3A_328 = arith.addi %add3A_272, %add3A_327 : i32
        %mul3A_329 = arith.constant 80 : i32
        %mul3A_330 = arith.muli %add3A_328, %mul3A_329 : i32
        %add3A_331 = arith.addi %mul3A_42, %mul3A_330 : i32
        %add3A_332 = arith.constant 320000 : i32
        %add3A_333 = arith.addi %add3A_332, %add3A_331 : i32
        %dma_start3A_334 = arith.constant 0 : i32
        %dma_start3A_335 = arith.constant 0 : i32
        %dma_start3A_336 = tpu.memref_slice %arg6[%dma_start3A_334, %dma_start3A_335] : memref<4x80xi32, #tpu.memory_space<vmem>> -> memref<1x80xi32, #tpu.memory_space<vmem>>
        %dma_start3A_337 = tpu.memref_squeeze %dma_start3A_336 : memref<1x80xi32, #tpu.memory_space<vmem>> -> memref<80xi32, #tpu.memory_space<vmem>>
        %dma_start3A_338 = tpu.memref_slice %arg2[%add3A_333] : memref<640000xi32, #tpu.memory_space<hbm>> -> memref<80xi32, #tpu.memory_space<hbm>>
        %dma_start3A_339 = arith.constant 0 : i32
        %dma_start3A_340 = tpu.memref_slice %arg6[%dma_start3A_334, %dma_start3A_339] : memref<4x80xi32, #tpu.memory_space<vmem>> -> memref<1x80xi32, #tpu.memory_space<vmem>>
        %dma_start3A_341 = tpu.memref_squeeze %dma_start3A_340 : memref<1x80xi32, #tpu.memory_space<vmem>> -> memref<80xi32, #tpu.memory_space<vmem>>
        %dma_start3A_342 = tpu.memref_slice %arg2[%add3A_333] : memref<640000xi32, #tpu.memory_space<hbm>> -> memref<80xi32, #tpu.memory_space<hbm>>
        tpu.enqueue_dma source(%dma_start3A_342 : memref<80xi32, #tpu.memory_space<hbm>>) target(%dma_start3A_341 : memref<80xi32, #tpu.memory_space<vmem>>) target_semaphore(%arg10 : memref<!tpu.dma_semaphore, #tpu.memory_space<semaphore_mem>>)
        %dma_start3A_343 = arith.constant 0 : i32
        %dma_start3A_344 = arith.constant 0 : i32
        %dma_start3A_345 = tpu.memref_slice %arg7[%dma_start3A_343, %dma_start3A_344] : memref<4x80xi32, #tpu.memory_space<vmem>> -> memref<1x80xi32, #tpu.memory_space<vmem>>
        %dma_start3A_346 = tpu.memref_squeeze %dma_start3A_345 : memref<1x80xi32, #tpu.memory_space<vmem>> -> memref<80xi32, #tpu.memory_space<vmem>>
        %dma_start3A_347 = tpu.memref_slice %arg2[%add3A_331] : memref<640000xi32, #tpu.memory_space<hbm>> -> memref<80xi32, #tpu.memory_space<hbm>>
        %dma_start3A_348 = arith.constant 0 : i32
        %dma_start3A_349 = tpu.memref_slice %arg7[%dma_start3A_343, %dma_start3A_348] : memref<4x80xi32, #tpu.memory_space<vmem>> -> memref<1x80xi32, #tpu.memory_space<vmem>>
        %dma_start3A_350 = tpu.memref_squeeze %dma_start3A_349 : memref<1x80xi32, #tpu.memory_space<vmem>> -> memref<80xi32, #tpu.memory_space<vmem>>
        %dma_start3A_351 = tpu.memref_slice %arg2[%add3A_331] : memref<640000xi32, #tpu.memory_space<hbm>> -> memref<80xi32, #tpu.memory_space<hbm>>
        tpu.enqueue_dma source(%dma_start3A_351 : memref<80xi32, #tpu.memory_space<hbm>>) target(%dma_start3A_350 : memref<80xi32, #tpu.memory_space<vmem>>) target_semaphore(%arg10 : memref<!tpu.dma_semaphore, #tpu.memory_space<semaphore_mem>>)
      } else {
      }
      %add3A_280 = arith.constant 1 : i32
      %add3A_281 = arith.addi %add3A_272, %add3A_280 : i32
      %lt3A_282 = arith.constant 125 : i32
      %lt3A_283 = arith.cmpi slt, %add3A_281, %lt3A_282 : i32
      %convert_element_type3A_284 = arith.extui %lt3A_283 : i1 to i32
      %cond3A_285 = arith.constant 0 : i32
      %cond3A_286 = arith.cmpi ne, %convert_element_type3A_284, %cond3A_285 : i32
      scf.if %cond3A_286 {
        %dma_wait3A_315 = arith.constant 3 : i32
        %dma_wait3A_316 = arith.constant 0 : i32
        %dma_wait3A_317 = tpu.memref_slice %arg6[%dma_wait3A_315, %dma_wait3A_316] : memref<4x80xi32, #tpu.memory_space<vmem>> -> memref<1x80xi32, #tpu.memory_space<vmem>>
        %dma_wait3A_318 = tpu.memref_squeeze %dma_wait3A_317 : memref<1x80xi32, #tpu.memory_space<vmem>> -> memref<80xi32, #tpu.memory_space<vmem>>
        %dma_wait3A_319 = tpu.memref_slice %arg2[%add3A_44] : memref<640000xi32, #tpu.memory_space<hbm>> -> memref<80xi32, #tpu.memory_space<hbm>>
        %dma_wait3A_320 = arith.constant 0 : i32
        %dma_wait3A_321 = tpu.memref_slice %arg6[%dma_wait3A_315, %dma_wait3A_320] : memref<4x80xi32, #tpu.memory_space<vmem>> -> memref<1x80xi32, #tpu.memory_space<vmem>>
        %dma_wait3A_322 = tpu.memref_squeeze %dma_wait3A_321 : memref<1x80xi32, #tpu.memory_space<vmem>> -> memref<80xi32, #tpu.memory_space<vmem>>
        %dma_wait3A_323 = tpu.memref_slice %arg2[%add3A_44] : memref<640000xi32, #tpu.memory_space<hbm>> -> memref<80xi32, #tpu.memory_space<hbm>>
        tpu.wait_dma2 semaphore(%arg13 : memref<!tpu.dma_semaphore, #tpu.memory_space<semaphore_mem>>) src(%dma_wait3A_323 : memref<80xi32, #tpu.memory_space<hbm>>) dst(%dma_wait3A_322 : memref<80xi32, #tpu.memory_space<vmem>>)
        %dma_wait3A_324 = arith.constant 3 : i32
        %dma_wait3A_325 = arith.constant 0 : i32
        %dma_wait3A_326 = tpu.memref_slice %arg7[%dma_wait3A_324, %dma_wait3A_325] : memref<4x80xi32, #tpu.memory_space<vmem>> -> memref<1x80xi32, #tpu.memory_space<vmem>>
        %dma_wait3A_327 = tpu.memref_squeeze %dma_wait3A_326 : memref<1x80xi32, #tpu.memory_space<vmem>> -> memref<80xi32, #tpu.memory_space<vmem>>
        %dma_wait3A_328 = tpu.memref_slice %arg2[%mul3A_42] : memref<640000xi32, #tpu.memory_space<hbm>> -> memref<80xi32, #tpu.memory_space<hbm>>
        %dma_wait3A_329 = arith.constant 0 : i32
        %dma_wait3A_330 = tpu.memref_slice %arg7[%dma_wait3A_324, %dma_wait3A_329] : memref<4x80xi32, #tpu.memory_space<vmem>> -> memref<1x80xi32, #tpu.memory_space<vmem>>
        %dma_wait3A_331 = tpu.memref_squeeze %dma_wait3A_330 : memref<1x80xi32, #tpu.memory_space<vmem>> -> memref<80xi32, #tpu.memory_space<vmem>>
        %dma_wait3A_332 = tpu.memref_slice %arg2[%mul3A_42] : memref<640000xi32, #tpu.memory_space<hbm>> -> memref<80xi32, #tpu.memory_space<hbm>>
        tpu.wait_dma2 semaphore(%arg13 : memref<!tpu.dma_semaphore, #tpu.memory_space<semaphore_mem>>) src(%dma_wait3A_332 : memref<80xi32, #tpu.memory_space<hbm>>) dst(%dma_wait3A_331 : memref<80xi32, #tpu.memory_space<vmem>>)
        %dma_start3A_333 = arith.constant 3 : i32
        %dma_start3A_334 = arith.constant 3 : i32
        %dma_start3A_335 = arith.constant 0 : i32
        %dma_start3A_336 = arith.constant 0 : i32
        %dma_start3A_337 = tpu.memref_slice %arg8[%dma_start3A_334, %dma_start3A_335, %dma_start3A_336] : memref<4x80x128xf32, #tpu.memory_space<vmem>> -> memref<1x80x128xf32, #tpu.memory_space<vmem>>
        %dma_start3A_338 = tpu.memref_squeeze %dma_start3A_337 : memref<1x80x128xf32, #tpu.memory_space<vmem>> -> memref<80x128xf32, #tpu.memory_space<vmem>>
        %dma_start3A_339 = arith.constant 0 : i32
        %dma_start3A_340 = tpu.memref_slice %arg6[%dma_start3A_333, %dma_start3A_339] : memref<4x80xi32, #tpu.memory_space<vmem>> -> memref<1x80xi32, #tpu.memory_space<vmem>>
        %dma_start3A_341 = tpu.memref_squeeze %dma_start3A_340 : memref<1x80xi32, #tpu.memory_space<vmem>> -> memref<80xi32, #tpu.memory_space<vmem>>
        %dma_start3A_342 = arith.constant 0 : i32
        %dma_start3A_343 = arith.constant 0 : i32
        %dma_start3A_344 = tpu.memref_slice %arg3[%dma_start3A_342, %dma_start3A_343] : memref<10000x128xf32, #tpu.memory_space<hbm>> -> memref<10000x128xf32, #tpu.memory_space<hbm>>
        tpu.enqueue_indirect_dma source(%dma_start3A_344 : memref<10000x128xf32, #tpu.memory_space<hbm>>) target(%dma_start3A_338 : memref<80x128xf32, #tpu.memory_space<vmem>>) offsets(%dma_start3A_341 : memref<80xi32, #tpu.memory_space<vmem>>) semaphore(%arg17 : memref<!tpu.dma_semaphore, #tpu.memory_space<semaphore_mem>>)
      } else {
      }
      %lt3A_287 = arith.constant 125 : i32
      %lt3A_288 = arith.cmpi slt, %add3A_272, %lt3A_287 : i32
      %convert_element_type3A_289 = arith.extui %lt3A_288 : i1 to i32
      %cond3A_290 = arith.constant 0 : i32
      %cond3A_291 = arith.cmpi ne, %convert_element_type3A_289, %cond3A_290 : i32
      scf.if %cond3A_291 {
        %dma_wait3A_315 = arith.constant 2 : i32
        %dma_wait3A_316 = arith.constant 2 : i32
        %dma_wait3A_317 = arith.constant 0 : i32
        %dma_wait3A_318 = arith.constant 0 : i32
        %dma_wait3A_319 = tpu.memref_slice %arg8[%dma_wait3A_316, %dma_wait3A_317, %dma_wait3A_318] : memref<4x80x128xf32, #tpu.memory_space<vmem>> -> memref<1x80x128xf32, #tpu.memory_space<vmem>>
        %dma_wait3A_320 = tpu.memref_squeeze %dma_wait3A_319 : memref<1x80x128xf32, #tpu.memory_space<vmem>> -> memref<80x128xf32, #tpu.memory_space<vmem>>
        %dma_wait3A_321 = arith.constant 0 : i32
        %dma_wait3A_322 = tpu.memref_slice %arg6[%dma_wait3A_315, %dma_wait3A_321] : memref<4x80xi32, #tpu.memory_space<vmem>> -> memref<1x80xi32, #tpu.memory_space<vmem>>
        %dma_wait3A_323 = tpu.memref_squeeze %dma_wait3A_322 : memref<1x80xi32, #tpu.memory_space<vmem>> -> memref<80xi32, #tpu.memory_space<vmem>>
        %dma_wait3A_324 = arith.constant 0 : i32
        %dma_wait3A_325 = arith.constant 0 : i32
        %dma_wait3A_326 = tpu.memref_slice %arg3[%dma_wait3A_324, %dma_wait3A_325] : memref<10000x128xf32, #tpu.memory_space<hbm>> -> memref<10000x128xf32, #tpu.memory_space<hbm>>
        tpu.wait_indirect_dma semaphore(%arg16 : memref<!tpu.dma_semaphore, #tpu.memory_space<semaphore_mem>>) src(%dma_wait3A_326 : memref<10000x128xf32, #tpu.memory_space<hbm>>) dst(%dma_wait3A_320 : memref<80x128xf32, #tpu.memory_space<vmem>>)
        %dma_start3A_327 = arith.constant 2 : i32
        %dma_start3A_328 = arith.constant 2 : i32
        %dma_start3A_329 = arith.constant 0 : i32
        %dma_start3A_330 = arith.constant 0 : i32
        %dma_start3A_331 = tpu.memref_slice %arg8[%dma_start3A_327, %dma_start3A_329, %dma_start3A_330] : memref<4x80x128xf32, #tpu.memory_space<vmem>> -> memref<1x80x128xf32, #tpu.memory_space<vmem>>
        %dma_start3A_332 = tpu.memref_squeeze %dma_start3A_331 : memref<1x80x128xf32, #tpu.memory_space<vmem>> -> memref<80x128xf32, #tpu.memory_space<vmem>>
        %dma_start3A_333 = arith.constant 0 : i32
        %dma_start3A_334 = tpu.memref_slice %arg7[%dma_start3A_328, %dma_start3A_333] : memref<4x80xi32, #tpu.memory_space<vmem>> -> memref<1x80xi32, #tpu.memory_space<vmem>>
        %dma_start3A_335 = tpu.memref_squeeze %dma_start3A_334 : memref<1x80xi32, #tpu.memory_space<vmem>> -> memref<80xi32, #tpu.memory_space<vmem>>
        %dma_start3A_336 = arith.constant 0 : i32
        %dma_start3A_337 = arith.constant 0 : i32
        %dma_start3A_338 = tpu.memref_slice %arg9[%dma_start3A_336, %dma_start3A_337] : memref<10240x128xf32, #tpu.memory_space<vmem_shared>> -> memref<10240x128xf32, #tpu.memory_space<vmem_shared>>
        tpu.enqueue_indirect_dma source(%dma_start3A_332 : memref<80x128xf32, #tpu.memory_space<vmem>>) target(%dma_start3A_338 : memref<10240x128xf32, #tpu.memory_space<vmem_shared>>) offsets(%dma_start3A_335 : memref<80xi32, #tpu.memory_space<vmem>>) semaphore(%arg20 : memref<!tpu.dma_semaphore, #tpu.memory_space<semaphore_mem>>) {add = true}
      } else {
      }
      %mul3A_292 = arith.constant 4 : i32
      %mul3A_293 = arith.muli %scan3A_225, %mul3A_292 : i32
      %add3A_294 = arith.constant 3 : i32
      %add3A_295 = arith.addi %mul3A_293, %add3A_294 : i32
      %add3A_296 = arith.constant 2 : i32
      %add3A_297 = arith.addi %add3A_295, %add3A_296 : i32
      %lt3A_298 = arith.constant 125 : i32
      %lt3A_299 = arith.cmpi slt, %add3A_297, %lt3A_298 : i32
      %convert_element_type3A_300 = arith.extui %lt3A_299 : i1 to i32
      %cond3A_301 = arith.constant 0 : i32
      %cond3A_302 = arith.cmpi ne, %convert_element_type3A_300, %cond3A_301 : i32
      scf.if %cond3A_302 {
        %dma_wait3A_315 = arith.constant 1 : i32
        %dma_wait3A_316 = arith.constant 1 : i32
        %dma_wait3A_317 = arith.constant 0 : i32
        %dma_wait3A_318 = arith.constant 0 : i32
        %dma_wait3A_319 = tpu.memref_slice %arg8[%dma_wait3A_315, %dma_wait3A_317, %dma_wait3A_318] : memref<4x80x128xf32, #tpu.memory_space<vmem>> -> memref<1x80x128xf32, #tpu.memory_space<vmem>>
        %dma_wait3A_320 = tpu.memref_squeeze %dma_wait3A_319 : memref<1x80x128xf32, #tpu.memory_space<vmem>> -> memref<80x128xf32, #tpu.memory_space<vmem>>
        %dma_wait3A_321 = arith.constant 0 : i32
        %dma_wait3A_322 = tpu.memref_slice %arg7[%dma_wait3A_316, %dma_wait3A_321] : memref<4x80xi32, #tpu.memory_space<vmem>> -> memref<1x80xi32, #tpu.memory_space<vmem>>
        %dma_wait3A_323 = tpu.memref_squeeze %dma_wait3A_322 : memref<1x80xi32, #tpu.memory_space<vmem>> -> memref<80xi32, #tpu.memory_space<vmem>>
        %dma_wait3A_324 = arith.constant 0 : i32
        %dma_wait3A_325 = arith.constant 0 : i32
        %dma_wait3A_326 = tpu.memref_slice %arg9[%dma_wait3A_324, %dma_wait3A_325] : memref<10240x128xf32, #tpu.memory_space<vmem_shared>> -> memref<10240x128xf32, #tpu.memory_space<vmem_shared>>
        tpu.wait_indirect_dma semaphore(%arg19 : memref<!tpu.dma_semaphore, #tpu.memory_space<semaphore_mem>>) src(%dma_wait3A_320 : memref<80x128xf32, #tpu.memory_space<vmem>>) dst(%dma_wait3A_326 : memref<10240x128xf32, #tpu.memory_space<vmem_shared>>)
        %add3A_327 = arith.constant 2 : i32
        %add3A_328 = arith.addi %add3A_295, %add3A_327 : i32
        %mul3A_329 = arith.constant 80 : i32
        %mul3A_330 = arith.muli %add3A_328, %mul3A_329 : i32
        %add3A_331 = arith.addi %mul3A_42, %mul3A_330 : i32
        %add3A_332 = arith.constant 320000 : i32
        %add3A_333 = arith.addi %add3A_332, %add3A_331 : i32
        %dma_start3A_334 = arith.constant 1 : i32
        %dma_start3A_335 = arith.constant 0 : i32
        %dma_start3A_336 = tpu.memref_slice %arg6[%dma_start3A_334, %dma_start3A_335] : memref<4x80xi32, #tpu.memory_space<vmem>> -> memref<1x80xi32, #tpu.memory_space<vmem>>
        %dma_start3A_337 = tpu.memref_squeeze %dma_start3A_336 : memref<1x80xi32, #tpu.memory_space<vmem>> -> memref<80xi32, #tpu.memory_space<vmem>>
        %dma_start3A_338 = tpu.memref_slice %arg2[%add3A_333] : memref<640000xi32, #tpu.memory_space<hbm>> -> memref<80xi32, #tpu.memory_space<hbm>>
        %dma_start3A_339 = arith.constant 0 : i32
        %dma_start3A_340 = tpu.memref_slice %arg6[%dma_start3A_334, %dma_start3A_339] : memref<4x80xi32, #tpu.memory_space<vmem>> -> memref<1x80xi32, #tpu.memory_space<vmem>>
        %dma_start3A_341 = tpu.memref_squeeze %dma_start3A_340 : memref<1x80xi32, #tpu.memory_space<vmem>> -> memref<80xi32, #tpu.memory_space<vmem>>
        %dma_start3A_342 = tpu.memref_slice %arg2[%add3A_333] : memref<640000xi32, #tpu.memory_space<hbm>> -> memref<80xi32, #tpu.memory_space<hbm>>
        tpu.enqueue_dma source(%dma_start3A_342 : memref<80xi32, #tpu.memory_space<hbm>>) target(%dma_start3A_341 : memref<80xi32, #tpu.memory_space<vmem>>) target_semaphore(%arg11 : memref<!tpu.dma_semaphore, #tpu.memory_space<semaphore_mem>>)
        %dma_start3A_343 = arith.constant 1 : i32
        %dma_start3A_344 = arith.constant 0 : i32
        %dma_start3A_345 = tpu.memref_slice %arg7[%dma_start3A_343, %dma_start3A_344] : memref<4x80xi32, #tpu.memory_space<vmem>> -> memref<1x80xi32, #tpu.memory_space<vmem>>
        %dma_start3A_346 = tpu.memref_squeeze %dma_start3A_345 : memref<1x80xi32, #tpu.memory_space<vmem>> -> memref<80xi32, #tpu.memory_space<vmem>>
        %dma_start3A_347 = tpu.memref_slice %arg2[%add3A_331] : memref<640000xi32, #tpu.memory_space<hbm>> -> memref<80xi32, #tpu.memory_space<hbm>>
        %dma_start3A_348 = arith.constant 0 : i32
        %dma_start3A_349 = tpu.memref_slice %arg7[%dma_start3A_343, %dma_start3A_348] : memref<4x80xi32, #tpu.memory_space<vmem>> -> memref<1x80xi32, #tpu.memory_space<vmem>>
        %dma_start3A_350 = tpu.memref_squeeze %dma_start3A_349 : memref<1x80xi32, #tpu.memory_space<vmem>> -> memref<80xi32, #tpu.memory_space<vmem>>
        %dma_start3A_351 = tpu.memref_slice %arg2[%add3A_331] : memref<640000xi32, #tpu.memory_space<hbm>> -> memref<80xi32, #tpu.memory_space<hbm>>
        tpu.enqueue_dma source(%dma_start3A_351 : memref<80xi32, #tpu.memory_space<hbm>>) target(%dma_start3A_350 : memref<80xi32, #tpu.memory_space<vmem>>) target_semaphore(%arg11 : memref<!tpu.dma_semaphore, #tpu.memory_space<semaphore_mem>>)
      } else {
      }
      %add3A_303 = arith.constant 1 : i32
      %add3A_304 = arith.addi %add3A_295, %add3A_303 : i32
      %lt3A_305 = arith.constant 125 : i32
      %lt3A_306 = arith.cmpi slt, %add3A_304, %lt3A_305 : i32
      %convert_element_type3A_307 = arith.extui %lt3A_306 : i1 to i32
      %cond3A_308 = arith.constant 0 : i32
      %cond3A_309 = arith.cmpi ne, %convert_element_type3A_307, %cond3A_308 : i32
      scf.if %cond3A_309 {
        %dma_wait3A_315 = arith.constant 0 : i32
        %dma_wait3A_316 = arith.constant 0 : i32
        %dma_wait3A_317 = tpu.memref_slice %arg6[%dma_wait3A_315, %dma_wait3A_316] : memref<4x80xi32, #tpu.memory_space<vmem>> -> memref<1x80xi32, #tpu.memory_space<vmem>>
        %dma_wait3A_318 = tpu.memref_squeeze %dma_wait3A_317 : memref<1x80xi32, #tpu.memory_space<vmem>> -> memref<80xi32, #tpu.memory_space<vmem>>
        %dma_wait3A_319 = tpu.memref_slice %arg2[%add3A_44] : memref<640000xi32, #tpu.memory_space<hbm>> -> memref<80xi32, #tpu.memory_space<hbm>>
        %dma_wait3A_320 = arith.constant 0 : i32
        %dma_wait3A_321 = tpu.memref_slice %arg6[%dma_wait3A_315, %dma_wait3A_320] : memref<4x80xi32, #tpu.memory_space<vmem>> -> memref<1x80xi32, #tpu.memory_space<vmem>>
        %dma_wait3A_322 = tpu.memref_squeeze %dma_wait3A_321 : memref<1x80xi32, #tpu.memory_space<vmem>> -> memref<80xi32, #tpu.memory_space<vmem>>
        %dma_wait3A_323 = tpu.memref_slice %arg2[%add3A_44] : memref<640000xi32, #tpu.memory_space<hbm>> -> memref<80xi32, #tpu.memory_space<hbm>>
        tpu.wait_dma2 semaphore(%arg10 : memref<!tpu.dma_semaphore, #tpu.memory_space<semaphore_mem>>) src(%dma_wait3A_323 : memref<80xi32, #tpu.memory_space<hbm>>) dst(%dma_wait3A_322 : memref<80xi32, #tpu.memory_space<vmem>>)
        %dma_wait3A_324 = arith.constant 0 : i32
        %dma_wait3A_325 = arith.constant 0 : i32
        %dma_wait3A_326 = tpu.memref_slice %arg7[%dma_wait3A_324, %dma_wait3A_325] : memref<4x80xi32, #tpu.memory_space<vmem>> -> memref<1x80xi32, #tpu.memory_space<vmem>>
        %dma_wait3A_327 = tpu.memref_squeeze %dma_wait3A_326 : memref<1x80xi32, #tpu.memory_space<vmem>> -> memref<80xi32, #tpu.memory_space<vmem>>
        %dma_wait3A_328 = tpu.memref_slice %arg2[%mul3A_42] : memref<640000xi32, #tpu.memory_space<hbm>> -> memref<80xi32, #tpu.memory_space<hbm>>
        %dma_wait3A_329 = arith.constant 0 : i32
        %dma_wait3A_330 = tpu.memref_slice %arg7[%dma_wait3A_324, %dma_wait3A_329] : memref<4x80xi32, #tpu.memory_space<vmem>> -> memref<1x80xi32, #tpu.memory_space<vmem>>
        %dma_wait3A_331 = tpu.memref_squeeze %dma_wait3A_330 : memref<1x80xi32, #tpu.memory_space<vmem>> -> memref<80xi32, #tpu.memory_space<vmem>>
        %dma_wait3A_332 = tpu.memref_slice %arg2[%mul3A_42] : memref<640000xi32, #tpu.memory_space<hbm>> -> memref<80xi32, #tpu.memory_space<hbm>>
        tpu.wait_dma2 semaphore(%arg10 : memref<!tpu.dma_semaphore, #tpu.memory_space<semaphore_mem>>) src(%dma_wait3A_332 : memref<80xi32, #tpu.memory_space<hbm>>) dst(%dma_wait3A_331 : memref<80xi32, #tpu.memory_space<vmem>>)
        %dma_start3A_333 = arith.constant 0 : i32
        %dma_start3A_334 = arith.constant 0 : i32
        %dma_start3A_335 = arith.constant 0 : i32
        %dma_start3A_336 = arith.constant 0 : i32
        %dma_start3A_337 = tpu.memref_slice %arg8[%dma_start3A_334, %dma_start3A_335, %dma_start3A_336] : memref<4x80x128xf32, #tpu.memory_space<vmem>> -> memref<1x80x128xf32, #tpu.memory_space<vmem>>
        %dma_start3A_338 = tpu.memref_squeeze %dma_start3A_337 : memref<1x80x128xf32, #tpu.memory_space<vmem>> -> memref<80x128xf32, #tpu.memory_space<vmem>>
        %dma_start3A_339 = arith.constant 0 : i32
        %dma_start3A_340 = tpu.memref_slice %arg6[%dma_start3A_333, %dma_start3A_339] : memref<4x80xi32, #tpu.memory_space<vmem>> -> memref<1x80xi32, #tpu.memory_space<vmem>>
        %dma_start3A_341 = tpu.memref_squeeze %dma_start3A_340 : memref<1x80xi32, #tpu.memory_space<vmem>> -> memref<80xi32, #tpu.memory_space<vmem>>
        %dma_start3A_342 = arith.constant 0 : i32
        %dma_start3A_343 = arith.constant 0 : i32
        %dma_start3A_344 = tpu.memref_slice %arg3[%dma_start3A_342, %dma_start3A_343] : memref<10000x128xf32, #tpu.memory_space<hbm>> -> memref<10000x128xf32, #tpu.memory_space<hbm>>
        tpu.enqueue_indirect_dma source(%dma_start3A_344 : memref<10000x128xf32, #tpu.memory_space<hbm>>) target(%dma_start3A_338 : memref<80x128xf32, #tpu.memory_space<vmem>>) offsets(%dma_start3A_341 : memref<80xi32, #tpu.memory_space<vmem>>) semaphore(%arg14 : memref<!tpu.dma_semaphore, #tpu.memory_space<semaphore_mem>>)
      } else {
      }
      %lt3A_310 = arith.constant 125 : i32
      %lt3A_311 = arith.cmpi slt, %add3A_295, %lt3A_310 : i32
      %convert_element_type3A_312 = arith.extui %lt3A_311 : i1 to i32
      %cond3A_313 = arith.constant 0 : i32
      %cond3A_314 = arith.cmpi ne, %convert_element_type3A_312, %cond3A_313 : i32
      scf.if %cond3A_314 {
        %dma_wait3A_315 = arith.constant 3 : i32
        %dma_wait3A_316 = arith.constant 3 : i32
        %dma_wait3A_317 = arith.constant 0 : i32
        %dma_wait3A_318 = arith.constant 0 : i32
        %dma_wait3A_319 = tpu.memref_slice %arg8[%dma_wait3A_316, %dma_wait3A_317, %dma_wait3A_318] : memref<4x80x128xf32, #tpu.memory_space<vmem>> -> memref<1x80x128xf32, #tpu.memory_space<vmem>>
        %dma_wait3A_320 = tpu.memref_squeeze %dma_wait3A_319 : memref<1x80x128xf32, #tpu.memory_space<vmem>> -> memref<80x128xf32, #tpu.memory_space<vmem>>
        %dma_wait3A_321 = arith.constant 0 : i32
        %dma_wait3A_322 = tpu.memref_slice %arg6[%dma_wait3A_315, %dma_wait3A_321] : memref<4x80xi32, #tpu.memory_space<vmem>> -> memref<1x80xi32, #tpu.memory_space<vmem>>
        %dma_wait3A_323 = tpu.memref_squeeze %dma_wait3A_322 : memref<1x80xi32, #tpu.memory_space<vmem>> -> memref<80xi32, #tpu.memory_space<vmem>>
        %dma_wait3A_324 = arith.constant 0 : i32
        %dma_wait3A_325 = arith.constant 0 : i32
        %dma_wait3A_326 = tpu.memref_slice %arg3[%dma_wait3A_324, %dma_wait3A_325] : memref<10000x128xf32, #tpu.memory_space<hbm>> -> memref<10000x128xf32, #tpu.memory_space<hbm>>
        tpu.wait_indirect_dma semaphore(%arg17 : memref<!tpu.dma_semaphore, #tpu.memory_space<semaphore_mem>>) src(%dma_wait3A_326 : memref<10000x128xf32, #tpu.memory_space<hbm>>) dst(%dma_wait3A_320 : memref<80x128xf32, #tpu.memory_space<vmem>>)
        %dma_start3A_327 = arith.constant 3 : i32
        %dma_start3A_328 = arith.constant 3 : i32
        %dma_start3A_329 = arith.constant 0 : i32
        %dma_start3A_330 = arith.constant 0 : i32
        %dma_start3A_331 = tpu.memref_slice %arg8[%dma_start3A_327, %dma_start3A_329, %dma_start3A_330] : memref<4x80x128xf32, #tpu.memory_space<vmem>> -> memref<1x80x128xf32, #tpu.memory_space<vmem>>
        %dma_start3A_332 = tpu.memref_squeeze %dma_start3A_331 : memref<1x80x128xf32, #tpu.memory_space<vmem>> -> memref<80x128xf32, #tpu.memory_space<vmem>>
        %dma_start3A_333 = arith.constant 0 : i32
        %dma_start3A_334 = tpu.memref_slice %arg7[%dma_start3A_328, %dma_start3A_333] : memref<4x80xi32, #tpu.memory_space<vmem>> -> memref<1x80xi32, #tpu.memory_space<vmem>>
        %dma_start3A_335 = tpu.memref_squeeze %dma_start3A_334 : memref<1x80xi32, #tpu.memory_space<vmem>> -> memref<80xi32, #tpu.memory_space<vmem>>
        %dma_start3A_336 = arith.constant 0 : i32
        %dma_start3A_337 = arith.constant 0 : i32
        %dma_start3A_338 = tpu.memref_slice %arg9[%dma_start3A_336, %dma_start3A_337] : memref<10240x128xf32, #tpu.memory_space<vmem_shared>> -> memref<10240x128xf32, #tpu.memory_space<vmem_shared>>
        tpu.enqueue_indirect_dma source(%dma_start3A_332 : memref<80x128xf32, #tpu.memory_space<vmem>>) target(%dma_start3A_338 : memref<10240x128xf32, #tpu.memory_space<vmem_shared>>) offsets(%dma_start3A_335 : memref<80xi32, #tpu.memory_space<vmem>>) semaphore(%arg21 : memref<!tpu.dma_semaphore, #tpu.memory_space<semaphore_mem>>) {add = true}
      } else {
      }
    }
    %scan3A_72 = arith.constant 32 : i32
    %dma_wait3A = arith.constant 0 : i32
    %dma_wait3A_73 = arith.constant 0 : i32
    %dma_wait3A_74 = arith.constant 0 : i32
    %dma_wait3A_75 = arith.constant 0 : i32
    %dma_wait3A_76 = tpu.memref_slice %arg8[%dma_wait3A, %dma_wait3A_74, %dma_wait3A_75] : memref<4x80x128xf32, #tpu.memory_space<vmem>> -> memref<1x80x128xf32, #tpu.memory_space<vmem>>
    %dma_wait3A_77 = tpu.memref_squeeze %dma_wait3A_76 : memref<1x80x128xf32, #tpu.memory_space<vmem>> -> memref<80x128xf32, #tpu.memory_space<vmem>>
    %dma_wait3A_78 = arith.constant 0 : i32
    %dma_wait3A_79 = tpu.memref_slice %arg7[%dma_wait3A_73, %dma_wait3A_78] : memref<4x80xi32, #tpu.memory_space<vmem>> -> memref<1x80xi32, #tpu.memory_space<vmem>>
    %dma_wait3A_80 = tpu.memref_squeeze %dma_wait3A_79 : memref<1x80xi32, #tpu.memory_space<vmem>> -> memref<80xi32, #tpu.memory_space<vmem>>
    %dma_wait3A_81 = arith.constant 0 : i32
    %dma_wait3A_82 = arith.constant 0 : i32
    %dma_wait3A_83 = tpu.memref_slice %arg9[%dma_wait3A_81, %dma_wait3A_82] : memref<10240x128xf32, #tpu.memory_space<vmem_shared>> -> memref<10240x128xf32, #tpu.memory_space<vmem_shared>>
    tpu.wait_indirect_dma semaphore(%arg18 : memref<!tpu.dma_semaphore, #tpu.memory_space<semaphore_mem>>) src(%dma_wait3A_77 : memref<80x128xf32, #tpu.memory_space<vmem>>) dst(%dma_wait3A_83 : memref<10240x128xf32, #tpu.memory_space<vmem_shared>>)
    %dma_wait3A_84 = arith.constant 1 : i32
    %dma_wait3A_85 = arith.constant 1 : i32
    %dma_wait3A_86 = arith.constant 0 : i32
    %dma_wait3A_87 = arith.constant 0 : i32
    %dma_wait3A_88 = tpu.memref_slice %arg8[%dma_wait3A_84, %dma_wait3A_86, %dma_wait3A_87] : memref<4x80x128xf32, #tpu.memory_space<vmem>> -> memref<1x80x128xf32, #tpu.memory_space<vmem>>
    %dma_wait3A_89 = tpu.memref_squeeze %dma_wait3A_88 : memref<1x80x128xf32, #tpu.memory_space<vmem>> -> memref<80x128xf32, #tpu.memory_space<vmem>>
    %dma_wait3A_90 = arith.constant 0 : i32
    %dma_wait3A_91 = tpu.memref_slice %arg7[%dma_wait3A_85, %dma_wait3A_90] : memref<4x80xi32, #tpu.memory_space<vmem>> -> memref<1x80xi32, #tpu.memory_space<vmem>>
    %dma_wait3A_92 = tpu.memref_squeeze %dma_wait3A_91 : memref<1x80xi32, #tpu.memory_space<vmem>> -> memref<80xi32, #tpu.memory_space<vmem>>
    %dma_wait3A_93 = arith.constant 0 : i32
    %dma_wait3A_94 = arith.constant 0 : i32
    %dma_wait3A_95 = tpu.memref_slice %arg9[%dma_wait3A_93, %dma_wait3A_94] : memref<10240x128xf32, #tpu.memory_space<vmem_shared>> -> memref<10240x128xf32, #tpu.memory_space<vmem_shared>>
    tpu.wait_indirect_dma semaphore(%arg19 : memref<!tpu.dma_semaphore, #tpu.memory_space<semaphore_mem>>) src(%dma_wait3A_89 : memref<80x128xf32, #tpu.memory_space<vmem>>) dst(%dma_wait3A_95 : memref<10240x128xf32, #tpu.memory_space<vmem_shared>>)
    %dma_wait3A_96 = arith.constant 2 : i32
    %dma_wait3A_97 = arith.constant 2 : i32
    %dma_wait3A_98 = arith.constant 0 : i32
    %dma_wait3A_99 = arith.constant 0 : i32
    %dma_wait3A_100 = tpu.memref_slice %arg8[%dma_wait3A_96, %dma_wait3A_98, %dma_wait3A_99] : memref<4x80x128xf32, #tpu.memory_space<vmem>> -> memref<1x80x128xf32, #tpu.memory_space<vmem>>
    %dma_wait3A_101 = tpu.memref_squeeze %dma_wait3A_100 : memref<1x80x128xf32, #tpu.memory_space<vmem>> -> memref<80x128xf32, #tpu.memory_space<vmem>>
    %dma_wait3A_102 = arith.constant 0 : i32
    %dma_wait3A_103 = tpu.memref_slice %arg7[%dma_wait3A_97, %dma_wait3A_102] : memref<4x80xi32, #tpu.memory_space<vmem>> -> memref<1x80xi32, #tpu.memory_space<vmem>>
    %dma_wait3A_104 = tpu.memref_squeeze %dma_wait3A_103 : memref<1x80xi32, #tpu.memory_space<vmem>> -> memref<80xi32, #tpu.memory_space<vmem>>
    %dma_wait3A_105 = arith.constant 0 : i32
    %dma_wait3A_106 = arith.constant 0 : i32
    %dma_wait3A_107 = tpu.memref_slice %arg9[%dma_wait3A_105, %dma_wait3A_106] : memref<10240x128xf32, #tpu.memory_space<vmem_shared>> -> memref<10240x128xf32, #tpu.memory_space<vmem_shared>>
    tpu.wait_indirect_dma semaphore(%arg20 : memref<!tpu.dma_semaphore, #tpu.memory_space<semaphore_mem>>) src(%dma_wait3A_101 : memref<80x128xf32, #tpu.memory_space<vmem>>) dst(%dma_wait3A_107 : memref<10240x128xf32, #tpu.memory_space<vmem_shared>>)
    %dma_wait3A_108 = arith.constant 3 : i32
    %dma_wait3A_109 = arith.constant 3 : i32
    %dma_wait3A_110 = arith.constant 0 : i32
    %dma_wait3A_111 = arith.constant 0 : i32
    %dma_wait3A_112 = tpu.memref_slice %arg8[%dma_wait3A_108, %dma_wait3A_110, %dma_wait3A_111] : memref<4x80x128xf32, #tpu.memory_space<vmem>> -> memref<1x80x128xf32, #tpu.memory_space<vmem>>
    %dma_wait3A_113 = tpu.memref_squeeze %dma_wait3A_112 : memref<1x80x128xf32, #tpu.memory_space<vmem>> -> memref<80x128xf32, #tpu.memory_space<vmem>>
    %dma_wait3A_114 = arith.constant 0 : i32
    %dma_wait3A_115 = tpu.memref_slice %arg7[%dma_wait3A_109, %dma_wait3A_114] : memref<4x80xi32, #tpu.memory_space<vmem>> -> memref<1x80xi32, #tpu.memory_space<vmem>>
    %dma_wait3A_116 = tpu.memref_squeeze %dma_wait3A_115 : memref<1x80xi32, #tpu.memory_space<vmem>> -> memref<80xi32, #tpu.memory_space<vmem>>
    %dma_wait3A_117 = arith.constant 0 : i32
    %dma_wait3A_118 = arith.constant 0 : i32
    %dma_wait3A_119 = tpu.memref_slice %arg9[%dma_wait3A_117, %dma_wait3A_118] : memref<10240x128xf32, #tpu.memory_space<vmem_shared>> -> memref<10240x128xf32, #tpu.memory_space<vmem_shared>>
    tpu.wait_indirect_dma semaphore(%arg21 : memref<!tpu.dma_semaphore, #tpu.memory_space<semaphore_mem>>) src(%dma_wait3A_113 : memref<80x128xf32, #tpu.memory_space<vmem>>) dst(%dma_wait3A_119 : memref<10240x128xf32, #tpu.memory_space<vmem_shared>>)
    %barrier3A_120 = arith.constant 0 : index
    tpu.barrier barrier_id(%barrier3A_120)
    %mul3A_121 = arith.constant 640 : i32
    %mul3A_122 = arith.muli %arg1, %mul3A_121 : i32
    %add3A_123 = arith.constant 0 : i32
    %add3A_124 = arith.addi %mul3A_122, %add3A_123 : i32
    %run_scoped3A_125 = arith.constant 0 : i32
    "tpu.region"() ({
      %run_scoped3A_225 = tpu.sem_alloc : memref<!tpu.dma_semaphore, #tpu.memory_space<semaphore_mem>>
      %dma_start3A_226 = arith.constant 0 : i32
      %dma_start3A_227 = arith.constant 0 : i32
      %dma_start3A_228 = tpu.memref_slice %arg8[%run_scoped3A_125, %dma_start3A_226, %dma_start3A_227] : memref<4x80x128xf32, #tpu.memory_space<vmem>> -> memref<1x80x128xf32, #tpu.memory_space<vmem>>
      %dma_start3A_229 = tpu.memref_squeeze %dma_start3A_228 : memref<1x80x128xf32, #tpu.memory_space<vmem>> -> memref<80x128xf32, #tpu.memory_space<vmem>>
      %dma_start3A_230 = arith.constant 0 : i32
      %dma_start3A_231 = tpu.memref_slice %arg9[%add3A_124, %dma_start3A_230] : memref<10240x128xf32, #tpu.memory_space<vmem_shared>> -> memref<80x128xf32, #tpu.memory_space<vmem_shared>>
      %dma_start3A_232 = arith.constant 0 : i32
      %dma_start3A_233 = arith.constant 0 : i32
      %dma_start3A_234 = tpu.memref_slice %arg8[%run_scoped3A_125, %dma_start3A_232, %dma_start3A_233] : memref<4x80x128xf32, #tpu.memory_space<vmem>> -> memref<1x80x128xf32, #tpu.memory_space<vmem>>
      %dma_start3A_235 = tpu.memref_squeeze %dma_start3A_234 : memref<1x80x128xf32, #tpu.memory_space<vmem>> -> memref<80x128xf32, #tpu.memory_space<vmem>>
      %dma_start3A_236 = arith.constant 0 : i32
      %dma_start3A_237 = tpu.memref_slice %arg9[%add3A_124, %dma_start3A_236] : memref<10240x128xf32, #tpu.memory_space<vmem_shared>> -> memref<80x128xf32, #tpu.memory_space<vmem_shared>>
      tpu.enqueue_dma source(%dma_start3A_237 : memref<80x128xf32, #tpu.memory_space<vmem_shared>>) target(%dma_start3A_235 : memref<80x128xf32, #tpu.memory_space<vmem>>) target_semaphore(%run_scoped3A_225 : memref<!tpu.dma_semaphore, #tpu.memory_space<semaphore_mem>>)
      %dma_wait3A_238 = arith.constant 0 : i32
      %dma_wait3A_239 = arith.constant 0 : i32
      %dma_wait3A_240 = tpu.memref_slice %arg8[%run_scoped3A_125, %dma_wait3A_238, %dma_wait3A_239] : memref<4x80x128xf32, #tpu.memory_space<vmem>> -> memref<1x80x128xf32, #tpu.memory_space<vmem>>
      %dma_wait3A_241 = tpu.memref_squeeze %dma_wait3A_240 : memref<1x80x128xf32, #tpu.memory_space<vmem>> -> memref<80x128xf32, #tpu.memory_space<vmem>>
      %dma_wait3A_242 = arith.constant 0 : i32
      %dma_wait3A_243 = tpu.memref_slice %arg9[%add3A_124, %dma_wait3A_242] : memref<10240x128xf32, #tpu.memory_space<vmem_shared>> -> memref<80x128xf32, #tpu.memory_space<vmem_shared>>
      %dma_wait3A_244 = arith.constant 0 : i32
      %dma_wait3A_245 = arith.constant 0 : i32
      %dma_wait3A_246 = tpu.memref_slice %arg8[%run_scoped3A_125, %dma_wait3A_244, %dma_wait3A_245] : memref<4x80x128xf32, #tpu.memory_space<vmem>> -> memref<1x80x128xf32, #tpu.memory_space<vmem>>
      %dma_wait3A_247 = tpu.memref_squeeze %dma_wait3A_246 : memref<1x80x128xf32, #tpu.memory_space<vmem>> -> memref<80x128xf32, #tpu.memory_space<vmem>>
      %dma_wait3A_248 = arith.constant 0 : i32
      %dma_wait3A_249 = tpu.memref_slice %arg9[%add3A_124, %dma_wait3A_248] : memref<10240x128xf32, #tpu.memory_space<vmem_shared>> -> memref<80x128xf32, #tpu.memory_space<vmem_shared>>
      tpu.wait_dma2 semaphore(%run_scoped3A_225 : memref<!tpu.dma_semaphore, #tpu.memory_space<semaphore_mem>>) src(%dma_wait3A_249 : memref<80x128xf32, #tpu.memory_space<vmem_shared>>) dst(%dma_wait3A_247 : memref<80x128xf32, #tpu.memory_space<vmem>>)
      tpu.yield
    }) : () -> ()
    %mul3A_126 = arith.constant 10240 : i32
    %mul3A_127 = arith.muli %arg0, %mul3A_126 : i32
    %mul3A_128 = arith.constant 640 : i32
    %mul3A_129 = arith.muli %arg1, %mul3A_128 : i32
    %add3A_130 = arith.addi %mul3A_127, %mul3A_129 : i32
    %add3A_131 = arith.constant 0 : i32
    %add3A_132 = arith.addi %add3A_130, %add3A_131 : i32
    %run_scoped3A_133 = arith.constant 0 : i32
    "tpu.region"() ({
      %run_scoped3A_225 = tpu.sem_alloc : memref<!tpu.dma_semaphore, #tpu.memory_space<semaphore_mem>>
      %dma_start3A_226 = arith.constant 0 : i32
      %dma_start3A_227 = arith.constant 0 : i32
      %dma_start3A_228 = tpu.memref_slice %arg8[%run_scoped3A_133, %dma_start3A_226, %dma_start3A_227] : memref<4x80x128xf32, #tpu.memory_space<vmem>> -> memref<1x80x128xf32, #tpu.memory_space<vmem>>
      %dma_start3A_229 = tpu.memref_squeeze %dma_start3A_228 : memref<1x80x128xf32, #tpu.memory_space<vmem>> -> memref<80x128xf32, #tpu.memory_space<vmem>>
      %dma_start3A_230 = arith.constant 0 : i32
      %dma_start3A_231 = tpu.memref_slice %arg5[%add3A_132, %dma_start3A_230] : memref<20480x128xf32, #tpu.memory_space<hbm>> -> memref<80x128xf32, #tpu.memory_space<hbm>>
      %dma_start3A_232 = arith.constant 0 : i32
      %dma_start3A_233 = tpu.memref_slice %arg5[%add3A_132, %dma_start3A_232] : memref<20480x128xf32, #tpu.memory_space<hbm>> -> memref<80x128xf32, #tpu.memory_space<hbm>>
      %dma_start3A_234 = arith.constant 0 : i32
      %dma_start3A_235 = arith.constant 0 : i32
      %dma_start3A_236 = tpu.memref_slice %arg8[%run_scoped3A_133, %dma_start3A_234, %dma_start3A_235] : memref<4x80x128xf32, #tpu.memory_space<vmem>> -> memref<1x80x128xf32, #tpu.memory_space<vmem>>
      %dma_start3A_237 = tpu.memref_squeeze %dma_start3A_236 : memref<1x80x128xf32, #tpu.memory_space<vmem>> -> memref<80x128xf32, #tpu.memory_space<vmem>>
      tpu.enqueue_dma source(%dma_start3A_237 : memref<80x128xf32, #tpu.memory_space<vmem>>) target(%dma_start3A_233 : memref<80x128xf32, #tpu.memory_space<hbm>>) target_semaphore(%run_scoped3A_225 : memref<!tpu.dma_semaphore, #tpu.memory_space<semaphore_mem>>)
      %dma_wait3A_238 = arith.constant 0 : i32
      %dma_wait3A_239 = arith.constant 0 : i32
      %dma_wait3A_240 = tpu.memref_slice %arg8[%run_scoped3A_133, %dma_wait3A_238, %dma_wait3A_239] : memref<4x80x128xf32, #tpu.memory_space<vmem>> -> memref<1x80x128xf32, #tpu.memory_space<vmem>>
      %dma_wait3A_241 = tpu.memref_squeeze %dma_wait3A_240 : memref<1x80x128xf32, #tpu.memory_space<vmem>> -> memref<80x128xf32, #tpu.memory_space<vmem>>
      %dma_wait3A_242 = arith.constant 0 : i32
      %dma_wait3A_243 = tpu.memref_slice %arg5[%add3A_132, %dma_wait3A_242] : memref<20480x128xf32, #tpu.memory_space<hbm>> -> memref<80x128xf32, #tpu.memory_space<hbm>>
      %dma_wait3A_244 = arith.constant 0 : i32
      %dma_wait3A_245 = tpu.memref_slice %arg5[%add3A_132, %dma_wait3A_244] : memref<20480x128xf32, #tpu.memory_space<hbm>> -> memref<80x128xf32, #tpu.memory_space<hbm>>
      %dma_wait3A_246 = arith.constant 0 : i32
      %dma_wait3A_247 = arith.constant 0 : i32
      %dma_wait3A_248 = tpu.memref_slice %arg8[%run_scoped3A_133, %dma_wait3A_246, %dma_wait3A_247] : memref<4x80x128xf32, #tpu.memory_space<vmem>> -> memref<1x80x128xf32, #tpu.memory_space<vmem>>
      %dma_wait3A_249 = tpu.memref_squeeze %dma_wait3A_248 : memref<1x80x128xf32, #tpu.memory_space<vmem>> -> memref<80x128xf32, #tpu.memory_space<vmem>>
      tpu.wait_dma2 semaphore(%run_scoped3A_225 : memref<!tpu.dma_semaphore, #tpu.memory_space<semaphore_mem>>) src(%dma_wait3A_249 : memref<80x128xf32, #tpu.memory_space<vmem>>) dst(%dma_wait3A_245 : memref<80x128xf32, #tpu.memory_space<hbm>>)
      tpu.yield
    }) : () -> ()
    %mul3A_134 = arith.constant 640 : i32
    %mul3A_135 = arith.muli %arg1, %mul3A_134 : i32
    %add3A_136 = arith.constant 80 : i32
    %add3A_137 = arith.addi %mul3A_135, %add3A_136 : i32
    %run_scoped3A_138 = arith.constant 0 : i32
    "tpu.region"() ({
      %run_scoped3A_225 = tpu.sem_alloc : memref<!tpu.dma_semaphore, #tpu.memory_space<semaphore_mem>>
      %dma_start3A_226 = arith.constant 0 : i32
      %dma_start3A_227 = arith.constant 0 : i32
      %dma_start3A_228 = tpu.memref_slice %arg8[%run_scoped3A_138, %dma_start3A_226, %dma_start3A_227] : memref<4x80x128xf32, #tpu.memory_space<vmem>> -> memref<1x80x128xf32, #tpu.memory_space<vmem>>
      %dma_start3A_229 = tpu.memref_squeeze %dma_start3A_228 : memref<1x80x128xf32, #tpu.memory_space<vmem>> -> memref<80x128xf32, #tpu.memory_space<vmem>>
      %dma_start3A_230 = arith.constant 0 : i32
      %dma_start3A_231 = tpu.memref_slice %arg9[%add3A_137, %dma_start3A_230] : memref<10240x128xf32, #tpu.memory_space<vmem_shared>> -> memref<80x128xf32, #tpu.memory_space<vmem_shared>>
      %dma_start3A_232 = arith.constant 0 : i32
      %dma_start3A_233 = arith.constant 0 : i32
      %dma_start3A_234 = tpu.memref_slice %arg8[%run_scoped3A_138, %dma_start3A_232, %dma_start3A_233] : memref<4x80x128xf32, #tpu.memory_space<vmem>> -> memref<1x80x128xf32, #tpu.memory_space<vmem>>
      %dma_start3A_235 = tpu.memref_squeeze %dma_start3A_234 : memref<1x80x128xf32, #tpu.memory_space<vmem>> -> memref<80x128xf32, #tpu.memory_space<vmem>>
      %dma_start3A_236 = arith.constant 0 : i32
      %dma_start3A_237 = tpu.memref_slice %arg9[%add3A_137, %dma_start3A_236] : memref<10240x128xf32, #tpu.memory_space<vmem_shared>> -> memref<80x128xf32, #tpu.memory_space<vmem_shared>>
      tpu.enqueue_dma source(%dma_start3A_237 : memref<80x128xf32, #tpu.memory_space<vmem_shared>>) target(%dma_start3A_235 : memref<80x128xf32, #tpu.memory_space<vmem>>) target_semaphore(%run_scoped3A_225 : memref<!tpu.dma_semaphore, #tpu.memory_space<semaphore_mem>>)
      %dma_wait3A_238 = arith.constant 0 : i32
      %dma_wait3A_239 = arith.constant 0 : i32
      %dma_wait3A_240 = tpu.memref_slice %arg8[%run_scoped3A_138, %dma_wait3A_238, %dma_wait3A_239] : memref<4x80x128xf32, #tpu.memory_space<vmem>> -> memref<1x80x128xf32, #tpu.memory_space<vmem>>
      %dma_wait3A_241 = tpu.memref_squeeze %dma_wait3A_240 : memref<1x80x128xf32, #tpu.memory_space<vmem>> -> memref<80x128xf32, #tpu.memory_space<vmem>>
      %dma_wait3A_242 = arith.constant 0 : i32
      %dma_wait3A_243 = tpu.memref_slice %arg9[%add3A_137, %dma_wait3A_242] : memref<10240x128xf32, #tpu.memory_space<vmem_shared>> -> memref<80x128xf32, #tpu.memory_space<vmem_shared>>
      %dma_wait3A_244 = arith.constant 0 : i32
      %dma_wait3A_245 = arith.constant 0 : i32
      %dma_wait3A_246 = tpu.memref_slice %arg8[%run_scoped3A_138, %dma_wait3A_244, %dma_wait3A_245] : memref<4x80x128xf32, #tpu.memory_space<vmem>> -> memref<1x80x128xf32, #tpu.memory_space<vmem>>
      %dma_wait3A_247 = tpu.memref_squeeze %dma_wait3A_246 : memref<1x80x128xf32, #tpu.memory_space<vmem>> -> memref<80x128xf32, #tpu.memory_space<vmem>>
      %dma_wait3A_248 = arith.constant 0 : i32
      %dma_wait3A_249 = tpu.memref_slice %arg9[%add3A_137, %dma_wait3A_248] : memref<10240x128xf32, #tpu.memory_space<vmem_shared>> -> memref<80x128xf32, #tpu.memory_space<vmem_shared>>
      tpu.wait_dma2 semaphore(%run_scoped3A_225 : memref<!tpu.dma_semaphore, #tpu.memory_space<semaphore_mem>>) src(%dma_wait3A_249 : memref<80x128xf32, #tpu.memory_space<vmem_shared>>) dst(%dma_wait3A_247 : memref<80x128xf32, #tpu.memory_space<vmem>>)
      tpu.yield
    }) : () -> ()
    %mul3A_139 = arith.constant 10240 : i32
    %mul3A_140 = arith.muli %arg0, %mul3A_139 : i32
    %mul3A_141 = arith.constant 640 : i32
    %mul3A_142 = arith.muli %arg1, %mul3A_141 : i32
    %add3A_143 = arith.addi %mul3A_140, %mul3A_142 : i32
    %add3A_144 = arith.constant 80 : i32
    %add3A_145 = arith.addi %add3A_143, %add3A_144 : i32
    %run_scoped3A_146 = arith.constant 0 : i32
    "tpu.region"() ({
      %run_scoped3A_225 = tpu.sem_alloc : memref<!tpu.dma_semaphore, #tpu.memory_space<semaphore_mem>>
      %dma_start3A_226 = arith.constant 0 : i32
      %dma_start3A_227 = arith.constant 0 : i32
      %dma_start3A_228 = tpu.memref_slice %arg8[%run_scoped3A_146, %dma_start3A_226, %dma_start3A_227] : memref<4x80x128xf32, #tpu.memory_space<vmem>> -> memref<1x80x128xf32, #tpu.memory_space<vmem>>
      %dma_start3A_229 = tpu.memref_squeeze %dma_start3A_228 : memref<1x80x128xf32, #tpu.memory_space<vmem>> -> memref<80x128xf32, #tpu.memory_space<vmem>>
      %dma_start3A_230 = arith.constant 0 : i32
      %dma_start3A_231 = tpu.memref_slice %arg5[%add3A_145, %dma_start3A_230] : memref<20480x128xf32, #tpu.memory_space<hbm>> -> memref<80x128xf32, #tpu.memory_space<hbm>>
      %dma_start3A_232 = arith.constant 0 : i32
      %dma_start3A_233 = tpu.memref_slice %arg5[%add3A_145, %dma_start3A_232] : memref<20480x128xf32, #tpu.memory_space<hbm>> -> memref<80x128xf32, #tpu.memory_space<hbm>>
      %dma_start3A_234 = arith.constant 0 : i32
      %dma_start3A_235 = arith.constant 0 : i32
      %dma_start3A_236 = tpu.memref_slice %arg8[%run_scoped3A_146, %dma_start3A_234, %dma_start3A_235] : memref<4x80x128xf32, #tpu.memory_space<vmem>> -> memref<1x80x128xf32, #tpu.memory_space<vmem>>
      %dma_start3A_237 = tpu.memref_squeeze %dma_start3A_236 : memref<1x80x128xf32, #tpu.memory_space<vmem>> -> memref<80x128xf32, #tpu.memory_space<vmem>>
      tpu.enqueue_dma source(%dma_start3A_237 : memref<80x128xf32, #tpu.memory_space<vmem>>) target(%dma_start3A_233 : memref<80x128xf32, #tpu.memory_space<hbm>>) target_semaphore(%run_scoped3A_225 : memref<!tpu.dma_semaphore, #tpu.memory_space<semaphore_mem>>)
      %dma_wait3A_238 = arith.constant 0 : i32
      %dma_wait3A_239 = arith.constant 0 : i32
      %dma_wait3A_240 = tpu.memref_slice %arg8[%run_scoped3A_146, %dma_wait3A_238, %dma_wait3A_239] : memref<4x80x128xf32, #tpu.memory_space<vmem>> -> memref<1x80x128xf32, #tpu.memory_space<vmem>>
      %dma_wait3A_241 = tpu.memref_squeeze %dma_wait3A_240 : memref<1x80x128xf32, #tpu.memory_space<vmem>> -> memref<80x128xf32, #tpu.memory_space<vmem>>
      %dma_wait3A_242 = arith.constant 0 : i32
      %dma_wait3A_243 = tpu.memref_slice %arg5[%add3A_145, %dma_wait3A_242] : memref<20480x128xf32, #tpu.memory_space<hbm>> -> memref<80x128xf32, #tpu.memory_space<hbm>>
      %dma_wait3A_244 = arith.constant 0 : i32
      %dma_wait3A_245 = tpu.memref_slice %arg5[%add3A_145, %dma_wait3A_244] : memref<20480x128xf32, #tpu.memory_space<hbm>> -> memref<80x128xf32, #tpu.memory_space<hbm>>
      %dma_wait3A_246 = arith.constant 0 : i32
      %dma_wait3A_247 = arith.constant 0 : i32
      %dma_wait3A_248 = tpu.memref_slice %arg8[%run_scoped3A_146, %dma_wait3A_246, %dma_wait3A_247] : memref<4x80x128xf32, #tpu.memory_space<vmem>> -> memref<1x80x128xf32, #tpu.memory_space<vmem>>
      %dma_wait3A_249 = tpu.memref_squeeze %dma_wait3A_248 : memref<1x80x128xf32, #tpu.memory_space<vmem>> -> memref<80x128xf32, #tpu.memory_space<vmem>>
      tpu.wait_dma2 semaphore(%run_scoped3A_225 : memref<!tpu.dma_semaphore, #tpu.memory_space<semaphore_mem>>) src(%dma_wait3A_249 : memref<80x128xf32, #tpu.memory_space<vmem>>) dst(%dma_wait3A_245 : memref<80x128xf32, #tpu.memory_space<hbm>>)
      tpu.yield
    }) : () -> ()
    %mul3A_147 = arith.constant 640 : i32
    %mul3A_148 = arith.muli %arg1, %mul3A_147 : i32
    %add3A_149 = arith.constant 160 : i32
    %add3A_150 = arith.addi %mul3A_148, %add3A_149 : i32
    %run_scoped3A_151 = arith.constant 0 : i32
    "tpu.region"() ({
      %run_scoped3A_225 = tpu.sem_alloc : memref<!tpu.dma_semaphore, #tpu.memory_space<semaphore_mem>>
      %dma_start3A_226 = arith.constant 0 : i32
      %dma_start3A_227 = arith.constant 0 : i32
      %dma_start3A_228 = tpu.memref_slice %arg8[%run_scoped3A_151, %dma_start3A_226, %dma_start3A_227] : memref<4x80x128xf32, #tpu.memory_space<vmem>> -> memref<1x80x128xf32, #tpu.memory_space<vmem>>
      %dma_start3A_229 = tpu.memref_squeeze %dma_start3A_228 : memref<1x80x128xf32, #tpu.memory_space<vmem>> -> memref<80x128xf32, #tpu.memory_space<vmem>>
      %dma_start3A_230 = arith.constant 0 : i32
      %dma_start3A_231 = tpu.memref_slice %arg9[%add3A_150, %dma_start3A_230] : memref<10240x128xf32, #tpu.memory_space<vmem_shared>> -> memref<80x128xf32, #tpu.memory_space<vmem_shared>>
      %dma_start3A_232 = arith.constant 0 : i32
      %dma_start3A_233 = arith.constant 0 : i32
      %dma_start3A_234 = tpu.memref_slice %arg8[%run_scoped3A_151, %dma_start3A_232, %dma_start3A_233] : memref<4x80x128xf32, #tpu.memory_space<vmem>> -> memref<1x80x128xf32, #tpu.memory_space<vmem>>
      %dma_start3A_235 = tpu.memref_squeeze %dma_start3A_234 : memref<1x80x128xf32, #tpu.memory_space<vmem>> -> memref<80x128xf32, #tpu.memory_space<vmem>>
      %dma_start3A_236 = arith.constant 0 : i32
      %dma_start3A_237 = tpu.memref_slice %arg9[%add3A_150, %dma_start3A_236] : memref<10240x128xf32, #tpu.memory_space<vmem_shared>> -> memref<80x128xf32, #tpu.memory_space<vmem_shared>>
      tpu.enqueue_dma source(%dma_start3A_237 : memref<80x128xf32, #tpu.memory_space<vmem_shared>>) target(%dma_start3A_235 : memref<80x128xf32, #tpu.memory_space<vmem>>) target_semaphore(%run_scoped3A_225 : memref<!tpu.dma_semaphore, #tpu.memory_space<semaphore_mem>>)
      %dma_wait3A_238 = arith.constant 0 : i32
      %dma_wait3A_239 = arith.constant 0 : i32
      %dma_wait3A_240 = tpu.memref_slice %arg8[%run_scoped3A_151, %dma_wait3A_238, %dma_wait3A_239] : memref<4x80x128xf32, #tpu.memory_space<vmem>> -> memref<1x80x128xf32, #tpu.memory_space<vmem>>
      %dma_wait3A_241 = tpu.memref_squeeze %dma_wait3A_240 : memref<1x80x128xf32, #tpu.memory_space<vmem>> -> memref<80x128xf32, #tpu.memory_space<vmem>>
      %dma_wait3A_242 = arith.constant 0 : i32
      %dma_wait3A_243 = tpu.memref_slice %arg9[%add3A_150, %dma_wait3A_242] : memref<10240x128xf32, #tpu.memory_space<vmem_shared>> -> memref<80x128xf32, #tpu.memory_space<vmem_shared>>
      %dma_wait3A_244 = arith.constant 0 : i32
      %dma_wait3A_245 = arith.constant 0 : i32
      %dma_wait3A_246 = tpu.memref_slice %arg8[%run_scoped3A_151, %dma_wait3A_244, %dma_wait3A_245] : memref<4x80x128xf32, #tpu.memory_space<vmem>> -> memref<1x80x128xf32, #tpu.memory_space<vmem>>
      %dma_wait3A_247 = tpu.memref_squeeze %dma_wait3A_246 : memref<1x80x128xf32, #tpu.memory_space<vmem>> -> memref<80x128xf32, #tpu.memory_space<vmem>>
      %dma_wait3A_248 = arith.constant 0 : i32
      %dma_wait3A_249 = tpu.memref_slice %arg9[%add3A_150, %dma_wait3A_248] : memref<10240x128xf32, #tpu.memory_space<vmem_shared>> -> memref<80x128xf32, #tpu.memory_space<vmem_shared>>
      tpu.wait_dma2 semaphore(%run_scoped3A_225 : memref<!tpu.dma_semaphore, #tpu.memory_space<semaphore_mem>>) src(%dma_wait3A_249 : memref<80x128xf32, #tpu.memory_space<vmem_shared>>) dst(%dma_wait3A_247 : memref<80x128xf32, #tpu.memory_space<vmem>>)
      tpu.yield
    }) : () -> ()
    %mul3A_152 = arith.constant 10240 : i32
    %mul3A_153 = arith.muli %arg0, %mul3A_152 : i32
    %mul3A_154 = arith.constant 640 : i32
    %mul3A_155 = arith.muli %arg1, %mul3A_154 : i32
    %add3A_156 = arith.addi %mul3A_153, %mul3A_155 : i32
    %add3A_157 = arith.constant 160 : i32
    %add3A_158 = arith.addi %add3A_156, %add3A_157 : i32
    %run_scoped3A_159 = arith.constant 0 : i32
    "tpu.region"() ({
      %run_scoped3A_225 = tpu.sem_alloc : memref<!tpu.dma_semaphore, #tpu.memory_space<semaphore_mem>>
      %dma_start3A_226 = arith.constant 0 : i32
      %dma_start3A_227 = arith.constant 0 : i32
      %dma_start3A_228 = tpu.memref_slice %arg8[%run_scoped3A_159, %dma_start3A_226, %dma_start3A_227] : memref<4x80x128xf32, #tpu.memory_space<vmem>> -> memref<1x80x128xf32, #tpu.memory_space<vmem>>
      %dma_start3A_229 = tpu.memref_squeeze %dma_start3A_228 : memref<1x80x128xf32, #tpu.memory_space<vmem>> -> memref<80x128xf32, #tpu.memory_space<vmem>>
      %dma_start3A_230 = arith.constant 0 : i32
      %dma_start3A_231 = tpu.memref_slice %arg5[%add3A_158, %dma_start3A_230] : memref<20480x128xf32, #tpu.memory_space<hbm>> -> memref<80x128xf32, #tpu.memory_space<hbm>>
      %dma_start3A_232 = arith.constant 0 : i32
      %dma_start3A_233 = tpu.memref_slice %arg5[%add3A_158, %dma_start3A_232] : memref<20480x128xf32, #tpu.memory_space<hbm>> -> memref<80x128xf32, #tpu.memory_space<hbm>>
      %dma_start3A_234 = arith.constant 0 : i32
      %dma_start3A_235 = arith.constant 0 : i32
      %dma_start3A_236 = tpu.memref_slice %arg8[%run_scoped3A_159, %dma_start3A_234, %dma_start3A_235] : memref<4x80x128xf32, #tpu.memory_space<vmem>> -> memref<1x80x128xf32, #tpu.memory_space<vmem>>
      %dma_start3A_237 = tpu.memref_squeeze %dma_start3A_236 : memref<1x80x128xf32, #tpu.memory_space<vmem>> -> memref<80x128xf32, #tpu.memory_space<vmem>>
      tpu.enqueue_dma source(%dma_start3A_237 : memref<80x128xf32, #tpu.memory_space<vmem>>) target(%dma_start3A_233 : memref<80x128xf32, #tpu.memory_space<hbm>>) target_semaphore(%run_scoped3A_225 : memref<!tpu.dma_semaphore, #tpu.memory_space<semaphore_mem>>)
      %dma_wait3A_238 = arith.constant 0 : i32
      %dma_wait3A_239 = arith.constant 0 : i32
      %dma_wait3A_240 = tpu.memref_slice %arg8[%run_scoped3A_159, %dma_wait3A_238, %dma_wait3A_239] : memref<4x80x128xf32, #tpu.memory_space<vmem>> -> memref<1x80x128xf32, #tpu.memory_space<vmem>>
      %dma_wait3A_241 = tpu.memref_squeeze %dma_wait3A_240 : memref<1x80x128xf32, #tpu.memory_space<vmem>> -> memref<80x128xf32, #tpu.memory_space<vmem>>
      %dma_wait3A_242 = arith.constant 0 : i32
      %dma_wait3A_243 = tpu.memref_slice %arg5[%add3A_158, %dma_wait3A_242] : memref<20480x128xf32, #tpu.memory_space<hbm>> -> memref<80x128xf32, #tpu.memory_space<hbm>>
      %dma_wait3A_244 = arith.constant 0 : i32
      %dma_wait3A_245 = tpu.memref_slice %arg5[%add3A_158, %dma_wait3A_244] : memref<20480x128xf32, #tpu.memory_space<hbm>> -> memref<80x128xf32, #tpu.memory_space<hbm>>
      %dma_wait3A_246 = arith.constant 0 : i32
      %dma_wait3A_247 = arith.constant 0 : i32
      %dma_wait3A_248 = tpu.memref_slice %arg8[%run_scoped3A_159, %dma_wait3A_246, %dma_wait3A_247] : memref<4x80x128xf32, #tpu.memory_space<vmem>> -> memref<1x80x128xf32, #tpu.memory_space<vmem>>
      %dma_wait3A_249 = tpu.memref_squeeze %dma_wait3A_248 : memref<1x80x128xf32, #tpu.memory_space<vmem>> -> memref<80x128xf32, #tpu.memory_space<vmem>>
      tpu.wait_dma2 semaphore(%run_scoped3A_225 : memref<!tpu.dma_semaphore, #tpu.memory_space<semaphore_mem>>) src(%dma_wait3A_249 : memref<80x128xf32, #tpu.memory_space<vmem>>) dst(%dma_wait3A_245 : memref<80x128xf32, #tpu.memory_space<hbm>>)
      tpu.yield
    }) : () -> ()
    %mul3A_160 = arith.constant 640 : i32
    %mul3A_161 = arith.muli %arg1, %mul3A_160 : i32
    %add3A_162 = arith.constant 240 : i32
    %add3A_163 = arith.addi %mul3A_161, %add3A_162 : i32
    %run_scoped3A_164 = arith.constant 0 : i32
    "tpu.region"() ({
      %run_scoped3A_225 = tpu.sem_alloc : memref<!tpu.dma_semaphore, #tpu.memory_space<semaphore_mem>>
      %dma_start3A_226 = arith.constant 0 : i32
      %dma_start3A_227 = arith.constant 0 : i32
      %dma_start3A_228 = tpu.memref_slice %arg8[%run_scoped3A_164, %dma_start3A_226, %dma_start3A_227] : memref<4x80x128xf32, #tpu.memory_space<vmem>> -> memref<1x80x128xf32, #tpu.memory_space<vmem>>
      %dma_start3A_229 = tpu.memref_squeeze %dma_start3A_228 : memref<1x80x128xf32, #tpu.memory_space<vmem>> -> memref<80x128xf32, #tpu.memory_space<vmem>>
      %dma_start3A_230 = arith.constant 0 : i32
      %dma_start3A_231 = tpu.memref_slice %arg9[%add3A_163, %dma_start3A_230] : memref<10240x128xf32, #tpu.memory_space<vmem_shared>> -> memref<80x128xf32, #tpu.memory_space<vmem_shared>>
      %dma_start3A_232 = arith.constant 0 : i32
      %dma_start3A_233 = arith.constant 0 : i32
      %dma_start3A_234 = tpu.memref_slice %arg8[%run_scoped3A_164, %dma_start3A_232, %dma_start3A_233] : memref<4x80x128xf32, #tpu.memory_space<vmem>> -> memref<1x80x128xf32, #tpu.memory_space<vmem>>
      %dma_start3A_235 = tpu.memref_squeeze %dma_start3A_234 : memref<1x80x128xf32, #tpu.memory_space<vmem>> -> memref<80x128xf32, #tpu.memory_space<vmem>>
      %dma_start3A_236 = arith.constant 0 : i32
      %dma_start3A_237 = tpu.memref_slice %arg9[%add3A_163, %dma_start3A_236] : memref<10240x128xf32, #tpu.memory_space<vmem_shared>> -> memref<80x128xf32, #tpu.memory_space<vmem_shared>>
      tpu.enqueue_dma source(%dma_start3A_237 : memref<80x128xf32, #tpu.memory_space<vmem_shared>>) target(%dma_start3A_235 : memref<80x128xf32, #tpu.memory_space<vmem>>) target_semaphore(%run_scoped3A_225 : memref<!tpu.dma_semaphore, #tpu.memory_space<semaphore_mem>>)
      %dma_wait3A_238 = arith.constant 0 : i32
      %dma_wait3A_239 = arith.constant 0 : i32
      %dma_wait3A_240 = tpu.memref_slice %arg8[%run_scoped3A_164, %dma_wait3A_238, %dma_wait3A_239] : memref<4x80x128xf32, #tpu.memory_space<vmem>> -> memref<1x80x128xf32, #tpu.memory_space<vmem>>
      %dma_wait3A_241 = tpu.memref_squeeze %dma_wait3A_240 : memref<1x80x128xf32, #tpu.memory_space<vmem>> -> memref<80x128xf32, #tpu.memory_space<vmem>>
      %dma_wait3A_242 = arith.constant 0 : i32
      %dma_wait3A_243 = tpu.memref_slice %arg9[%add3A_163, %dma_wait3A_242] : memref<10240x128xf32, #tpu.memory_space<vmem_shared>> -> memref<80x128xf32, #tpu.memory_space<vmem_shared>>
      %dma_wait3A_244 = arith.constant 0 : i32
      %dma_wait3A_245 = arith.constant 0 : i32
      %dma_wait3A_246 = tpu.memref_slice %arg8[%run_scoped3A_164, %dma_wait3A_244, %dma_wait3A_245] : memref<4x80x128xf32, #tpu.memory_space<vmem>> -> memref<1x80x128xf32, #tpu.memory_space<vmem>>
      %dma_wait3A_247 = tpu.memref_squeeze %dma_wait3A_246 : memref<1x80x128xf32, #tpu.memory_space<vmem>> -> memref<80x128xf32, #tpu.memory_space<vmem>>
      %dma_wait3A_248 = arith.constant 0 : i32
      %dma_wait3A_249 = tpu.memref_slice %arg9[%add3A_163, %dma_wait3A_248] : memref<10240x128xf32, #tpu.memory_space<vmem_shared>> -> memref<80x128xf32, #tpu.memory_space<vmem_shared>>
      tpu.wait_dma2 semaphore(%run_scoped3A_225 : memref<!tpu.dma_semaphore, #tpu.memory_space<semaphore_mem>>) src(%dma_wait3A_249 : memref<80x128xf32, #tpu.memory_space<vmem_shared>>) dst(%dma_wait3A_247 : memref<80x128xf32, #tpu.memory_space<vmem>>)
      tpu.yield
    }) : () -> ()
    %mul3A_165 = arith.constant 10240 : i32
    %mul3A_166 = arith.muli %arg0, %mul3A_165 : i32
    %mul3A_167 = arith.constant 640 : i32
    %mul3A_168 = arith.muli %arg1, %mul3A_167 : i32
    %add3A_169 = arith.addi %mul3A_166, %mul3A_168 : i32
    %add3A_170 = arith.constant 240 : i32
    %add3A_171 = arith.addi %add3A_169, %add3A_170 : i32
    %run_scoped3A_172 = arith.constant 0 : i32
    "tpu.region"() ({
      %run_scoped3A_225 = tpu.sem_alloc : memref<!tpu.dma_semaphore, #tpu.memory_space<semaphore_mem>>
      %dma_start3A_226 = arith.constant 0 : i32
      %dma_start3A_227 = arith.constant 0 : i32
      %dma_start3A_228 = tpu.memref_slice %arg8[%run_scoped3A_172, %dma_start3A_226, %dma_start3A_227] : memref<4x80x128xf32, #tpu.memory_space<vmem>> -> memref<1x80x128xf32, #tpu.memory_space<vmem>>
      %dma_start3A_229 = tpu.memref_squeeze %dma_start3A_228 : memref<1x80x128xf32, #tpu.memory_space<vmem>> -> memref<80x128xf32, #tpu.memory_space<vmem>>
      %dma_start3A_230 = arith.constant 0 : i32
      %dma_start3A_231 = tpu.memref_slice %arg5[%add3A_171, %dma_start3A_230] : memref<20480x128xf32, #tpu.memory_space<hbm>> -> memref<80x128xf32, #tpu.memory_space<hbm>>
      %dma_start3A_232 = arith.constant 0 : i32
      %dma_start3A_233 = tpu.memref_slice %arg5[%add3A_171, %dma_start3A_232] : memref<20480x128xf32, #tpu.memory_space<hbm>> -> memref<80x128xf32, #tpu.memory_space<hbm>>
      %dma_start3A_234 = arith.constant 0 : i32
      %dma_start3A_235 = arith.constant 0 : i32
      %dma_start3A_236 = tpu.memref_slice %arg8[%run_scoped3A_172, %dma_start3A_234, %dma_start3A_235] : memref<4x80x128xf32, #tpu.memory_space<vmem>> -> memref<1x80x128xf32, #tpu.memory_space<vmem>>
      %dma_start3A_237 = tpu.memref_squeeze %dma_start3A_236 : memref<1x80x128xf32, #tpu.memory_space<vmem>> -> memref<80x128xf32, #tpu.memory_space<vmem>>
      tpu.enqueue_dma source(%dma_start3A_237 : memref<80x128xf32, #tpu.memory_space<vmem>>) target(%dma_start3A_233 : memref<80x128xf32, #tpu.memory_space<hbm>>) target_semaphore(%run_scoped3A_225 : memref<!tpu.dma_semaphore, #tpu.memory_space<semaphore_mem>>)
      %dma_wait3A_238 = arith.constant 0 : i32
      %dma_wait3A_239 = arith.constant 0 : i32
      %dma_wait3A_240 = tpu.memref_slice %arg8[%run_scoped3A_172, %dma_wait3A_238, %dma_wait3A_239] : memref<4x80x128xf32, #tpu.memory_space<vmem>> -> memref<1x80x128xf32, #tpu.memory_space<vmem>>
      %dma_wait3A_241 = tpu.memref_squeeze %dma_wait3A_240 : memref<1x80x128xf32, #tpu.memory_space<vmem>> -> memref<80x128xf32, #tpu.memory_space<vmem>>
      %dma_wait3A_242 = arith.constant 0 : i32
      %dma_wait3A_243 = tpu.memref_slice %arg5[%add3A_171, %dma_wait3A_242] : memref<20480x128xf32, #tpu.memory_space<hbm>> -> memref<80x128xf32, #tpu.memory_space<hbm>>
      %dma_wait3A_244 = arith.constant 0 : i32
      %dma_wait3A_245 = tpu.memref_slice %arg5[%add3A_171, %dma_wait3A_244] : memref<20480x128xf32, #tpu.memory_space<hbm>> -> memref<80x128xf32, #tpu.memory_space<hbm>>
      %dma_wait3A_246 = arith.constant 0 : i32
      %dma_wait3A_247 = arith.constant 0 : i32
      %dma_wait3A_248 = tpu.memref_slice %arg8[%run_scoped3A_172, %dma_wait3A_246, %dma_wait3A_247] : memref<4x80x128xf32, #tpu.memory_space<vmem>> -> memref<1x80x128xf32, #tpu.memory_space<vmem>>
      %dma_wait3A_249 = tpu.memref_squeeze %dma_wait3A_248 : memref<1x80x128xf32, #tpu.memory_space<vmem>> -> memref<80x128xf32, #tpu.memory_space<vmem>>
      tpu.wait_dma2 semaphore(%run_scoped3A_225 : memref<!tpu.dma_semaphore, #tpu.memory_space<semaphore_mem>>) src(%dma_wait3A_249 : memref<80x128xf32, #tpu.memory_space<vmem>>) dst(%dma_wait3A_245 : memref<80x128xf32, #tpu.memory_space<hbm>>)
      tpu.yield
    }) : () -> ()
    %mul3A_173 = arith.constant 640 : i32
    %mul3A_174 = arith.muli %arg1, %mul3A_173 : i32
    %add3A_175 = arith.constant 320 : i32
    %add3A_176 = arith.addi %mul3A_174, %add3A_175 : i32
    %run_scoped3A_177 = arith.constant 0 : i32
    "tpu.region"() ({
      %run_scoped3A_225 = tpu.sem_alloc : memref<!tpu.dma_semaphore, #tpu.memory_space<semaphore_mem>>
      %dma_start3A_226 = arith.constant 0 : i32
      %dma_start3A_227 = arith.constant 0 : i32
      %dma_start3A_228 = tpu.memref_slice %arg8[%run_scoped3A_177, %dma_start3A_226, %dma_start3A_227] : memref<4x80x128xf32, #tpu.memory_space<vmem>> -> memref<1x80x128xf32, #tpu.memory_space<vmem>>
      %dma_start3A_229 = tpu.memref_squeeze %dma_start3A_228 : memref<1x80x128xf32, #tpu.memory_space<vmem>> -> memref<80x128xf32, #tpu.memory_space<vmem>>
      %dma_start3A_230 = arith.constant 0 : i32
      %dma_start3A_231 = tpu.memref_slice %arg9[%add3A_176, %dma_start3A_230] : memref<10240x128xf32, #tpu.memory_space<vmem_shared>> -> memref<80x128xf32, #tpu.memory_space<vmem_shared>>
      %dma_start3A_232 = arith.constant 0 : i32
      %dma_start3A_233 = arith.constant 0 : i32
      %dma_start3A_234 = tpu.memref_slice %arg8[%run_scoped3A_177, %dma_start3A_232, %dma_start3A_233] : memref<4x80x128xf32, #tpu.memory_space<vmem>> -> memref<1x80x128xf32, #tpu.memory_space<vmem>>
      %dma_start3A_235 = tpu.memref_squeeze %dma_start3A_234 : memref<1x80x128xf32, #tpu.memory_space<vmem>> -> memref<80x128xf32, #tpu.memory_space<vmem>>
      %dma_start3A_236 = arith.constant 0 : i32
      %dma_start3A_237 = tpu.memref_slice %arg9[%add3A_176, %dma_start3A_236] : memref<10240x128xf32, #tpu.memory_space<vmem_shared>> -> memref<80x128xf32, #tpu.memory_space<vmem_shared>>
      tpu.enqueue_dma source(%dma_start3A_237 : memref<80x128xf32, #tpu.memory_space<vmem_shared>>) target(%dma_start3A_235 : memref<80x128xf32, #tpu.memory_space<vmem>>) target_semaphore(%run_scoped3A_225 : memref<!tpu.dma_semaphore, #tpu.memory_space<semaphore_mem>>)
      %dma_wait3A_238 = arith.constant 0 : i32
      %dma_wait3A_239 = arith.constant 0 : i32
      %dma_wait3A_240 = tpu.memref_slice %arg8[%run_scoped3A_177, %dma_wait3A_238, %dma_wait3A_239] : memref<4x80x128xf32, #tpu.memory_space<vmem>> -> memref<1x80x128xf32, #tpu.memory_space<vmem>>
      %dma_wait3A_241 = tpu.memref_squeeze %dma_wait3A_240 : memref<1x80x128xf32, #tpu.memory_space<vmem>> -> memref<80x128xf32, #tpu.memory_space<vmem>>
      %dma_wait3A_242 = arith.constant 0 : i32
      %dma_wait3A_243 = tpu.memref_slice %arg9[%add3A_176, %dma_wait3A_242] : memref<10240x128xf32, #tpu.memory_space<vmem_shared>> -> memref<80x128xf32, #tpu.memory_space<vmem_shared>>
      %dma_wait3A_244 = arith.constant 0 : i32
      %dma_wait3A_245 = arith.constant 0 : i32
      %dma_wait3A_246 = tpu.memref_slice %arg8[%run_scoped3A_177, %dma_wait3A_244, %dma_wait3A_245] : memref<4x80x128xf32, #tpu.memory_space<vmem>> -> memref<1x80x128xf32, #tpu.memory_space<vmem>>
      %dma_wait3A_247 = tpu.memref_squeeze %dma_wait3A_246 : memref<1x80x128xf32, #tpu.memory_space<vmem>> -> memref<80x128xf32, #tpu.memory_space<vmem>>
      %dma_wait3A_248 = arith.constant 0 : i32
      %dma_wait3A_249 = tpu.memref_slice %arg9[%add3A_176, %dma_wait3A_248] : memref<10240x128xf32, #tpu.memory_space<vmem_shared>> -> memref<80x128xf32, #tpu.memory_space<vmem_shared>>
      tpu.wait_dma2 semaphore(%run_scoped3A_225 : memref<!tpu.dma_semaphore, #tpu.memory_space<semaphore_mem>>) src(%dma_wait3A_249 : memref<80x128xf32, #tpu.memory_space<vmem_shared>>) dst(%dma_wait3A_247 : memref<80x128xf32, #tpu.memory_space<vmem>>)
      tpu.yield
    }) : () -> ()
    %mul3A_178 = arith.constant 10240 : i32
    %mul3A_179 = arith.muli %arg0, %mul3A_178 : i32
    %mul3A_180 = arith.constant 640 : i32
    %mul3A_181 = arith.muli %arg1, %mul3A_180 : i32
    %add3A_182 = arith.addi %mul3A_179, %mul3A_181 : i32
    %add3A_183 = arith.constant 320 : i32
    %add3A_184 = arith.addi %add3A_182, %add3A_183 : i32
    %run_scoped3A_185 = arith.constant 0 : i32
    "tpu.region"() ({
      %run_scoped3A_225 = tpu.sem_alloc : memref<!tpu.dma_semaphore, #tpu.memory_space<semaphore_mem>>
      %dma_start3A_226 = arith.constant 0 : i32
      %dma_start3A_227 = arith.constant 0 : i32
      %dma_start3A_228 = tpu.memref_slice %arg8[%run_scoped3A_185, %dma_start3A_226, %dma_start3A_227] : memref<4x80x128xf32, #tpu.memory_space<vmem>> -> memref<1x80x128xf32, #tpu.memory_space<vmem>>
      %dma_start3A_229 = tpu.memref_squeeze %dma_start3A_228 : memref<1x80x128xf32, #tpu.memory_space<vmem>> -> memref<80x128xf32, #tpu.memory_space<vmem>>
      %dma_start3A_230 = arith.constant 0 : i32
      %dma_start3A_231 = tpu.memref_slice %arg5[%add3A_184, %dma_start3A_230] : memref<20480x128xf32, #tpu.memory_space<hbm>> -> memref<80x128xf32, #tpu.memory_space<hbm>>
      %dma_start3A_232 = arith.constant 0 : i32
      %dma_start3A_233 = tpu.memref_slice %arg5[%add3A_184, %dma_start3A_232] : memref<20480x128xf32, #tpu.memory_space<hbm>> -> memref<80x128xf32, #tpu.memory_space<hbm>>
      %dma_start3A_234 = arith.constant 0 : i32
      %dma_start3A_235 = arith.constant 0 : i32
      %dma_start3A_236 = tpu.memref_slice %arg8[%run_scoped3A_185, %dma_start3A_234, %dma_start3A_235] : memref<4x80x128xf32, #tpu.memory_space<vmem>> -> memref<1x80x128xf32, #tpu.memory_space<vmem>>
      %dma_start3A_237 = tpu.memref_squeeze %dma_start3A_236 : memref<1x80x128xf32, #tpu.memory_space<vmem>> -> memref<80x128xf32, #tpu.memory_space<vmem>>
      tpu.enqueue_dma source(%dma_start3A_237 : memref<80x128xf32, #tpu.memory_space<vmem>>) target(%dma_start3A_233 : memref<80x128xf32, #tpu.memory_space<hbm>>) target_semaphore(%run_scoped3A_225 : memref<!tpu.dma_semaphore, #tpu.memory_space<semaphore_mem>>)
      %dma_wait3A_238 = arith.constant 0 : i32
      %dma_wait3A_239 = arith.constant 0 : i32
      %dma_wait3A_240 = tpu.memref_slice %arg8[%run_scoped3A_185, %dma_wait3A_238, %dma_wait3A_239] : memref<4x80x128xf32, #tpu.memory_space<vmem>> -> memref<1x80x128xf32, #tpu.memory_space<vmem>>
      %dma_wait3A_241 = tpu.memref_squeeze %dma_wait3A_240 : memref<1x80x128xf32, #tpu.memory_space<vmem>> -> memref<80x128xf32, #tpu.memory_space<vmem>>
      %dma_wait3A_242 = arith.constant 0 : i32
      %dma_wait3A_243 = tpu.memref_slice %arg5[%add3A_184, %dma_wait3A_242] : memref<20480x128xf32, #tpu.memory_space<hbm>> -> memref<80x128xf32, #tpu.memory_space<hbm>>
      %dma_wait3A_244 = arith.constant 0 : i32
      %dma_wait3A_245 = tpu.memref_slice %arg5[%add3A_184, %dma_wait3A_244] : memref<20480x128xf32, #tpu.memory_space<hbm>> -> memref<80x128xf32, #tpu.memory_space<hbm>>
      %dma_wait3A_246 = arith.constant 0 : i32
      %dma_wait3A_247 = arith.constant 0 : i32
      %dma_wait3A_248 = tpu.memref_slice %arg8[%run_scoped3A_185, %dma_wait3A_246, %dma_wait3A_247] : memref<4x80x128xf32, #tpu.memory_space<vmem>> -> memref<1x80x128xf32, #tpu.memory_space<vmem>>
      %dma_wait3A_249 = tpu.memref_squeeze %dma_wait3A_248 : memref<1x80x128xf32, #tpu.memory_space<vmem>> -> memref<80x128xf32, #tpu.memory_space<vmem>>
      tpu.wait_dma2 semaphore(%run_scoped3A_225 : memref<!tpu.dma_semaphore, #tpu.memory_space<semaphore_mem>>) src(%dma_wait3A_249 : memref<80x128xf32, #tpu.memory_space<vmem>>) dst(%dma_wait3A_245 : memref<80x128xf32, #tpu.memory_space<hbm>>)
      tpu.yield
    }) : () -> ()
    %mul3A_186 = arith.constant 640 : i32
    %mul3A_187 = arith.muli %arg1, %mul3A_186 : i32
    %add3A_188 = arith.constant 400 : i32
    %add3A_189 = arith.addi %mul3A_187, %add3A_188 : i32
    %run_scoped3A_190 = arith.constant 0 : i32
    "tpu.region"() ({
      %run_scoped3A_225 = tpu.sem_alloc : memref<!tpu.dma_semaphore, #tpu.memory_space<semaphore_mem>>
      %dma_start3A_226 = arith.constant 0 : i32
      %dma_start3A_227 = arith.constant 0 : i32
      %dma_start3A_228 = tpu.memref_slice %arg8[%run_scoped3A_190, %dma_start3A_226, %dma_start3A_227] : memref<4x80x128xf32, #tpu.memory_space<vmem>> -> memref<1x80x128xf32, #tpu.memory_space<vmem>>
      %dma_start3A_229 = tpu.memref_squeeze %dma_start3A_228 : memref<1x80x128xf32, #tpu.memory_space<vmem>> -> memref<80x128xf32, #tpu.memory_space<vmem>>
      %dma_start3A_230 = arith.constant 0 : i32
      %dma_start3A_231 = tpu.memref_slice %arg9[%add3A_189, %dma_start3A_230] : memref<10240x128xf32, #tpu.memory_space<vmem_shared>> -> memref<80x128xf32, #tpu.memory_space<vmem_shared>>
      %dma_start3A_232 = arith.constant 0 : i32
      %dma_start3A_233 = arith.constant 0 : i32
      %dma_start3A_234 = tpu.memref_slice %arg8[%run_scoped3A_190, %dma_start3A_232, %dma_start3A_233] : memref<4x80x128xf32, #tpu.memory_space<vmem>> -> memref<1x80x128xf32, #tpu.memory_space<vmem>>
      %dma_start3A_235 = tpu.memref_squeeze %dma_start3A_234 : memref<1x80x128xf32, #tpu.memory_space<vmem>> -> memref<80x128xf32, #tpu.memory_space<vmem>>
      %dma_start3A_236 = arith.constant 0 : i32
      %dma_start3A_237 = tpu.memref_slice %arg9[%add3A_189, %dma_start3A_236] : memref<10240x128xf32, #tpu.memory_space<vmem_shared>> -> memref<80x128xf32, #tpu.memory_space<vmem_shared>>
      tpu.enqueue_dma source(%dma_start3A_237 : memref<80x128xf32, #tpu.memory_space<vmem_shared>>) target(%dma_start3A_235 : memref<80x128xf32, #tpu.memory_space<vmem>>) target_semaphore(%run_scoped3A_225 : memref<!tpu.dma_semaphore, #tpu.memory_space<semaphore_mem>>)
      %dma_wait3A_238 = arith.constant 0 : i32
      %dma_wait3A_239 = arith.constant 0 : i32
      %dma_wait3A_240 = tpu.memref_slice %arg8[%run_scoped3A_190, %dma_wait3A_238, %dma_wait3A_239] : memref<4x80x128xf32, #tpu.memory_space<vmem>> -> memref<1x80x128xf32, #tpu.memory_space<vmem>>
      %dma_wait3A_241 = tpu.memref_squeeze %dma_wait3A_240 : memref<1x80x128xf32, #tpu.memory_space<vmem>> -> memref<80x128xf32, #tpu.memory_space<vmem>>
      %dma_wait3A_242 = arith.constant 0 : i32
      %dma_wait3A_243 = tpu.memref_slice %arg9[%add3A_189, %dma_wait3A_242] : memref<10240x128xf32, #tpu.memory_space<vmem_shared>> -> memref<80x128xf32, #tpu.memory_space<vmem_shared>>
      %dma_wait3A_244 = arith.constant 0 : i32
      %dma_wait3A_245 = arith.constant 0 : i32
      %dma_wait3A_246 = tpu.memref_slice %arg8[%run_scoped3A_190, %dma_wait3A_244, %dma_wait3A_245] : memref<4x80x128xf32, #tpu.memory_space<vmem>> -> memref<1x80x128xf32, #tpu.memory_space<vmem>>
      %dma_wait3A_247 = tpu.memref_squeeze %dma_wait3A_246 : memref<1x80x128xf32, #tpu.memory_space<vmem>> -> memref<80x128xf32, #tpu.memory_space<vmem>>
      %dma_wait3A_248 = arith.constant 0 : i32
      %dma_wait3A_249 = tpu.memref_slice %arg9[%add3A_189, %dma_wait3A_248] : memref<10240x128xf32, #tpu.memory_space<vmem_shared>> -> memref<80x128xf32, #tpu.memory_space<vmem_shared>>
      tpu.wait_dma2 semaphore(%run_scoped3A_225 : memref<!tpu.dma_semaphore, #tpu.memory_space<semaphore_mem>>) src(%dma_wait3A_249 : memref<80x128xf32, #tpu.memory_space<vmem_shared>>) dst(%dma_wait3A_247 : memref<80x128xf32, #tpu.memory_space<vmem>>)
      tpu.yield
    }) : () -> ()
    %mul3A_191 = arith.constant 10240 : i32
    %mul3A_192 = arith.muli %arg0, %mul3A_191 : i32
    %mul3A_193 = arith.constant 640 : i32
    %mul3A_194 = arith.muli %arg1, %mul3A_193 : i32
    %add3A_195 = arith.addi %mul3A_192, %mul3A_194 : i32
    %add3A_196 = arith.constant 400 : i32
    %add3A_197 = arith.addi %add3A_195, %add3A_196 : i32
    %run_scoped3A_198 = arith.constant 0 : i32
    "tpu.region"() ({
      %run_scoped3A_225 = tpu.sem_alloc : memref<!tpu.dma_semaphore, #tpu.memory_space<semaphore_mem>>
      %dma_start3A_226 = arith.constant 0 : i32
      %dma_start3A_227 = arith.constant 0 : i32
      %dma_start3A_228 = tpu.memref_slice %arg8[%run_scoped3A_198, %dma_start3A_226, %dma_start3A_227] : memref<4x80x128xf32, #tpu.memory_space<vmem>> -> memref<1x80x128xf32, #tpu.memory_space<vmem>>
      %dma_start3A_229 = tpu.memref_squeeze %dma_start3A_228 : memref<1x80x128xf32, #tpu.memory_space<vmem>> -> memref<80x128xf32, #tpu.memory_space<vmem>>
      %dma_start3A_230 = arith.constant 0 : i32
      %dma_start3A_231 = tpu.memref_slice %arg5[%add3A_197, %dma_start3A_230] : memref<20480x128xf32, #tpu.memory_space<hbm>> -> memref<80x128xf32, #tpu.memory_space<hbm>>
      %dma_start3A_232 = arith.constant 0 : i32
      %dma_start3A_233 = tpu.memref_slice %arg5[%add3A_197, %dma_start3A_232] : memref<20480x128xf32, #tpu.memory_space<hbm>> -> memref<80x128xf32, #tpu.memory_space<hbm>>
      %dma_start3A_234 = arith.constant 0 : i32
      %dma_start3A_235 = arith.constant 0 : i32
      %dma_start3A_236 = tpu.memref_slice %arg8[%run_scoped3A_198, %dma_start3A_234, %dma_start3A_235] : memref<4x80x128xf32, #tpu.memory_space<vmem>> -> memref<1x80x128xf32, #tpu.memory_space<vmem>>
      %dma_start3A_237 = tpu.memref_squeeze %dma_start3A_236 : memref<1x80x128xf32, #tpu.memory_space<vmem>> -> memref<80x128xf32, #tpu.memory_space<vmem>>
      tpu.enqueue_dma source(%dma_start3A_237 : memref<80x128xf32, #tpu.memory_space<vmem>>) target(%dma_start3A_233 : memref<80x128xf32, #tpu.memory_space<hbm>>) target_semaphore(%run_scoped3A_225 : memref<!tpu.dma_semaphore, #tpu.memory_space<semaphore_mem>>)
      %dma_wait3A_238 = arith.constant 0 : i32
      %dma_wait3A_239 = arith.constant 0 : i32
      %dma_wait3A_240 = tpu.memref_slice %arg8[%run_scoped3A_198, %dma_wait3A_238, %dma_wait3A_239] : memref<4x80x128xf32, #tpu.memory_space<vmem>> -> memref<1x80x128xf32, #tpu.memory_space<vmem>>
      %dma_wait3A_241 = tpu.memref_squeeze %dma_wait3A_240 : memref<1x80x128xf32, #tpu.memory_space<vmem>> -> memref<80x128xf32, #tpu.memory_space<vmem>>
      %dma_wait3A_242 = arith.constant 0 : i32
      %dma_wait3A_243 = tpu.memref_slice %arg5[%add3A_197, %dma_wait3A_242] : memref<20480x128xf32, #tpu.memory_space<hbm>> -> memref<80x128xf32, #tpu.memory_space<hbm>>
      %dma_wait3A_244 = arith.constant 0 : i32
      %dma_wait3A_245 = tpu.memref_slice %arg5[%add3A_197, %dma_wait3A_244] : memref<20480x128xf32, #tpu.memory_space<hbm>> -> memref<80x128xf32, #tpu.memory_space<hbm>>
      %dma_wait3A_246 = arith.constant 0 : i32
      %dma_wait3A_247 = arith.constant 0 : i32
      %dma_wait3A_248 = tpu.memref_slice %arg8[%run_scoped3A_198, %dma_wait3A_246, %dma_wait3A_247] : memref<4x80x128xf32, #tpu.memory_space<vmem>> -> memref<1x80x128xf32, #tpu.memory_space<vmem>>
      %dma_wait3A_249 = tpu.memref_squeeze %dma_wait3A_248 : memref<1x80x128xf32, #tpu.memory_space<vmem>> -> memref<80x128xf32, #tpu.memory_space<vmem>>
      tpu.wait_dma2 semaphore(%run_scoped3A_225 : memref<!tpu.dma_semaphore, #tpu.memory_space<semaphore_mem>>) src(%dma_wait3A_249 : memref<80x128xf32, #tpu.memory_space<vmem>>) dst(%dma_wait3A_245 : memref<80x128xf32, #tpu.memory_space<hbm>>)
      tpu.yield
    }) : () -> ()
    %mul3A_199 = arith.constant 640 : i32
    %mul3A_200 = arith.muli %arg1, %mul3A_199 : i32
    %add3A_201 = arith.constant 480 : i32
    %add3A_202 = arith.addi %mul3A_200, %add3A_201 : i32
    %run_scoped3A_203 = arith.constant 0 : i32
    "tpu.region"() ({
      %run_scoped3A_225 = tpu.sem_alloc : memref<!tpu.dma_semaphore, #tpu.memory_space<semaphore_mem>>
      %dma_start3A_226 = arith.constant 0 : i32
      %dma_start3A_227 = arith.constant 0 : i32
      %dma_start3A_228 = tpu.memref_slice %arg8[%run_scoped3A_203, %dma_start3A_226, %dma_start3A_227] : memref<4x80x128xf32, #tpu.memory_space<vmem>> -> memref<1x80x128xf32, #tpu.memory_space<vmem>>
      %dma_start3A_229 = tpu.memref_squeeze %dma_start3A_228 : memref<1x80x128xf32, #tpu.memory_space<vmem>> -> memref<80x128xf32, #tpu.memory_space<vmem>>
      %dma_start3A_230 = arith.constant 0 : i32
      %dma_start3A_231 = tpu.memref_slice %arg9[%add3A_202, %dma_start3A_230] : memref<10240x128xf32, #tpu.memory_space<vmem_shared>> -> memref<80x128xf32, #tpu.memory_space<vmem_shared>>
      %dma_start3A_232 = arith.constant 0 : i32
      %dma_start3A_233 = arith.constant 0 : i32
      %dma_start3A_234 = tpu.memref_slice %arg8[%run_scoped3A_203, %dma_start3A_232, %dma_start3A_233] : memref<4x80x128xf32, #tpu.memory_space<vmem>> -> memref<1x80x128xf32, #tpu.memory_space<vmem>>
      %dma_start3A_235 = tpu.memref_squeeze %dma_start3A_234 : memref<1x80x128xf32, #tpu.memory_space<vmem>> -> memref<80x128xf32, #tpu.memory_space<vmem>>
      %dma_start3A_236 = arith.constant 0 : i32
      %dma_start3A_237 = tpu.memref_slice %arg9[%add3A_202, %dma_start3A_236] : memref<10240x128xf32, #tpu.memory_space<vmem_shared>> -> memref<80x128xf32, #tpu.memory_space<vmem_shared>>
      tpu.enqueue_dma source(%dma_start3A_237 : memref<80x128xf32, #tpu.memory_space<vmem_shared>>) target(%dma_start3A_235 : memref<80x128xf32, #tpu.memory_space<vmem>>) target_semaphore(%run_scoped3A_225 : memref<!tpu.dma_semaphore, #tpu.memory_space<semaphore_mem>>)
      %dma_wait3A_238 = arith.constant 0 : i32
      %dma_wait3A_239 = arith.constant 0 : i32
      %dma_wait3A_240 = tpu.memref_slice %arg8[%run_scoped3A_203, %dma_wait3A_238, %dma_wait3A_239] : memref<4x80x128xf32, #tpu.memory_space<vmem>> -> memref<1x80x128xf32, #tpu.memory_space<vmem>>
      %dma_wait3A_241 = tpu.memref_squeeze %dma_wait3A_240 : memref<1x80x128xf32, #tpu.memory_space<vmem>> -> memref<80x128xf32, #tpu.memory_space<vmem>>
      %dma_wait3A_242 = arith.constant 0 : i32
      %dma_wait3A_243 = tpu.memref_slice %arg9[%add3A_202, %dma_wait3A_242] : memref<10240x128xf32, #tpu.memory_space<vmem_shared>> -> memref<80x128xf32, #tpu.memory_space<vmem_shared>>
      %dma_wait3A_244 = arith.constant 0 : i32
      %dma_wait3A_245 = arith.constant 0 : i32
      %dma_wait3A_246 = tpu.memref_slice %arg8[%run_scoped3A_203, %dma_wait3A_244, %dma_wait3A_245] : memref<4x80x128xf32, #tpu.memory_space<vmem>> -> memref<1x80x128xf32, #tpu.memory_space<vmem>>
      %dma_wait3A_247 = tpu.memref_squeeze %dma_wait3A_246 : memref<1x80x128xf32, #tpu.memory_space<vmem>> -> memref<80x128xf32, #tpu.memory_space<vmem>>
      %dma_wait3A_248 = arith.constant 0 : i32
      %dma_wait3A_249 = tpu.memref_slice %arg9[%add3A_202, %dma_wait3A_248] : memref<10240x128xf32, #tpu.memory_space<vmem_shared>> -> memref<80x128xf32, #tpu.memory_space<vmem_shared>>
      tpu.wait_dma2 semaphore(%run_scoped3A_225 : memref<!tpu.dma_semaphore, #tpu.memory_space<semaphore_mem>>) src(%dma_wait3A_249 : memref<80x128xf32, #tpu.memory_space<vmem_shared>>) dst(%dma_wait3A_247 : memref<80x128xf32, #tpu.memory_space<vmem>>)
      tpu.yield
    }) : () -> ()
    %mul3A_204 = arith.constant 10240 : i32
    %mul3A_205 = arith.muli %arg0, %mul3A_204 : i32
    %mul3A_206 = arith.constant 640 : i32
    %mul3A_207 = arith.muli %arg1, %mul3A_206 : i32
    %add3A_208 = arith.addi %mul3A_205, %mul3A_207 : i32
    %add3A_209 = arith.constant 480 : i32
    %add3A_210 = arith.addi %add3A_208, %add3A_209 : i32
    %run_scoped3A_211 = arith.constant 0 : i32
    "tpu.region"() ({
      %run_scoped3A_225 = tpu.sem_alloc : memref<!tpu.dma_semaphore, #tpu.memory_space<semaphore_mem>>
      %dma_start3A_226 = arith.constant 0 : i32
      %dma_start3A_227 = arith.constant 0 : i32
      %dma_start3A_228 = tpu.memref_slice %arg8[%run_scoped3A_211, %dma_start3A_226, %dma_start3A_227] : memref<4x80x128xf32, #tpu.memory_space<vmem>> -> memref<1x80x128xf32, #tpu.memory_space<vmem>>
      %dma_start3A_229 = tpu.memref_squeeze %dma_start3A_228 : memref<1x80x128xf32, #tpu.memory_space<vmem>> -> memref<80x128xf32, #tpu.memory_space<vmem>>
      %dma_start3A_230 = arith.constant 0 : i32
      %dma_start3A_231 = tpu.memref_slice %arg5[%add3A_210, %dma_start3A_230] : memref<20480x128xf32, #tpu.memory_space<hbm>> -> memref<80x128xf32, #tpu.memory_space<hbm>>
      %dma_start3A_232 = arith.constant 0 : i32
      %dma_start3A_233 = tpu.memref_slice %arg5[%add3A_210, %dma_start3A_232] : memref<20480x128xf32, #tpu.memory_space<hbm>> -> memref<80x128xf32, #tpu.memory_space<hbm>>
      %dma_start3A_234 = arith.constant 0 : i32
      %dma_start3A_235 = arith.constant 0 : i32
      %dma_start3A_236 = tpu.memref_slice %arg8[%run_scoped3A_211, %dma_start3A_234, %dma_start3A_235] : memref<4x80x128xf32, #tpu.memory_space<vmem>> -> memref<1x80x128xf32, #tpu.memory_space<vmem>>
      %dma_start3A_237 = tpu.memref_squeeze %dma_start3A_236 : memref<1x80x128xf32, #tpu.memory_space<vmem>> -> memref<80x128xf32, #tpu.memory_space<vmem>>
      tpu.enqueue_dma source(%dma_start3A_237 : memref<80x128xf32, #tpu.memory_space<vmem>>) target(%dma_start3A_233 : memref<80x128xf32, #tpu.memory_space<hbm>>) target_semaphore(%run_scoped3A_225 : memref<!tpu.dma_semaphore, #tpu.memory_space<semaphore_mem>>)
      %dma_wait3A_238 = arith.constant 0 : i32
      %dma_wait3A_239 = arith.constant 0 : i32
      %dma_wait3A_240 = tpu.memref_slice %arg8[%run_scoped3A_211, %dma_wait3A_238, %dma_wait3A_239] : memref<4x80x128xf32, #tpu.memory_space<vmem>> -> memref<1x80x128xf32, #tpu.memory_space<vmem>>
      %dma_wait3A_241 = tpu.memref_squeeze %dma_wait3A_240 : memref<1x80x128xf32, #tpu.memory_space<vmem>> -> memref<80x128xf32, #tpu.memory_space<vmem>>
      %dma_wait3A_242 = arith.constant 0 : i32
      %dma_wait3A_243 = tpu.memref_slice %arg5[%add3A_210, %dma_wait3A_242] : memref<20480x128xf32, #tpu.memory_space<hbm>> -> memref<80x128xf32, #tpu.memory_space<hbm>>
      %dma_wait3A_244 = arith.constant 0 : i32
      %dma_wait3A_245 = tpu.memref_slice %arg5[%add3A_210, %dma_wait3A_244] : memref<20480x128xf32, #tpu.memory_space<hbm>> -> memref<80x128xf32, #tpu.memory_space<hbm>>
      %dma_wait3A_246 = arith.constant 0 : i32
      %dma_wait3A_247 = arith.constant 0 : i32
      %dma_wait3A_248 = tpu.memref_slice %arg8[%run_scoped3A_211, %dma_wait3A_246, %dma_wait3A_247] : memref<4x80x128xf32, #tpu.memory_space<vmem>> -> memref<1x80x128xf32, #tpu.memory_space<vmem>>
      %dma_wait3A_249 = tpu.memref_squeeze %dma_wait3A_248 : memref<1x80x128xf32, #tpu.memory_space<vmem>> -> memref<80x128xf32, #tpu.memory_space<vmem>>
      tpu.wait_dma2 semaphore(%run_scoped3A_225 : memref<!tpu.dma_semaphore, #tpu.memory_space<semaphore_mem>>) src(%dma_wait3A_249 : memref<80x128xf32, #tpu.memory_space<vmem>>) dst(%dma_wait3A_245 : memref<80x128xf32, #tpu.memory_space<hbm>>)
      tpu.yield
    }) : () -> ()
    %mul3A_212 = arith.constant 640 : i32
    %mul3A_213 = arith.muli %arg1, %mul3A_212 : i32
    %add3A_214 = arith.constant 560 : i32
    %add3A_215 = arith.addi %mul3A_213, %add3A_214 : i32
    %run_scoped3A_216 = arith.constant 0 : i32
    "tpu.region"() ({
      %run_scoped3A_225 = tpu.sem_alloc : memref<!tpu.dma_semaphore, #tpu.memory_space<semaphore_mem>>
      %dma_start3A_226 = arith.constant 0 : i32
      %dma_start3A_227 = arith.constant 0 : i32
      %dma_start3A_228 = tpu.memref_slice %arg8[%run_scoped3A_216, %dma_start3A_226, %dma_start3A_227] : memref<4x80x128xf32, #tpu.memory_space<vmem>> -> memref<1x80x128xf32, #tpu.memory_space<vmem>>
      %dma_start3A_229 = tpu.memref_squeeze %dma_start3A_228 : memref<1x80x128xf32, #tpu.memory_space<vmem>> -> memref<80x128xf32, #tpu.memory_space<vmem>>
      %dma_start3A_230 = arith.constant 0 : i32
      %dma_start3A_231 = tpu.memref_slice %arg9[%add3A_215, %dma_start3A_230] : memref<10240x128xf32, #tpu.memory_space<vmem_shared>> -> memref<80x128xf32, #tpu.memory_space<vmem_shared>>
      %dma_start3A_232 = arith.constant 0 : i32
      %dma_start3A_233 = arith.constant 0 : i32
      %dma_start3A_234 = tpu.memref_slice %arg8[%run_scoped3A_216, %dma_start3A_232, %dma_start3A_233] : memref<4x80x128xf32, #tpu.memory_space<vmem>> -> memref<1x80x128xf32, #tpu.memory_space<vmem>>
      %dma_start3A_235 = tpu.memref_squeeze %dma_start3A_234 : memref<1x80x128xf32, #tpu.memory_space<vmem>> -> memref<80x128xf32, #tpu.memory_space<vmem>>
      %dma_start3A_236 = arith.constant 0 : i32
      %dma_start3A_237 = tpu.memref_slice %arg9[%add3A_215, %dma_start3A_236] : memref<10240x128xf32, #tpu.memory_space<vmem_shared>> -> memref<80x128xf32, #tpu.memory_space<vmem_shared>>
      tpu.enqueue_dma source(%dma_start3A_237 : memref<80x128xf32, #tpu.memory_space<vmem_shared>>) target(%dma_start3A_235 : memref<80x128xf32, #tpu.memory_space<vmem>>) target_semaphore(%run_scoped3A_225 : memref<!tpu.dma_semaphore, #tpu.memory_space<semaphore_mem>>)
      %dma_wait3A_238 = arith.constant 0 : i32
      %dma_wait3A_239 = arith.constant 0 : i32
      %dma_wait3A_240 = tpu.memref_slice %arg8[%run_scoped3A_216, %dma_wait3A_238, %dma_wait3A_239] : memref<4x80x128xf32, #tpu.memory_space<vmem>> -> memref<1x80x128xf32, #tpu.memory_space<vmem>>
      %dma_wait3A_241 = tpu.memref_squeeze %dma_wait3A_240 : memref<1x80x128xf32, #tpu.memory_space<vmem>> -> memref<80x128xf32, #tpu.memory_space<vmem>>
      %dma_wait3A_242 = arith.constant 0 : i32
      %dma_wait3A_243 = tpu.memref_slice %arg9[%add3A_215, %dma_wait3A_242] : memref<10240x128xf32, #tpu.memory_space<vmem_shared>> -> memref<80x128xf32, #tpu.memory_space<vmem_shared>>
      %dma_wait3A_244 = arith.constant 0 : i32
      %dma_wait3A_245 = arith.constant 0 : i32
      %dma_wait3A_246 = tpu.memref_slice %arg8[%run_scoped3A_216, %dma_wait3A_244, %dma_wait3A_245] : memref<4x80x128xf32, #tpu.memory_space<vmem>> -> memref<1x80x128xf32, #tpu.memory_space<vmem>>
      %dma_wait3A_247 = tpu.memref_squeeze %dma_wait3A_246 : memref<1x80x128xf32, #tpu.memory_space<vmem>> -> memref<80x128xf32, #tpu.memory_space<vmem>>
      %dma_wait3A_248 = arith.constant 0 : i32
      %dma_wait3A_249 = tpu.memref_slice %arg9[%add3A_215, %dma_wait3A_248] : memref<10240x128xf32, #tpu.memory_space<vmem_shared>> -> memref<80x128xf32, #tpu.memory_space<vmem_shared>>
      tpu.wait_dma2 semaphore(%run_scoped3A_225 : memref<!tpu.dma_semaphore, #tpu.memory_space<semaphore_mem>>) src(%dma_wait3A_249 : memref<80x128xf32, #tpu.memory_space<vmem_shared>>) dst(%dma_wait3A_247 : memref<80x128xf32, #tpu.memory_space<vmem>>)
      tpu.yield
    }) : () -> ()
    %mul3A_217 = arith.constant 10240 : i32
    %mul3A_218 = arith.muli %arg0, %mul3A_217 : i32
    %mul3A_219 = arith.constant 640 : i32
    %mul3A_220 = arith.muli %arg1, %mul3A_219 : i32
    %add3A_221 = arith.addi %mul3A_218, %mul3A_220 : i32
    %add3A_222 = arith.constant 560 : i32
    %add3A_223 = arith.addi %add3A_221, %add3A_222 : i32
    %run_scoped3A_224 = arith.constant 0 : i32
    "tpu.region"() ({
      %run_scoped3A_225 = tpu.sem_alloc : memref<!tpu.dma_semaphore, #tpu.memory_space<semaphore_mem>>
      %dma_start3A_226 = arith.constant 0 : i32
      %dma_start3A_227 = arith.constant 0 : i32
      %dma_start3A_228 = tpu.memref_slice %arg8[%run_scoped3A_224, %dma_start3A_226, %dma_start3A_227] : memref<4x80x128xf32, #tpu.memory_space<vmem>> -> memref<1x80x128xf32, #tpu.memory_space<vmem>>
      %dma_start3A_229 = tpu.memref_squeeze %dma_start3A_228 : memref<1x80x128xf32, #tpu.memory_space<vmem>> -> memref<80x128xf32, #tpu.memory_space<vmem>>
      %dma_start3A_230 = arith.constant 0 : i32
      %dma_start3A_231 = tpu.memref_slice %arg5[%add3A_223, %dma_start3A_230] : memref<20480x128xf32, #tpu.memory_space<hbm>> -> memref<80x128xf32, #tpu.memory_space<hbm>>
      %dma_start3A_232 = arith.constant 0 : i32
      %dma_start3A_233 = tpu.memref_slice %arg5[%add3A_223, %dma_start3A_232] : memref<20480x128xf32, #tpu.memory_space<hbm>> -> memref<80x128xf32, #tpu.memory_space<hbm>>
      %dma_start3A_234 = arith.constant 0 : i32
      %dma_start3A_235 = arith.constant 0 : i32
      %dma_start3A_236 = tpu.memref_slice %arg8[%run_scoped3A_224, %dma_start3A_234, %dma_start3A_235] : memref<4x80x128xf32, #tpu.memory_space<vmem>> -> memref<1x80x128xf32, #tpu.memory_space<vmem>>
      %dma_start3A_237 = tpu.memref_squeeze %dma_start3A_236 : memref<1x80x128xf32, #tpu.memory_space<vmem>> -> memref<80x128xf32, #tpu.memory_space<vmem>>
      tpu.enqueue_dma source(%dma_start3A_237 : memref<80x128xf32, #tpu.memory_space<vmem>>) target(%dma_start3A_233 : memref<80x128xf32, #tpu.memory_space<hbm>>) target_semaphore(%run_scoped3A_225 : memref<!tpu.dma_semaphore, #tpu.memory_space<semaphore_mem>>)
      %dma_wait3A_238 = arith.constant 0 : i32
      %dma_wait3A_239 = arith.constant 0 : i32
      %dma_wait3A_240 = tpu.memref_slice %arg8[%run_scoped3A_224, %dma_wait3A_238, %dma_wait3A_239] : memref<4x80x128xf32, #tpu.memory_space<vmem>> -> memref<1x80x128xf32, #tpu.memory_space<vmem>>
      %dma_wait3A_241 = tpu.memref_squeeze %dma_wait3A_240 : memref<1x80x128xf32, #tpu.memory_space<vmem>> -> memref<80x128xf32, #tpu.memory_space<vmem>>
      %dma_wait3A_242 = arith.constant 0 : i32
      %dma_wait3A_243 = tpu.memref_slice %arg5[%add3A_223, %dma_wait3A_242] : memref<20480x128xf32, #tpu.memory_space<hbm>> -> memref<80x128xf32, #tpu.memory_space<hbm>>
      %dma_wait3A_244 = arith.constant 0 : i32
      %dma_wait3A_245 = tpu.memref_slice %arg5[%add3A_223, %dma_wait3A_244] : memref<20480x128xf32, #tpu.memory_space<hbm>> -> memref<80x128xf32, #tpu.memory_space<hbm>>
      %dma_wait3A_246 = arith.constant 0 : i32
      %dma_wait3A_247 = arith.constant 0 : i32
      %dma_wait3A_248 = tpu.memref_slice %arg8[%run_scoped3A_224, %dma_wait3A_246, %dma_wait3A_247] : memref<4x80x128xf32, #tpu.memory_space<vmem>> -> memref<1x80x128xf32, #tpu.memory_space<vmem>>
      %dma_wait3A_249 = tpu.memref_squeeze %dma_wait3A_248 : memref<1x80x128xf32, #tpu.memory_space<vmem>> -> memref<80x128xf32, #tpu.memory_space<vmem>>
      tpu.wait_dma2 semaphore(%run_scoped3A_225 : memref<!tpu.dma_semaphore, #tpu.memory_space<semaphore_mem>>) src(%dma_wait3A_249 : memref<80x128xf32, #tpu.memory_space<vmem>>) dst(%dma_wait3A_245 : memref<80x128xf32, #tpu.memory_space<hbm>>)
      tpu.yield
    }) : () -> ()
    return
  }
}

module attributes {stable_mosaic.version = 14 : i64} {
  func.func @_transform_kernel(%arg0: i32, %arg1: memref<2048xf32, #tpu.memory_space<vmem>>, %arg2: memref<2048xf32, #tpu.memory_space<vmem>>, %arg3: memref<2048x128xf32, #tpu.memory_space<vmem>>, %arg4: memref<128x128xf32, #tpu.memory_space<vmem>>, %arg5: memref<2048x128xf32, #tpu.memory_space<vmem>>) attributes {dimension_semantics = [#tpu.dimension_semantics<arbitrary>], iteration_bounds = array<i64: 5>, scalar_prefetch = 0 : i64, scratch_operands = 0 : i64, tpu.core_type = #tpu.core_type<tc>, window_params = [{transform_indices = @transform_0, window_bounds = array<i64: 2048>}, {transform_indices = @transform_1, window_bounds = array<i64: 2048>}, {transform_indices = @transform_2, window_bounds = array<i64: 2048, 128>}, {pipeline_mode = #tpu.pipeline_mode<synchronous>, transform_indices = @transform_3, window_bounds = array<i64: 128, 128>}, {transform_indices = @transform_4, window_bounds = array<i64: 2048, 128>}]} {
    %get3A = arith.constant 0 : index
    %get3A_0 = vector.load %arg1[%get3A] : memref<2048xf32, #tpu.memory_space<vmem>>, vector<2048xf32>
    %get3A_1 = arith.constant 0 : index
    %get3A_2 = vector.load %arg2[%get3A_1] : memref<2048xf32, #tpu.memory_space<vmem>>, vector<2048xf32>
    %add3A = arith.addf %get3A_0, %get3A_2 : vector<2048xf32>
    %add3A_3 = arith.constant 2.000000e+00 : f32
    %add3A_4 = vector.broadcast %add3A_3 : f32 to vector<2048xf32>
    %add3A_5 = arith.addf %add3A, %add3A_4 : vector<2048xf32>
    %rsqrt3A = math.rsqrt %add3A_5 : vector<2048xf32>
    %get3A_6 = arith.constant 0 : index
    %get3A_7 = arith.constant 0 : index
    %get3A_8 = vector.load %arg3[%get3A_6, %get3A_7] : memref<2048x128xf32, #tpu.memory_space<vmem>>, vector<2048x128xf32>
    %get3A_9 = arith.constant 0 : index
    %get3A_10 = arith.constant 0 : index
    %get3A_11 = vector.load %arg4[%get3A_9, %get3A_10] : memref<128x128xf32, #tpu.memory_space<vmem>>, vector<128x128xf32>
    %dot_general3A = arith.constant dense<0.000000e+00> : vector<2048x128xf32>
    %dot_general3A_12 = tpu.matmul %get3A_8, %get3A_11, %dot_general3A {dimension_numbers = #tpu.dot_dimension_numbers<[1], [0], [0], [1], [0, 0, 1, 1], [], []>, transpose_lhs_hint = false} : vector<2048x128xf32>, vector<128x128xf32>, vector<2048x128xf32> -> vector<2048x128xf32>
    %broadcast_in_dim3A = vector.shape_cast %rsqrt3A : vector<2048xf32> to vector<2048x1xf32>
    %mul3A = vector.broadcast %broadcast_in_dim3A : vector<2048x1xf32> to vector<2048x128xf32>
    %mul3A_13 = arith.mulf %mul3A, %dot_general3A_12 : vector<2048x128xf32>
    %swap3A = arith.constant 0 : index
    %swap3A_14 = arith.constant 0 : index
    %swap3A_15 = vector.load %arg5[%swap3A, %swap3A_14] : memref<2048x128xf32, #tpu.memory_space<vmem>>, vector<2048x128xf32>
    tpu.vector_store %arg5[%swap3A, %swap3A_14], %mul3A_13 {strides = array<i32>} : memref<2048x128xf32, #tpu.memory_space<vmem>>, vector<2048x128xf32>,
    return
  }
  func.func @transform_0(%arg0: i32) -> i32 {
    %c0_i32 = arith.constant 0 : i32
    return %arg0 : i32
  }
  func.func @transform_1(%arg0: i32) -> i32 {
    %add3A = arith.constant 5 : i32
    %add3A_0 = arith.addi %arg0, %add3A : i32
    %c0_i32 = arith.constant 0 : i32
    return %add3A_0 : i32
  }
  func.func @transform_2(%arg0: i32) -> (i32, i32) {
    %c0_i32 = arith.constant 0 : i32
    %c0_i32_0 = arith.constant 0 : i32
    return %arg0, %c0_i32 : i32, i32
  }
  func.func @transform_3(%arg0: i32) -> (i32, i32) {
    %c0_i32 = arith.constant 0 : i32
    %c0_i32_0 = arith.constant 0 : i32
    %c0_i32_1 = arith.constant 0 : i32
    return %c0_i32, %c0_i32_0 : i32, i32
  }
  func.func @transform_4(%arg0: i32) -> (i32, i32) {
    %c0_i32 = arith.constant 0 : i32
    %c0_i32_0 = arith.constant 0 : i32
    return %arg0, %c0_i32 : i32, i32
  }
}

module attributes {stable_mosaic.version = 14 : i64} {
  func.func @_final_kernel(%arg0: i32, %arg1: memref<2048xf32, #tpu.memory_space<vmem>>, %arg2: memref<2048xf32, #tpu.memory_space<vmem>>, %arg3: memref<2048x128xf32, #tpu.memory_space<vmem>>, %arg4: memref<2048x128xf32, #tpu.memory_space<vmem>>, %arg5: memref<2048x128xf32, #tpu.memory_space<vmem>>, %arg6: memref<2048x128xf32, #tpu.memory_space<vmem>>) attributes {dimension_semantics = [#tpu.dimension_semantics<arbitrary>], iteration_bounds = array<i64: 5>, scalar_prefetch = 0 : i64, scratch_operands = 0 : i64, tpu.core_type = #tpu.core_type<tc>, window_params = [{transform_indices = @transform_0, window_bounds = array<i64: 2048>}, {transform_indices = @transform_1, window_bounds = array<i64: 2048>}, {transform_indices = @transform_2, window_bounds = array<i64: 2048, 128>}, {transform_indices = @transform_3, window_bounds = array<i64: 2048, 128>}, {transform_indices = @transform_4, window_bounds = array<i64: 2048, 128>}, {transform_indices = @transform_5, window_bounds = array<i64: 2048, 128>}]} {
    %get3A = arith.constant 0 : index
    %get3A_0 = vector.load %arg1[%get3A] : memref<2048xf32, #tpu.memory_space<vmem>>, vector<2048xf32>
    %get3A_1 = arith.constant 0 : index
    %get3A_2 = vector.load %arg2[%get3A_1] : memref<2048xf32, #tpu.memory_space<vmem>>, vector<2048xf32>
    %add3A = arith.addf %get3A_0, %get3A_2 : vector<2048xf32>
    %add3A_3 = arith.constant 2.000000e+00 : f32
    %add3A_4 = vector.broadcast %add3A_3 : f32 to vector<2048xf32>
    %add3A_5 = arith.addf %add3A, %add3A_4 : vector<2048xf32>
    %rsqrt3A = math.rsqrt %add3A_5 : vector<2048xf32>
    %get3A_6 = arith.constant 0 : index
    %get3A_7 = arith.constant 0 : index
    %get3A_8 = vector.load %arg3[%get3A_6, %get3A_7] : memref<2048x128xf32, #tpu.memory_space<vmem>>, vector<2048x128xf32>
    %get3A_9 = arith.constant 0 : index
    %get3A_10 = arith.constant 0 : index
    %get3A_11 = vector.load %arg4[%get3A_9, %get3A_10] : memref<2048x128xf32, #tpu.memory_space<vmem>>, vector<2048x128xf32>
    %add3A_12 = arith.addf %get3A_8, %get3A_11 : vector<2048x128xf32>
    %get3A_13 = arith.constant 0 : index
    %get3A_14 = arith.constant 0 : index
    %get3A_15 = vector.load %arg5[%get3A_13, %get3A_14] : memref<2048x128xf32, #tpu.memory_space<vmem>>, vector<2048x128xf32>
    %mul3A = arith.constant 2.000000e+00 : f32
    %mul3A_16 = vector.broadcast %mul3A : f32 to vector<2048x128xf32>
    %mul3A_17 = arith.mulf %mul3A_16, %get3A_15 : vector<2048x128xf32>
    %add3A_18 = arith.addf %add3A_12, %mul3A_17 : vector<2048x128xf32>
    %broadcast_in_dim3A = vector.shape_cast %rsqrt3A : vector<2048xf32> to vector<2048x1xf32>
    %mul3A_19 = vector.broadcast %broadcast_in_dim3A : vector<2048x1xf32> to vector<2048x128xf32>
    %mul3A_20 = arith.mulf %mul3A_19, %add3A_18 : vector<2048x128xf32>
    %max3A = arith.constant 0.000000e+00 : f32
    %max3A_21 = vector.broadcast %max3A : f32 to vector<2048x128xf32>
    %max3A_22 = arith.maximumf %mul3A_20, %max3A_21 : vector<2048x128xf32>
    %swap3A = arith.constant 0 : index
    %swap3A_23 = arith.constant 0 : index
    %swap3A_24 = vector.load %arg6[%swap3A, %swap3A_23] : memref<2048x128xf32, #tpu.memory_space<vmem>>, vector<2048x128xf32>
    tpu.vector_store %arg6[%swap3A, %swap3A_23], %max3A_22 {strides = array<i32>} : memref<2048x128xf32, #tpu.memory_space<vmem>>, vector<2048x128xf32>,
    return
  }
  func.func @transform_0(%arg0: i32) -> i32 {
    %c0_i32 = arith.constant 0 : i32
    return %arg0 : i32
  }
  func.func @transform_1(%arg0: i32) -> i32 {
    %add3A = arith.constant 5 : i32
    %add3A_0 = arith.addi %arg0, %add3A : i32
    %c0_i32 = arith.constant 0 : i32
    return %add3A_0 : i32
  }
  func.func @transform_2(%arg0: i32) -> (i32, i32) {
    %c0_i32 = arith.constant 0 : i32
    %c0_i32_0 = arith.constant 0 : i32
    return %arg0, %c0_i32 : i32, i32
  }
  func.func @transform_3(%arg0: i32) -> (i32, i32) {
    %add3A = arith.constant 5 : i32
    %add3A_0 = arith.addi %arg0, %add3A : i32
    %c0_i32 = arith.constant 0 : i32
    %c0_i32_1 = arith.constant 0 : i32
    return %add3A_0, %c0_i32 : i32, i32
  }
  func.func @transform_4(%arg0: i32) -> (i32, i32) {
    %c0_i32 = arith.constant 0 : i32
    %c0_i32_0 = arith.constant 0 : i32
    return %arg0, %c0_i32 : i32, i32
  }
  func.func @transform_5(%arg0: i32) -> (i32, i32) {
    %c0_i32 = arith.constant 0 : i32
    %c0_i32_0 = arith.constant 0 : i32
    return %arg0, %c0_i32 : i32, i32
  }
}

</mosaic_0001>

<sc_bundles>
// kernel: kernel.6.cloned.1.call-start
scs
__scs_entry_jumppad:
0x0: {  	(pc) =	sbr.rel $0x88, $3  }
0x1: {  	(tag) =	ssettag $0x0;
	lr =	simm.s32 $0x1  }
0x2: {  	[smem:$0x3F9E] =	sst lr;
	_ =	strace $0xD0000000  }
0x3: {  	_ = 	snop  }
0x4: {  	_ = 	snop  }
0x5: {  	_ = 	snop  }
0x6: {  	_ = 	snop  }
0x7: {  	_ = 	snop  }
__scs_overlays_trampoline_lowered:
0x8: {  	[smem:$0x3FAD] =	sst s0  }
0x9: {  	[smem:$0x3FAE] =	sst s1  }
0xa: {  	[smem:$0x3FAF] =	sst s2  }
0xb: {  	[smem:$0x3FB0] =	sst s3  }
0xc: {  	[smem:$0x3FB1] =	sst s4  }
0xd: {  	[smem:$0x3FB2] =	sst s5  }
0xe: {  	[smem:$0x3FB3] =	sst s6  }
0xf: {  	[smem:$0x3FB4] =	sst s7  }
0x10: {  	[smem:$0x3FB5] =	sst s8  }
0x11: {  	[smem:$0x3FB6] =	sst s9;
	s0 =	simm.s32 @!p0 $0x0  }
0x12: {  	s1 =	sld [smem:$0x3F9C];
	s0 =	simm.s32 @p0 $0x1  }
0x13: {  	[smem:$0x3FB7] =	sst s0;
	s0 =	simm.s32 @!p1 $0x0  }
0x14: {  	s2 =	sld [smem:$0x3F9B];
	s0 =	simm.s32 @p1 $0x1  }
0x15: {  	[smem:$0x3FB8] =	sst s0;
	s0 =	simm.s32 @!p2 $0x0  }
0x16: {  	s3 =	sld [smem:$0x3FDB];
	s0 =	simm.s32 @p2 $0x1  }
0x17: {  	s4 =	simm.s32 $0x1BF5;
	[smem:$0x3FBA] =	sst s0  }
0x18: {  	s0 =	sld [smem:$0x3F9D];
	_ =	swait.ge [sflag:s4], $0x0  }
0x19: {  	s7 =	sld [smem:$0x3F9E]  }
0x1a: {  	s8 =	sadd.s32 $0xFFFFE003, lr  }
0x1b: {  	s9 =	sadd.s32 $0xFFFFFEF7, lr;
	s5 =	simm.s32 $0xFFFFFFFF;
	p2 =	slt.u32 s8, $0xFFFFF086  }
0x1c: {  	p1 =	slt.u32 s9, $0xF7A;
	s5 =	simm.s32 @!p2 $0x0  }
0x1d: {  	s5 =	simm.s32 @p1 $0x1;
	p0 =	seq.s32 s7, s2  }
0x1e: {  	s7 =	smul.u32 @!p0 $0xF7A, s2;
	p2 =	seq.s32 @!p0 s5, $0x0  }
0x1f: {  	s9 =	smul.u32 $0xF7A, s1;
	s8 =	simm.s32 @!p0 $0x1BF5;
	p2 =	por !p2, p0  }
0x20: {  	[sflag:s8] =	ssyncset.s32 @!p0 $0xFFFFF086;
	s6 =	sadd.s32 @!p0 s3, s7;
	s7 =	simm.s32 @!p0 $0x108  }
0x21: {  	s3 =	sadd.s32 s3, s9;
	s6 =	sadd.s32 @!p0 $0x88, s6;
	s7 =	simm.s32 @p2 $0x1082  }
0x22: {  	[simem:s7], [sflag:s8] =	dma.local @!p0 [hbm:s6], $0xF7A  }
0x23: {  	s9 =	sor.u32 $0xD0000000, s2;
	s6 =	simm.s32 $0x108;
	_ =	swait.ge @!p0 [sflag:s8], $0x0  }
0x24: {  	s3 =	sadd.s32 $0x88, s3;
	s6 =	simm.s32 @!p1 $0x1082;
	[sflag:s4] =	ssyncset.s32 $0xFFFFF086  }
0x25: {  	[simem:s6], [sflag:s4] =	dma.local [hbm:s3], $0xF7A  }
0x26: {  	[smem:$0x3F9E] =	sst s1;
	(tag) =	ssettag s2;
	_ =	strace s9  }
0x27: {  	s1 =	sld [smem:$0x3FAE]  }
0x28: {  	s2 =	sld [smem:$0x3FAF]  }
0x29: {  	s4 =	sld [smem:$0x3FB1]  }
0x2a: {  	p0 =	seq.s32 s5, $0x0;
	s5 =	sld [smem:$0x3FB2]  }
0x2b: {  	s6 =	sld [smem:$0x3FB3]  }
0x2c: {  	s7 =	sld [smem:$0x3FB4]  }
0x2d: {  	s3 =	simm.s32 $0x108;
	s8 =	sld [smem:$0x3FB5]  }
0x2e: {  	s3 =	simm.s32 @!p0 $0x1082;
	s9 =	sld [smem:$0x3FB6]  }
0x2f: {  	lr =	sadd.s32 s0, s3;
	s0 =	sld [smem:$0x3FAD]  }
0x30: {  	s3 =	sld [smem:$0x3FB0]  }
0x31: {  	[smem:$0x3FB9] =	sst s10  }
0x32: {  	s10 =	sld [smem:$0x3FB7];
	_ =	sdelay $0x3  }
0x33: {  	p0 =	seq.s32 s10, $0x1;
	s10 =	sld [smem:$0x3FB9];
	_ =	sdelay $0x3  }
0x34: {  	[smem:$0x3FB9] =	sst s10  }
0x35: {  	s10 =	sld [smem:$0x3FB8];
	_ =	sdelay $0x3  }
0x36: {  	p1 =	seq.s32 s10, $0x1;
	s10 =	sld [smem:$0x3FB9];
	_ =	sdelay $0x3  }
0x37: {  	[smem:$0x3FB9] =	sst s10  }
0x38: {  	s10 =	sld [smem:$0x3FBA]  }
0x39: {  	_ = 	snop;
	(pc) =	sbr.ind lr, $3  }
0x3a: {  	_ = 	snop  }
0x3b: {  	_ = 	snop  }
0x3c: {  	p2 =	seq.s32 s10, $0x1;
	s10 =	sld [smem:$0x3FB9]  }
0x3d: {  	_ =	shalt  }
0x3e: {  	_ =	shalt  }
0x3f: {  	_ =	shalt  }
0x40: {  	_ =	shalt  }
0x41: {  	_ =	shalt  }
0x42: {  	_ =	shalt  }
0x43: {  	_ =	shalt  }
0x44: {  	_ =	shalt  }
0x45: {  	_ =	shalt  }
0x46: {  	_ =	shalt  }
0x47: {  	_ =	shalt  }
0x48: {  	_ =	shalt  }
0x49: {  	_ =	shalt  }
0x4a: {  	_ =	shalt  }
0x4b: {  	_ =	shalt  }
0x4c: {  	_ =	shalt  }
0x4d: {  	_ =	shalt  }
0x4e: {  	_ =	shalt  }
0x4f: {  	_ =	shalt  }
0x50: {  	_ =	shalt  }
0x51: {  	_ =	shalt  }
0x52: {  	_ =	shalt  }
0x53: {  	_ =	shalt  }
0x54: {  	_ =	shalt  }
0x55: {  	_ =	shalt  }
0x56: {  	_ =	shalt  }
0x57: {  	_ =	shalt  }
0x58: {  	_ =	shalt  }
0x59: {  	_ =	shalt  }
0x5a: {  	_ =	shalt  }
0x5b: {  	_ =	shalt  }
0x5c: {  	_ =	shalt  }
0x5d: {  	_ =	shalt  }
0x5e: {  	_ =	shalt  }
0x5f: {  	_ =	shalt  }
0x60: {  	_ =	shalt  }
0x61: {  	_ =	shalt  }
0x62: {  	_ =	shalt  }
0x63: {  	_ =	shalt  }
0x64: {  	_ =	shalt  }
0x65: {  	_ =	shalt  }
0x66: {  	_ =	shalt  }
0x67: {  	_ =	shalt  }
0x68: {  	_ =	shalt  }
0x69: {  	_ =	shalt  }
0x6a: {  	_ =	shalt  }
0x6b: {  	_ =	shalt  }
0x6c: {  	_ =	shalt  }
0x6d: {  	_ =	shalt  }
0x6e: {  	_ =	shalt  }
0x6f: {  	_ =	shalt  }
0x70: {  	_ =	shalt  }
0x71: {  	_ =	shalt  }
0x72: {  	_ =	shalt  }
0x73: {  	_ =	shalt  }
0x74: {  	_ =	shalt  }
0x75: {  	_ =	shalt  }
0x76: {  	_ =	shalt  }
0x77: {  	_ =	shalt  }
0x78: {  	_ =	shalt  }
0x79: {  	_ =	shalt  }
0x7a: {  	_ =	shalt  }
0x7b: {  	_ =	shalt  }
0x7c: {  	_ =	shalt  }
0x7d: {  	_ =	shalt  }
0x7e: {  	_ =	shalt  }
0x7f: {  	_ =	shalt  }
0x80: {  	_ =	shalt  }
0x81: {  	_ =	shalt  }
0x82: {  	_ =	shalt  }
0x83: {  	_ =	shalt  }
0x84: {  	_ =	shalt  }
0x85: {  	_ =	shalt  }
0x86: {  	_ =	shalt  }
0x87: {  	_ =	shalt  }
.Lfunc_end0:
.L_simem_size_0:
called_computation_lowered:
.L_overlay_start_0:
0x88: {  	s2 =	sld [smem:$0x3FD9]  }
0x89: {  	s3 =	sld [smem:$0x3FFE];
	_ =	sdelay $0x1  }
0x8a: {  	s1 =	srdreg.scid  }
0x8b: {  	s0 =	sand.u32 $0x1, s1  }
0x8c: {  	s17 =	sshll.u32 s0, $0xA;
	s2 =	sadd.s32 s3, s2  }
0x8d: {  	s2 =	sadd.s32 s2, s17  }
0x8e: {  	[smem:$0x3FC5] =	sst s2  }
0x8f: {  	_ = 	snop  }
0x90: {  	s2 =	sld [smem:$0x3FC8]  }
0x91: {  	s18 =	sld [smem:$0x3FD0];
	(tm) =	ssettm $0x1  }
0x92: {  	s4 =	sld [smem:$0x3FFB];
	_ =	sdelay $0x3  }
0x93: {  	_ =	strace s4  }
0x94: {  	s4 =	sld [smem:$0x3FFC];
	_ =	sdelay $0x3  }
0x95: {  	_ =	strace s4  }
0x96: {  	s4 =	sld [smem:$0x3FFD];
	_ =	sdelay $0x3  }
0x97: {  	_ =	strace s4  }
0x98: {  	_ =	strace $0x8FFFFFFF  }
0x99: {  	s19 =	sld [smem:$0x3FDB];
	_ =	sdelay $0x1  }
0x9a: {  	s5 =	simm.s32 $_scs_section_size  }
0x9b: {  	s6 =	simm.s32 $_size__tile_overlayer_lowered;
	s7 =	simm.s32 $_tile_overlayer_lowered  }
0x9c: {  	s22 =	simm.s32 $0x1BFF;
	s21 =	sshll.u32 s7, $0x1;
	s4 =	sadd.s32 s5, s19  }
0x9d: {  	s8 =	simm.s32 $0x0;
	s20 =	sshll.u32 s6, $0x1;
	s6 =	sadd.s32 s21, s4  }
0x9e: {  	[timem:s8], [sflag:s22] =	dma.local [hbm:s6], s20  }
0x9f: {  	_ =	swait.ge [sflag:s22], s20  }
0xa0: {  	s5 =	ssub.s32 $0x0, s20;
	[sflag:s22] =	ssyncset.done $0x0  }
0xa1: {  	[sflag:s22] =	ssyncadd.s32 s5;
	_ =	sdelay $0x1  }
0xa2: {  	s23 =	simm.s32 $0x1B8B  }
0xa3: {  	_ =	swait.ge [sflag:s23], $0x1  }
0xa4: {  	[sflag:s23] =	ssyncset.done $0x0  }
0xa5: {  	s25 =	simm.s32 $0x1B8E;
	s24 =	sld [smem:$0x3FFE];
	[sflag:s23] =	ssyncadd.s32 $0xFFFFFFFF  }
0xa6: {  	s26 =	simm.s32 $execute0_lowered;
	[smem:$0x3FD2] =	sst s25  }
0xa7: {  	s6 =	sshll.u32 s26, $0x1;
	_ =	strace $0x80000046;
	[dreg:$0x1] =	wrdreg $0xFFFFFFFF  }
0xa8: {  	s28 =	simm.s32 $_size_execute0_lowered;
	s4 =	sadd.s32 s4, s6;
	[dreg:$0x0] =	wrdreg $0x0  }
0xa9: {  	s6 =	sshll.u32 s28, $0x1;
	[dreg:$0x2] =	wrdreg s4  }
0xaa: {  	[dreg:$0x3] =	wrdreg s6  }
0xab: {  	[dreg:$0x4] =	wrdreg $0xC0  }
0xac: {  	_ =	task [dreg:s8], $0x5FFFF  }
0xad: {  	[dreg:$0x1] =	wrdreg $0xFFFFFFFF  }
0xae: {  	[dreg:$0x0] =	wrdreg $0x60  }
0xaf: {  	[dreg:$0x2] =	wrdreg s2  }
0xb0: {  	[dreg:$0x3] =	wrdreg s24  }
0xb1: {  	[dreg:$0x4] =	wrdreg s18  }
0xb2: {  	[dreg:$0x5] =	wrdreg $0x7000  }
0xb3: {  	[dreg:$0x6] =	wrdreg $0x9  }
0xb4: {  	_ =	task.clear_ibuf [dreg:s8], $0x7FFFF;
	_ =	strace $0x90000046  }
0xb5: {  	s29 =	simm.s32 $0x9;
	_ =	strace $0x80000048  }
0xb6: {  	_ =	swait.ge [sflag:s29], $0x1  }
0xb7: {  	[sflag:s29] =	ssyncadd.s32 $0xFFFFFFFF  }
0xb8: {  	_ =	strace $0x90000048  }
0xb9: {  	_ =	sfence  }
0xba: {  	s30 =	sld [smem:$0x0];
	_ =	sdelay $0x2  }
0xbb: {  	s31 =	sshll.u32 s1, $0xD;
	s1 =	sshrl.u32 s1, $0x2  }
0xbc: {  	s3 =	sand.u32 $0x4000, s31;
	s1 =	sadd.s32 s1, s30  }
0xbd: {  	s0 =	sor.u32 s3, s0;
	s1 =	sshll.u32 s1, $0x11  }
0xbe: {  	s0 =	sor.u32 s1, s0  }
0xbf: {  	s0 =	sadd.s32 $0x8F2B, s0  }
0xc0: {  	[sflag:s0] =	ssyncadd.remote.s32 $0x1  }
0xc1: {  	_ =	sfence.sel $0xFFFF  }
0xc2: {  	[dreg:$0x0] =	wrdreg $0xFFFFFFFF;
	(pc) =	sbr.abs _section_cstart, $3  }
0xc3: {  	[dreg:$0x1] =	wrdreg $0xFFFFFFFF  }
0xc4: {  	_ =	task.clear_ibuf [dreg:s8], $0x2FFFF;
	_ =	strace $0x9FFFFFFF  }
0xc5: {  	(tm) =	ssettm $0x7FFFFFFF  }
tec
execute0_lowered:
.L_overlay_start_1:
0x0: {  	(tag) =	ssettag $0x1  }
0x1: {  	s11 =	rddreg [dreg:$0x0]  }
0x2: {  	s5 =	rddreg [dreg:$0x1]  }
0x3: {  	s9 =	rddreg [dreg:$0x2]  }
0x4: {  	s1 =	rddreg [dreg:$0x3]  }
0x5: {  	s0 =	rddreg [dreg:$0x4];
	s3 =	simm.s32 $0x0;
	s6 =	srdreg.scid  }
0x6: {  	s2 =	stileid.u32;
	s16 =	simm.s32 $0x100;
	s17 =	simm.s32 $0x80  }
0x7: {  	s18 =	simm.s32 $0x6;
	s19 =	simm.s32 $0x0;
	[smem:$0x7FF] =	sst s3  }
0x8: {  	s4 =	sadd.s32 $0x1C00, s5;
	s12 =	sand.u32 $0x1, s6;
	s29 =	smul.u32 $0x280, s2  }
0x9: {  	s8 =	sshll.u32 s2, $0x1;
	s5 =	sadd.s32 $0x1E00, s5;
	s15 =	sshll.u32 s2, $0x6  }
0xa: {  	_ =	strace $0x80000047;
	s7 =	ssub.s32 $0x2, s12;
	s10 =	smul.u32 $0x2800, s12  }
0xb: {  	s14 =	sor.u32 s12, s8;
	s12 =	sshll.u32 s12, $0x5;
	s13 =	sshrl.u32 s7, $0x1  }
0xc: {  	s30 =	sshll.u32 s14, $0x5;
	s6 =	sadd.s32 s29, s1;
	s13 =	ssub.s32 s7, s13  }
0xd: {  	s31 =	sadd.s32 s29, s10;
	s7 =	sadd.s32 s11, s30;
	s11 =	sadd.s32 s15, s11  }
0xe: {  	s15 =	simm.s32 $0x480;
	s10 =	sshrl.u32 s31, $0x3;
	s8 =	sadd.s32 $0x400, s7  }
0xf: {  	s11 =	sadd.s32 s12, s11;
	s12 =	sor.u32 $0x60, s14;
	s14 =	simm.s32 $0x5  }
0x10: {  	s9 =	sadd.s32 s9, s10;
	s10 =	smax.u32 s13, $0x1;
	s13 =	simm.s32 $0x400  }
.LBB2_1:
0x11: {  	[tilespmem:s13], [sflag:$0x5] =	stream.linear.gather [hbm4b:s4+s3], $0x80, $0x38;
	[tilespmem:$0x980] =	vst v63  }
0x12: {  	_ =	swait.ge [sflag:s14], $0x80  }
0x13: {  	[sflag:s14] =	ssyncset.done $0x0  }
0x14: {  	[sflag:s14] =	ssyncadd.s32 $0xFFFFFF80  }
0x15: {  	[tilespmem:s15], [sflag:$0x5] =	stream.linear.gather [hbm4b:s5+s3], $0x280, $0x38;
	[tilespmem:$0x980] =	vst v63  }
0x16: {  	_ =	swait.ge [sflag:s14], $0x280  }
0x17: {  	[sflag:s14] =	ssyncset.done $0x0  }
0x18: {  	[sflag:s14] =	ssyncadd.s32 $0xFFFFFD80  }
0x19: {  	[spmem:s6] =	stream.linear.scatter [tilespmem:s15], [sflag:$0x5], $0x280, $0x38;
	[tilespmem:$0x980] =	vst v63  }
0x1a: {  	_ =	swait.ge [sflag:s14], $0x280  }
0x1b: {  	[sflag:s14] =	ssyncset.done $0x0  }
0x1c: {  	[sflag:s14] =	ssyncadd.s32 $0xFFFFFD80  }
0x1d: {  	[bflag:$0x0] =	sbarrier.arrive $0xFFFF  }
0x1e: {  	[tilespmem:s3], [sflag:$0x5] =	stream.linear.gather [hbm4b:s7+s3], $0x100, $0x38;
	[tilespmem:$0x980] =	vst v63  }
0x1f: {  	_ =	swait.ge [sflag:s14], $0x100  }
0x20: {  	[sflag:s14] =	ssyncset.done $0x0  }
0x21: {  	s20 =	sadd.s32 $0xFFFFFFE0, s12;
	p2 =	por $0x1, $0x1;
	[sflag:s14] =	ssyncadd.s32 $0xFFFFFF00  }
0x22: {  	[tilespmem:s16], [sflag:$0x5] =	stream.linear.gather [hbm4b:s8+s3], $0x100, $0x38;
	[tilespmem:$0x980] =	vst v63  }
0x23: {  	p1 =	sgt.u32 s20, $0x9C3;
	s23 =	simm.s32 @!p2 $0x1;
	_ =	swait.ge [sflag:s14], $0x100  }
0x24: {  	s20 =	sadd.s32 @!p1 $0x0, s11;
	s21 =	simm.s32 @!p1 $0x200;
	[sflag:s14] =	ssyncset.done $0x0  }
0x25: {  	s22 =	simm.s32 @!p1 $0x0;
	s20 =	sadd.s32 @!p1 $0x800, s20;
	[sflag:s14] =	ssyncadd.s32 $0xFFFFFF00  }
0x26: {  	[tilespmem:s21], [sflag:$0x3] =	stream.linear.gather @!p1 [hbm4b:s20+s22], $0x100, $0x38;
	[tilespmem:$0x980] =	vst v63  }
0x27: {  	_ =	swait.ge @!p2 [sflag:s23], $0x100  }
0x28: {  	[sflag:s23] =	ssyncset.done @!p2 $0x0  }
0x29: {  	[sflag:s23] =	ssyncadd.s32 @!p2 $0xFFFFFF00  }
0x2a: {  	[spmem:s1] =	stream.indirect.scatter.add.f32 [tilespmem:s13], [sflag:$0x6], $0x1, s3, s17, $0xb8;
	[tilespmem:$0x980] =	vst v63  }
0x2b: {  	p0 =	sgt.u32 s12, $0x9C3;
	s24 =	simm.s32 @!p2 $0x2;
	_ =	swait.ge [sflag:s18], $0x80  }
0x2c: {  	s20 =	sadd.s32 @!p0 $0x0, s11;
	s22 =	simm.s32 @!p0 $0x0;
	[sflag:s18] =	ssyncset.done $0x0  }
0x2d: {  	s20 =	sadd.s32 @!p0 $0xC00, s20;
	s23 =	simm.s32 @!p0 $0x300;
	[sflag:s18] =	ssyncadd.s32 $0xFFFFFF80  }
0x2e: {  	[tilespmem:s23], [sflag:$0x4] =	stream.linear.gather @!p0 [hbm4b:s20+s22], $0x100, $0x38;
	[tilespmem:$0x980] =	vst v63  }
0x2f: {  	_ =	swait.ge @!p2 [sflag:s24], $0x100  }
0x30: {  	[sflag:s24] =	ssyncset.done @!p2 $0x0  }
0x31: {  	s30 =	sadd.s32 $0x20, s12;
	s28 =	sadd.s32 $0x40, s12;
	[sflag:s24] =	ssyncadd.s32 @!p2 $0xFFFFFF00  }
0x32: {  	[spmem:s1] =	stream.indirect.scatter.add.f32 [tilespmem:s13], [sflag:$0x6], $0x1, s16, s17, $0xb8;
	[tilespmem:$0x980] =	vst v63  }
0x33: {  	p3 =	por $0x0, $0x0;
	p2 =	sgt.u32 s30, $0x9C3;
	_ =	swait.ge [sflag:s18], $0x80  }
0x34: {  	s22 =	simm.s32 @!p1 $0x3;
	s20 =	sadd.s32 @!p2 $0x0, s11;
	[sflag:s18] =	ssyncset.done $0x0  }
0x35: {  	s24 =	simm.s32 @!p2 $0x0;
	s20 =	sadd.s32 @!p2 $0x1000, s20;
	[sflag:s18] =	ssyncadd.s32 $0xFFFFFF80  }
0x36: {  	[tilespmem:s24], [sflag:$0x1] =	stream.linear.gather @!p2 [hbm4b:s20+s24], $0x100, $0x38;
	[tilespmem:$0x980] =	vst v63  }
0x37: {  	s29 =	simm.s32 @!p0 $0x4;
	s25 =	simm.s32 @!p1 $0x400;
	_ =	swait.ge @!p1 [sflag:s22], $0x100  }
0x38: {  	s26 =	simm.s32 @!p1 $0x6;
	s20 =	simm.s32 $0x1000;
	[sflag:s22] =	ssyncset.done @!p1 $0x0  }
0x39: {  	s24 =	simm.s32 @!p1 $0x80;
	p2 =	sgt.u32 s28, $0x9C3;
	[sflag:s22] =	ssyncadd.s32 @!p1 $0xFFFFFF00  }
0x3a: {  	[spmem:s1] =	stream.indirect.scatter.add.f32 @!p1 [tilespmem:s25], [sflag:$0x6], $0x1, s21, s24, $0xb8;
	[tilespmem:$0x980] =	vst v63  }
0x3b: {  	s28 =	simm.s32 @!p2 $0x100;
	s22 =	simm.s32 $0x2000;
	_ =	swait.ge @!p1 [sflag:s26], $0x80  }
0x3c: {  	s21 =	sadd.s32 @!p2 $0x0, s11;
	s25 =	simm.s32 @!p2 $0x0;
	[sflag:s26] =	ssyncset.done @!p1 $0x0  }
0x3d: {  	[sflag:s26] =	ssyncadd.s32 @!p1 $0xFFFFFF80;
	s26 =	sadd.s32 @!p2 $0x1400, s21;
	s21 =	sadd.s32 $0x80, s12  }
0x3e: {  	[tilespmem:s28], [sflag:$0x2] =	stream.linear.gather @!p2 [hbm4b:s26+s25], $0x100, $0x38;
	[tilespmem:$0x980] =	vst v63  }
0x3f: {  	s24 =	simm.s32 @!p0 $0x400;
	s31 =	sadd.s32 $0xFFFFFFE0, s21;
	_ =	swait.ge @!p0 [sflag:s29], $0x100  }
0x40: {  	s25 =	simm.s32 @!p0 $0x80;
	p1 =	sgt.u32 s31, $0x9C3;
	[sflag:s29] =	ssyncset.done @!p0 $0x0  }
0x41: {  	s26 =	simm.s32 @!p0 $0x5;
	s28 =	sadd.s32 @!p1 $0x1000, s11;
	[sflag:s29] =	ssyncadd.s32 @!p0 $0xFFFFFF00  }
.LBB2_2:
0x42: {  	[spmem:s1] =	stream.indirect.scatter.add.f32 @!p0 [tilespmem:s24], [sflag:$0x5], $0x1, s23, s25, $0xb8;
	[tilespmem:$0x980] =	vst v63  }
0x43: {  	s24 =	smov.u32 s20;
	s20 =	smov.u32 s22  }
0x44: {  	s23 =	sadd.s32 @!p1 $0x800, s28;
	s25 =	simm.s32 @!p1 $0x200;
	_ =	swait.ge @!p0 [sflag:s26], $0x80  }
0x45: {  	s28 =	simm.s32 @!p1 $0x0;
	s29 =	simm.s32 @!p3 $0x1;
	[sflag:s26] =	ssyncset.done @!p0 $0x0  }
0x46: {  	s22 =	sadd.s32 $0x1000, s22;
	[sflag:s26] =	ssyncadd.s32 @!p0 $0xFFFFFF80  }
0x47: {  	[tilespmem:s25], [sflag:$0x3] =	stream.linear.gather @!p1 [hbm4b:s23+s28], $0x100, $0x38;
	[tilespmem:$0x980] =	vst v63  }
0x48: {  	p2 =	sne.s32 s22, $0x14000;
	_ =	swait.ge @!p3 [sflag:s29], $0x100  }
0x49: {  	[sflag:s29] =	ssyncset.done @!p3 $0x0  }
0x4a: {  	p0 =	sgt.u32 s21, $0x9C3;
	[sflag:s29] =	ssyncadd.s32 @!p3 $0xFFFFFF00  }
0x4b: {  	[spmem:s1] =	stream.indirect.scatter.add.f32 [tilespmem:s13], [sflag:$0x6], $0x1, s3, s17, $0xb8;
	[tilespmem:$0x980] =	vst v63  }
0x4c: {  	s23 =	sadd.s32 @!p0 s24, s11;
	s26 =	simm.s32 @!p0 $0x0;
	_ =	swait.ge [sflag:s18], $0x80  }
0x4d: {  	s28 =	sadd.s32 @!p0 $0xC00, s23;
	s29 =	simm.s32 @!p3 $0x2;
	[sflag:s18] =	ssyncset.done $0x0  }
0x4e: {  	s23 =	simm.s32 @!p0 $0x300;
	[sflag:s18] =	ssyncadd.s32 $0xFFFFFF80  }
0x4f: {  	[tilespmem:s23], [sflag:$0x4] =	stream.linear.gather @!p0 [hbm4b:s28+s26], $0x100, $0x38;
	[tilespmem:$0x980] =	vst v63  }
0x50: {  	_ =	swait.ge @!p3 [sflag:s29], $0x100  }
0x51: {  	[sflag:s29] =	ssyncset.done @!p3 $0x0  }
0x52: {  	s26 =	sadd.s32 $0x20, s21;
	[sflag:s29] =	ssyncadd.s32 @!p3 $0xFFFFFF00  }
0x53: {  	[spmem:s1] =	stream.indirect.scatter.add.f32 [tilespmem:s13], [sflag:$0x6], $0x1, s16, s17, $0xb8;
	[tilespmem:$0x980] =	vst v63  }
0x54: {  	p3 =	sgt.u32 s26, $0x9C3;
	_ =	swait.ge [sflag:s18], $0x80  }
0x55: {  	s28 =	simm.s32 @!p1 $0x3;
	s26 =	sadd.s32 @!p3 s24, s11;
	[sflag:s18] =	ssyncset.done $0x0  }
0x56: {  	s29 =	simm.s32 @!p3 $0x0;
	s26 =	sadd.s32 @!p3 $0x1000, s26;
	[sflag:s18] =	ssyncadd.s32 $0xFFFFFF80  }
0x57: {  	[tilespmem:s29], [sflag:$0x1] =	stream.linear.gather @!p3 [hbm4b:s26+s29], $0x100, $0x38;
	[tilespmem:$0x980] =	vst v63  }
0x58: {  	s26 =	simm.s32 @!p1 $0x80;
	s29 =	simm.s32 @!p1 $0x400;
	_ =	swait.ge @!p1 [sflag:s28], $0x100  }
0x59: {  	[sflag:s28] =	ssyncset.done @!p1 $0x0  }
0x5a: {  	s30 =	sadd.s32 $0x40, s21;
	[sflag:s28] =	ssyncadd.s32 @!p1 $0xFFFFFF00;
	s28 =	simm.s32 @!p1 $0x6  }
0x5b: {  	[spmem:s1] =	stream.indirect.scatter.add.f32 @!p1 [tilespmem:s29], [sflag:$0x6], $0x1, s25, s26, $0xb8;
	[tilespmem:$0x980] =	vst v63  }
0x5c: {  	s21 =	sadd.s32 $0x80, s21;
	p3 =	sgt.u32 s30, $0x9C3;
	_ =	swait.ge @!p1 [sflag:s28], $0x80  }
0x5d: {  	s24 =	sadd.s32 @!p3 s24, s11;
	s25 =	simm.s32 @!p3 $0x0;
	[sflag:s28] =	ssyncset.done @!p1 $0x0  }
0x5e: {  	s26 =	sadd.s32 @!p3 $0x1400, s24;
	s29 =	simm.s32 @!p0 $0x4;
	[sflag:s28] =	ssyncadd.s32 @!p1 $0xFFFFFF80  }
.Ltmp0:
0x5f: {  	s24 =	simm.s32 @!p0 $0x400;
	s28 =	simm.s32 @!p3 $0x100;
	(pc) =	sbr.rel @p2 .LBB2_2-.Ltmp0, $4  }
0x60: {  	[tilespmem:s28], [sflag:$0x2] =	stream.linear.gather @!p3 [hbm4b:s26+s25], $0x100, $0x38;
	[tilespmem:$0x980] =	vst v63  }
0x61: {  	s26 =	sadd.s32 $0xFFFFFFE0, s21;
	s25 =	simm.s32 @!p0 $0x80;
	_ =	swait.ge @!p0 [sflag:s29], $0x100  }
0x62: {  	p1 =	sgt.u32 s26, $0x9C3;
	s26 =	simm.s32 @!p0 $0x5;
	[sflag:s29] =	ssyncset.done @!p0 $0x0  }
0x63: {  	p3 =	seq.s32 s20, $0x0;
	s28 =	sadd.s32 @!p1 s20, s11;
	[sflag:s29] =	ssyncadd.s32 @!p0 $0xFFFFFF00  }
0x64: {  	[spmem:s1] =	stream.indirect.scatter.add.f32 @!p0 [tilespmem:s24], [sflag:$0x5], $0x1, s23, s25, $0xb8;
	[tilespmem:$0x980] =	vst v63  }
0x65: {  	_ =	swait.ge @!p0 [sflag:s26], $0x80  }
0x66: {  	s22 =	sadd.s32 @!p1 $0x800, s28;
	s23 =	simm.s32 @!p1 $0x200;
	[sflag:s26] =	ssyncset.done @!p0 $0x0  }
0x67: {  	s24 =	simm.s32 @!p1 $0x0;
	s25 =	simm.s32 @!p3 $0x1;
	[sflag:s26] =	ssyncadd.s32 @!p0 $0xFFFFFF80  }
0x68: {  	[tilespmem:s23], [sflag:$0x3] =	stream.linear.gather @!p1 [hbm4b:s22+s24], $0x100, $0x38;
	[tilespmem:$0x980] =	vst v63  }
0x69: {  	_ =	swait.ge @!p3 [sflag:s25], $0x100  }
0x6a: {  	[sflag:s25] =	ssyncset.done @!p3 $0x0  }
0x6b: {  	p0 =	sgt.u32 s21, $0x9C3;
	[sflag:s25] =	ssyncadd.s32 @!p3 $0xFFFFFF00  }
0x6c: {  	[spmem:s1] =	stream.indirect.scatter.add.f32 [tilespmem:s13], [sflag:$0x6], $0x1, s3, s17, $0xb8;
	[tilespmem:$0x980] =	vst v63  }
0x6d: {  	s22 =	sadd.s32 @!p0 s20, s11;
	_ =	swait.ge [sflag:s18], $0x80  }
0x6e: {  	s24 =	simm.s32 @!p0 $0x0;
	s26 =	simm.s32 @!p0 $0x300;
	[sflag:s18] =	ssyncset.done $0x0  }
0x6f: {  	s22 =	sadd.s32 @!p0 $0xC00, s22;
	s25 =	simm.s32 @!p3 $0x2;
	[sflag:s18] =	ssyncadd.s32 $0xFFFFFF80  }
0x70: {  	[tilespmem:s26], [sflag:$0x4] =	stream.linear.gather @!p0 [hbm4b:s22+s24], $0x100, $0x38;
	[tilespmem:$0x980] =	vst v63  }
0x71: {  	_ =	swait.ge @!p3 [sflag:s25], $0x100  }
0x72: {  	[sflag:s25] =	ssyncset.done @!p3 $0x0  }
0x73: {  	s30 =	sadd.s32 $0x20, s21;
	[sflag:s25] =	ssyncadd.s32 @!p3 $0xFFFFFF00  }
0x74: {  	[spmem:s1] =	stream.indirect.scatter.add.f32 [tilespmem:s13], [sflag:$0x6], $0x1, s16, s17, $0xb8;
	[tilespmem:$0x980] =	vst v63  }
0x75: {  	p2 =	sgt.u32 s30, $0x9C3;
	_ =	swait.ge [sflag:s18], $0x80  }
0x76: {  	s22 =	sadd.s32 @!p2 s20, s11;
	s24 =	simm.s32 @!p1 $0x3;
	[sflag:s18] =	ssyncset.done $0x0  }
0x77: {  	s22 =	sadd.s32 @!p2 $0x1000, s22;
	s25 =	simm.s32 @!p2 $0x0;
	[sflag:s18] =	ssyncadd.s32 $0xFFFFFF80  }
0x78: {  	[tilespmem:s25], [sflag:$0x1] =	stream.linear.gather @!p2 [hbm4b:s22+s25], $0x100, $0x38;
	[tilespmem:$0x980] =	vst v63  }
0x79: {  	s31 =	sadd.s32 $0x40, s21;
	_ =	swait.ge @!p1 [sflag:s24], $0x100  }
0x7a: {  	s22 =	simm.s32 @!p1 $0x80;
	s25 =	simm.s32 @!p1 $0x400;
	[sflag:s24] =	ssyncset.done @!p1 $0x0  }
0x7b: {  	p2 =	sgt.u32 s31, $0x9C3;
	[sflag:s24] =	ssyncadd.s32 @!p1 $0xFFFFFF00;
	s24 =	simm.s32 @!p1 $0x6  }
0x7c: {  	[spmem:s1] =	stream.indirect.scatter.add.f32 @!p1 [tilespmem:s25], [sflag:$0x6], $0x1, s23, s22, $0xb8;
	[tilespmem:$0x980] =	vst v63  }
0x7d: {  	s20 =	sadd.s32 @!p2 s20, s11;
	_ =	swait.ge @!p1 [sflag:s24], $0x80  }
0x7e: {  	s21 =	simm.s32 @!p2 $0x0;
	s20 =	sadd.s32 @!p2 $0x1400, s20;
	[sflag:s24] =	ssyncset.done @!p1 $0x0  }
0x7f: {  	s22 =	simm.s32 @!p0 $0x4;
	s23 =	simm.s32 @!p2 $0x100;
	[sflag:s24] =	ssyncadd.s32 @!p1 $0xFFFFFF80  }
0x80: {  	[tilespmem:s23], [sflag:$0x2] =	stream.linear.gather @!p2 [hbm4b:s20+s21], $0x100, $0x38;
	[tilespmem:$0x980] =	vst v63  }
0x81: {  	_ =	swait.ge @!p0 [sflag:s22], $0x100  }
0x82: {  	s20 =	simm.s32 @!p0 $0x400;
	[sflag:s22] =	ssyncset.done @!p0 $0x0  }
0x83: {  	s21 =	simm.s32 @!p0 $0x80;
	s23 =	simm.s32 @!p0 $0x5;
	[sflag:s22] =	ssyncadd.s32 @!p0 $0xFFFFFF00  }
0x84: {  	[spmem:s1] =	stream.indirect.scatter.add.f32 @!p0 [tilespmem:s20], [sflag:$0x5], $0x1, s26, s21, $0xb8;
	[tilespmem:$0x980] =	vst v63  }
0x85: {  	_ =	swait.ge @!p0 [sflag:s23], $0x80  }
0x86: {  	[sflag:s23] =	ssyncset.done @!p0 $0x0  }
0x87: {  	[sflag:s23] =	ssyncadd.s32 @!p0 $0xFFFFFF80  }
0x88: {  	[bflag:$0x0] =	sbarrier.arrive $0xFFFF  }
0x89: {  	[tilespmem:s15], [sflag:$0x5] =	stream.linear.gather [spmem:s6], $0x280, $0x38;
	[tilespmem:$0x980] =	vst v63  }
0x8a: {  	s19 =	sadd.s32 $0x1, s19;
	_ =	swait.ge [sflag:s14], $0x280  }
0x8b: {  	p0 =	sne.s32 s19, s10;
	[sflag:s14] =	ssyncset.done $0x0  }
.Ltmp1:
0x8c: {  	[sflag:s14] =	ssyncadd.s32 $0xFFFFFD80;
	(pc) =	sbr.rel @p0 .LBB2_1-.Ltmp1, $4  }
0x8d: {  	[hbm4b:s9+s3] =	stream.linear.scatter [tilespmem:s15], [sflag:$0x5], $0x280, $0x38;
	[tilespmem:$0x980] =	vst v63  }
0x8e: {  	_ =	swait.ge [sflag:s14], $0x280  }
0x8f: {  	[sflag:s14] =	ssyncset.done $0x0  }
0x90: {  	[sflag:s14] =	ssyncadd.s32 $0xFFFFFD80  }
0x91: {  	_ =	sfence.sel $0x180000  }
0x92: {  	[bflag:$0x0] =	sbarrier.arrive $0xFFFF  }
0x93: {  	p0 =	sne.s32 s2, $0x0;
	_ =	strace $0x90000047  }
0x94: {  	s0 =	sadd.s32 @!p0 $0x100000, s0;
	[bflag:$0x2] =	sbarrier.arrive $0xFFFF  }
0x95: {  	[sflag:s0] =	ssyncadd.tile.s32 @!p0 $0x1;
	_ =	shalt  }
.Lfunc_end2:
_tile_overlayer_lowered:
.L_overlay_start_2:
0x96: {  	(tag) =	ssettag $0x2  }
0x97: {  	s0 =	rddreg [dreg:$0x0];
	s2 =	stileid.u32  }
0x98: {  	s1 =	rddreg [dreg:$0x1];
	p0 =	sne.s32 s2, $0x0  }
0x99: {  	s3 =	rddreg [dreg:$0x2];
	[bflag:$0x3] =	sbarrier.arrive $0xFFFF;
	s2 =	simm.s32 @!p0 $0x1C05  }
0x9a: {  	[timem:s3], [sflag:s2] =	dma.local @!p0 [hbm:s0], s1  }
0x9b: {  	s0 =	simm.s32 @!p0 $0x5  }
0x9c: {  	_ =	swait.ge @!p0 [sflag:s0], s1  }
0x9d: {  	s1 =	ssub.s32 @!p0 $0x0, s1;
	[sflag:s0] =	ssyncset.done @!p0 $0x0  }
0x9e: {  	[sflag:s0] =	ssyncadd.s32 @!p0 s1  }
0x9f: {  	[bflag:$0x3] =	sbarrier.arrive $0xFFFF  }
0xa0: {  	_ =	shalt  }

// kernel: kernel.9.cloned.1.call-start
scs
__scs_entry_jumppad:
0x0: {  	(pc) =	sbr.rel $0x88, $3  }
0x1: {  	(tag) =	ssettag $0x0;
	lr =	simm.s32 $0x1  }
0x2: {  	[smem:$0x3F9E] =	sst lr;
	_ =	strace $0xD0000000  }
0x3: {  	_ = 	snop  }
0x4: {  	_ = 	snop  }
0x5: {  	_ = 	snop  }
0x6: {  	_ = 	snop  }
0x7: {  	_ = 	snop  }
__scs_overlays_trampoline_lowered:
0x8: {  	[smem:$0x3FAD] =	sst s0  }
0x9: {  	[smem:$0x3FAE] =	sst s1  }
0xa: {  	[smem:$0x3FAF] =	sst s2  }
0xb: {  	[smem:$0x3FB0] =	sst s3  }
0xc: {  	[smem:$0x3FB1] =	sst s4  }
0xd: {  	[smem:$0x3FB2] =	sst s5  }
0xe: {  	[smem:$0x3FB3] =	sst s6  }
0xf: {  	[smem:$0x3FB4] =	sst s7  }
0x10: {  	[smem:$0x3FB5] =	sst s8  }
0x11: {  	[smem:$0x3FB6] =	sst s9;
	s0 =	simm.s32 @!p0 $0x0  }
0x12: {  	s1 =	sld [smem:$0x3F9C];
	s0 =	simm.s32 @p0 $0x1  }
0x13: {  	[smem:$0x3FB7] =	sst s0;
	s0 =	simm.s32 @!p1 $0x0  }
0x14: {  	s2 =	sld [smem:$0x3F9B];
	s0 =	simm.s32 @p1 $0x1  }
0x15: {  	[smem:$0x3FB8] =	sst s0;
	s0 =	simm.s32 @!p2 $0x0  }
0x16: {  	s3 =	sld [smem:$0x3FDB];
	s0 =	simm.s32 @p2 $0x1  }
0x17: {  	s4 =	simm.s32 $0x1BF5;
	[smem:$0x3FBA] =	sst s0  }
0x18: {  	s0 =	sld [smem:$0x3F9D];
	_ =	swait.ge [sflag:s4], $0x0  }
0x19: {  	s7 =	sld [smem:$0x3F9E]  }
0x1a: {  	s8 =	sadd.s32 $0xFFFFE003, lr  }
0x1b: {  	s9 =	sadd.s32 $0xFFFFFEF7, lr;
	s5 =	simm.s32 $0xFFFFFFFF;
	p2 =	slt.u32 s8, $0xFFFFF086  }
0x1c: {  	p1 =	slt.u32 s9, $0xF7A;
	s5 =	simm.s32 @!p2 $0x0  }
0x1d: {  	s5 =	simm.s32 @p1 $0x1;
	p0 =	seq.s32 s7, s2  }
0x1e: {  	s7 =	smul.u32 @!p0 $0xF7A, s2;
	p2 =	seq.s32 @!p0 s5, $0x0  }
0x1f: {  	s9 =	smul.u32 $0xF7A, s1;
	s8 =	simm.s32 @!p0 $0x1BF5;
	p2 =	por !p2, p0  }
0x20: {  	[sflag:s8] =	ssyncset.s32 @!p0 $0xFFFFF086;
	s6 =	sadd.s32 @!p0 s3, s7;
	s7 =	simm.s32 @!p0 $0x108  }
0x21: {  	s3 =	sadd.s32 s3, s9;
	s6 =	sadd.s32 @!p0 $0x88, s6;
	s7 =	simm.s32 @p2 $0x1082  }
0x22: {  	[simem:s7], [sflag:s8] =	dma.local @!p0 [hbm:s6], $0xF7A  }
0x23: {  	s9 =	sor.u32 $0xD0000000, s2;
	s6 =	simm.s32 $0x108;
	_ =	swait.ge @!p0 [sflag:s8], $0x0  }
0x24: {  	s3 =	sadd.s32 $0x88, s3;
	s6 =	simm.s32 @!p1 $0x1082;
	[sflag:s4] =	ssyncset.s32 $0xFFFFF086  }
0x25: {  	[simem:s6], [sflag:s4] =	dma.local [hbm:s3], $0xF7A  }
0x26: {  	[smem:$0x3F9E] =	sst s1;
	(tag) =	ssettag s2;
	_ =	strace s9  }
0x27: {  	s1 =	sld [smem:$0x3FAE]  }
0x28: {  	s2 =	sld [smem:$0x3FAF]  }
0x29: {  	s4 =	sld [smem:$0x3FB1]  }
0x2a: {  	p0 =	seq.s32 s5, $0x0;
	s5 =	sld [smem:$0x3FB2]  }
0x2b: {  	s6 =	sld [smem:$0x3FB3]  }
0x2c: {  	s7 =	sld [smem:$0x3FB4]  }
0x2d: {  	s3 =	simm.s32 $0x108;
	s8 =	sld [smem:$0x3FB5]  }
0x2e: {  	s3 =	simm.s32 @!p0 $0x1082;
	s9 =	sld [smem:$0x3FB6]  }
0x2f: {  	lr =	sadd.s32 s0, s3;
	s0 =	sld [smem:$0x3FAD]  }
0x30: {  	s3 =	sld [smem:$0x3FB0]  }
0x31: {  	[smem:$0x3FB9] =	sst s10  }
0x32: {  	s10 =	sld [smem:$0x3FB7];
	_ =	sdelay $0x3  }
0x33: {  	p0 =	seq.s32 s10, $0x1;
	s10 =	sld [smem:$0x3FB9];
	_ =	sdelay $0x3  }
0x34: {  	[smem:$0x3FB9] =	sst s10  }
0x35: {  	s10 =	sld [smem:$0x3FB8];
	_ =	sdelay $0x3  }
0x36: {  	p1 =	seq.s32 s10, $0x1;
	s10 =	sld [smem:$0x3FB9];
	_ =	sdelay $0x3  }
0x37: {  	[smem:$0x3FB9] =	sst s10  }
0x38: {  	s10 =	sld [smem:$0x3FBA]  }
0x39: {  	_ = 	snop;
	(pc) =	sbr.ind lr, $3  }
0x3a: {  	_ = 	snop  }
0x3b: {  	_ = 	snop  }
0x3c: {  	p2 =	seq.s32 s10, $0x1;
	s10 =	sld [smem:$0x3FB9]  }
0x3d: {  	_ =	shalt  }
0x3e: {  	_ =	shalt  }
0x3f: {  	_ =	shalt  }
0x40: {  	_ =	shalt  }
0x41: {  	_ =	shalt  }
0x42: {  	_ =	shalt  }
0x43: {  	_ =	shalt  }
0x44: {  	_ =	shalt  }
0x45: {  	_ =	shalt  }
0x46: {  	_ =	shalt  }
0x47: {  	_ =	shalt  }
0x48: {  	_ =	shalt  }
0x49: {  	_ =	shalt  }
0x4a: {  	_ =	shalt  }
0x4b: {  	_ =	shalt  }
0x4c: {  	_ =	shalt  }
0x4d: {  	_ =	shalt  }
0x4e: {  	_ =	shalt  }
0x4f: {  	_ =	shalt  }
0x50: {  	_ =	shalt  }
0x51: {  	_ =	shalt  }
0x52: {  	_ =	shalt  }
0x53: {  	_ =	shalt  }
0x54: {  	_ =	shalt  }
0x55: {  	_ =	shalt  }
0x56: {  	_ =	shalt  }
0x57: {  	_ =	shalt  }
0x58: {  	_ =	shalt  }
0x59: {  	_ =	shalt  }
0x5a: {  	_ =	shalt  }
0x5b: {  	_ =	shalt  }
0x5c: {  	_ =	shalt  }
0x5d: {  	_ =	shalt  }
0x5e: {  	_ =	shalt  }
0x5f: {  	_ =	shalt  }
0x60: {  	_ =	shalt  }
0x61: {  	_ =	shalt  }
0x62: {  	_ =	shalt  }
0x63: {  	_ =	shalt  }
0x64: {  	_ =	shalt  }
0x65: {  	_ =	shalt  }
0x66: {  	_ =	shalt  }
0x67: {  	_ =	shalt  }
0x68: {  	_ =	shalt  }
0x69: {  	_ =	shalt  }
0x6a: {  	_ =	shalt  }
0x6b: {  	_ =	shalt  }
0x6c: {  	_ =	shalt  }
0x6d: {  	_ =	shalt  }
0x6e: {  	_ =	shalt  }
0x6f: {  	_ =	shalt  }
0x70: {  	_ =	shalt  }
0x71: {  	_ =	shalt  }
0x72: {  	_ =	shalt  }
0x73: {  	_ =	shalt  }
0x74: {  	_ =	shalt  }
0x75: {  	_ =	shalt  }
0x76: {  	_ =	shalt  }
0x77: {  	_ =	shalt  }
0x78: {  	_ =	shalt  }
0x79: {  	_ =	shalt  }
0x7a: {  	_ =	shalt  }
0x7b: {  	_ =	shalt  }
0x7c: {  	_ =	shalt  }
0x7d: {  	_ =	shalt  }
0x7e: {  	_ =	shalt  }
0x7f: {  	_ =	shalt  }
0x80: {  	_ =	shalt  }
0x81: {  	_ =	shalt  }
0x82: {  	_ =	shalt  }
0x83: {  	_ =	shalt  }
0x84: {  	_ =	shalt  }
0x85: {  	_ =	shalt  }
0x86: {  	_ =	shalt  }
0x87: {  	_ =	shalt  }
.Lfunc_end0:
.L_simem_size_0:
called_computation.1_lowered:
.L_overlay_start_0:
0x88: {  	s2 =	sld [smem:$0x3FD9]  }
0x89: {  	s3 =	sld [smem:$0x3FFE];
	_ =	sdelay $0x1  }
0x8a: {  	s1 =	srdreg.scid  }
0x8b: {  	s0 =	sand.u32 $0x1, s1  }
0x8c: {  	s17 =	sshll.u32 s0, $0xA;
	s2 =	sadd.s32 s3, s2  }
0x8d: {  	s2 =	sadd.s32 s2, s17  }
0x8e: {  	[smem:$0x3FC5] =	sst s2  }
0x8f: {  	_ = 	snop  }
0x90: {  	s2 =	sld [smem:$0x3FD0];
	(tm) =	ssettm $0x1  }
0x91: {  	s18 =	sld [smem:$0x3FFB];
	_ =	sdelay $0x3  }
0x92: {  	_ =	strace s18  }
0x93: {  	s3 =	sld [smem:$0x3FFC];
	_ =	sdelay $0x3  }
0x94: {  	_ =	strace s3  }
0x95: {  	s3 =	sld [smem:$0x3FFD];
	_ =	sdelay $0x3  }
0x96: {  	_ =	strace s3  }
0x97: {  	_ =	strace $0x8FFFFFFF  }
0x98: {  	s19 =	sld [smem:$0x3FDB];
	_ =	sdelay $0x1  }
0x99: {  	s4 =	simm.s32 $_scs_section_size  }
0x9a: {  	s5 =	simm.s32 $_size__tile_overlayer_lowered;
	s6 =	simm.s32 $_tile_overlayer_lowered  }
0x9b: {  	s22 =	simm.s32 $0x1BFF;
	s21 =	sshll.u32 s6, $0x1;
	s3 =	sadd.s32 s4, s19  }
0x9c: {  	s7 =	simm.s32 $0x0;
	s20 =	sshll.u32 s5, $0x1;
	s5 =	sadd.s32 s21, s3  }
0x9d: {  	[timem:s7], [sflag:s22] =	dma.local [hbm:s5], s20  }
0x9e: {  	_ =	swait.ge [sflag:s22], s20  }
0x9f: {  	s4 =	ssub.s32 $0x0, s20;
	[sflag:s22] =	ssyncset.done $0x0  }
0xa0: {  	[sflag:s22] =	ssyncadd.s32 s4;
	_ =	sdelay $0x1  }
0xa1: {  	s23 =	simm.s32 $0x1B8B  }
0xa2: {  	_ =	swait.ge [sflag:s23], $0x1  }
0xa3: {  	[sflag:s23] =	ssyncset.done $0x0  }
0xa4: {  	s25 =	simm.s32 $0x1B8E;
	s24 =	sld [smem:$0x3FFE];
	[sflag:s23] =	ssyncadd.s32 $0xFFFFFFFF  }
0xa5: {  	s26 =	simm.s32 $execute0_lowered;
	[smem:$0x3FD2] =	sst s25  }
0xa6: {  	s5 =	sshll.u32 s26, $0x1;
	_ =	strace $0x80000049;
	[dreg:$0x1] =	wrdreg $0xFFFFFFFF  }
0xa7: {  	s28 =	simm.s32 $_size_execute0_lowered;
	s3 =	sadd.s32 s3, s5;
	[dreg:$0x0] =	wrdreg $0x0  }
0xa8: {  	s5 =	sshll.u32 s28, $0x1;
	[dreg:$0x2] =	wrdreg s3  }
0xa9: {  	[dreg:$0x3] =	wrdreg s5  }
0xaa: {  	[dreg:$0x4] =	wrdreg $0xC0  }
0xab: {  	_ =	task [dreg:s7], $0x5FFFF  }
0xac: {  	[dreg:$0x1] =	wrdreg $0xFFFFFFFF  }
0xad: {  	[dreg:$0x0] =	wrdreg $0x60  }
0xae: {  	[dreg:$0x2] =	wrdreg s24  }
0xaf: {  	[dreg:$0x3] =	wrdreg s2  }
0xb0: {  	[dreg:$0x4] =	wrdreg $0xA4000  }
0xb1: {  	[dreg:$0x5] =	wrdreg $0x9  }
0xb2: {  	_ =	task.clear_ibuf [dreg:s7], $0x6FFFF;
	_ =	strace $0x90000049  }
0xb3: {  	s29 =	simm.s32 $0x9;
	_ =	strace $0x8000004B  }
0xb4: {  	_ =	swait.ge [sflag:s29], $0x1  }
0xb5: {  	[sflag:s29] =	ssyncadd.s32 $0xFFFFFFFF  }
0xb6: {  	_ =	strace $0x9000004B  }
0xb7: {  	_ =	sfence  }
0xb8: {  	s30 =	sld [smem:$0x0];
	_ =	sdelay $0x2  }
0xb9: {  	s31 =	sshll.u32 s1, $0xD;
	s1 =	sshrl.u32 s1, $0x2  }
0xba: {  	s3 =	sand.u32 $0x4000, s31;
	s1 =	sadd.s32 s1, s30  }
0xbb: {  	s0 =	sor.u32 s3, s0;
	s1 =	sshll.u32 s1, $0x11  }
0xbc: {  	s0 =	sor.u32 s1, s0  }
0xbd: {  	s0 =	sadd.s32 $0x8F2B, s0  }
0xbe: {  	[sflag:s0] =	ssyncadd.remote.s32 $0x1  }
0xbf: {  	_ =	sfence.sel $0xFFFF  }
0xc0: {  	[dreg:$0x0] =	wrdreg $0xFFFFFFFF;
	(pc) =	sbr.abs _section_cstart, $3  }
0xc1: {  	[dreg:$0x1] =	wrdreg $0xFFFFFFFF  }
0xc2: {  	_ =	task.clear_ibuf [dreg:s7], $0x2FFFF;
	_ =	strace $0x9FFFFFFF  }
0xc3: {  	(tm) =	ssettm $0x7FFFFFFF  }
tec
execute0_lowered:
.L_overlay_start_1:
0x0: {  	(tag) =	ssettag $0x1  }
0x1: {  	s0 =	rddreg [dreg:$0x0]  }
0x2: {  	s2 =	rddreg [dreg:$0x1]  }
0x3: {  	s3 =	rddreg [dreg:$0x2];
	s11 =	stileid.u32  }
0x4: {  	s1 =	srdreg.scid;
	s6 =	smul.u32 $0x280, s11  }
0x5: {  	s4 =	simm.s32 $0x0;
	s1 =	sand.u32 $0x1, s1;
	s9 =	smul.u32 $0x50000, s11  }
0x6: {  	[smem:$0x7FF] =	sst s4;
	s5 =	sadd.s32 $0x2000, s0;
	s15 =	smul.u32 $0x4E20, s11  }
0x7: {  	s12 =	sshll.u32 s11, $0x1;
	s7 =	smul.u32 $0x2800, s1;
	s8 =	ssub.s32 $0x2, s1  }
0x8: {  	_ =	strace $0x8000004A;
	s10 =	sshrl.u32 s8, $0x1;
	s14 =	sshrl.u32 s9, $0x2  }
0x9: {  	s6 =	sadd.s32 s6, s7;
	s7 =	sor.u32 s1, s12;
	s12 =	sadd.s32 $0x15A00, s0  }
0xa: {  	s13 =	ssub.s32 s8, s10;
	s26 =	sadd.s32 s14, s3;
	s1 =	smul.u32 $0x2710, s1  }
0xb: {  	s6 =	sshll.u32 s6, $0x4;
	s7 =	smul.u32 $0x2710, s7;
	[dreg:$0x4] =	wrdreg s12  }
0xc: {  	s28 =	sadd.s32 $0x7800, s26;
	s29 =	sadd.s32 $0xA000, s26;
	[dreg:$0x5] =	wrdreg s26  }
0xd: {  	s30 =	sadd.s32 $0xC800, s26;
	s31 =	sadd.s32 $0xF000, s26;
	[dreg:$0x13] =	wrdreg s28  }
0xe: {  	s0 =	sadd.s32 s6, s0;
	s1 =	sadd.s32 s1, s15;
	[dreg:$0x14] =	wrdreg s29  }
0xf: {  	s6 =	smax.u32 s13, $0x1;
	s15 =	sadd.s32 $0x11800, s26;
	[dreg:$0x15] =	wrdreg s30  }
0x10: {  	s7 =	sshrl.u32 s7, $0x3;
	s16 =	sadd.s32 $0x16000, s0;
	[dreg:$0xf] =	wrdreg s6  }
0x11: {  	s17 =	sadd.s32 $0x16500, s0;
	s18 =	sadd.s32 $0x16A00, s0;
	[dreg:$0x7] =	wrdreg s16  }
0x12: {  	s19 =	sadd.s32 $0x16F00, s0;
	s20 =	sadd.s32 $0x17400, s0;
	[dreg:$0x8] =	wrdreg s17  }
0x13: {  	s21 =	sadd.s32 $0x17900, s0;
	s22 =	sadd.s32 $0x17E00, s0;
	[dreg:$0x9] =	wrdreg s18  }
0x14: {  	s23 =	sadd.s32 $0x190, s1;
	s0 =	sadd.s32 $0x18300, s0;
	[dreg:$0xa] =	wrdreg s19  }
0x15: {  	s25 =	sadd.s32 $0x4E390, s1;
	s9 =	sadd.s32 $0x4E340, s1;
	[dreg:$0xb] =	wrdreg s20  }
0x16: {  	s10 =	sadd.s32 $0xF0, s1;
	s11 =	sadd.s32 $0x140, s1;
	[dreg:$0xc] =	wrdreg s21  }
0x17: {  	s12 =	sadd.s32 $0x4E2F0, s1;
	s13 =	sadd.s32 $0xA0, s1;
	[dreg:$0xd] =	wrdreg s22  }
0x18: {  	s1 =	sadd.s32 $0x4E2A0, s1;
	s8 =	sadd.s32 s5, s7;
	[dreg:$0xe] =	wrdreg s0  }
0x19: {  	s24 =	sshrl.u32 s23, $0x3;
	s7 =	sshrl.u32 s25, $0x3;
	[dreg:$0x10] =	wrdreg s11  }
0x1a: {  	s0 =	sshrl.u32 s9, $0x3;
	s6 =	sshrl.u32 s10, $0x3;
	s14 =	sshrl.u32 s13, $0x3  }
0x1b: {  	s1 =	sshrl.u32 s1, $0x3;
	s11 =	simm.s32 $0x400;
	s13 =	simm.s32 $0x200  }
0x1c: {  	s9 =	simm.s32 $0xA;
	s10 =	simm.s32 $0x1;
	s18 =	sadd.s32 s24, s5  }
0x1d: {  	s19 =	sadd.s32 s7, s5;
	s21 =	sadd.s32 s0, s5;
	s22 =	sadd.s32 s6, s5  }
0x1e: {  	s0 =	sshrl.u32 s12, $0x3;
	s24 =	sadd.s32 s14, s5;
	s25 =	sadd.s32 s1, s5  }
0x1f: {  	s1 =	sadd.s32 $0x2800, s26;
	s7 =	sadd.s32 $0x5000, s26;
	s16 =	sadd.s32 $0x9C40, s8  }
0x20: {  	s17 =	sadd.s32 $0x9C4A, s8;
	[dreg:$0x6] =	wrdreg s8;
	s20 =	sadd.s32 $0xA, s8  }
.Ltmp0:
0x21: {  	s8 =	smov.u32 s15;
	[dreg:$0x16] =	wrdreg s16;
	(pc) =	sbr.rel .LBB2_1-.Ltmp0, $4  }
0x22: {  	s12 =	simm.s32 $0xD;
	s15 =	simm.s32 $0x280;
	[dreg:$0x17] =	wrdreg s17  }
0x23: {  	s6 =	simm.s32 $0x9;
	s14 =	simm.s32 $0x0;
	[dreg:$0x18] =	wrdreg s20  }
0x24: {  	s23 =	sadd.s32 s0, s5;
	s16 =	simm.s32 $0x50;
	[dreg:$0x11] =	wrdreg s1  }
0x25: {  	s17 =	simm.s32 $0x5;
	s20 =	simm.s32 $0x6;
	[dreg:$0x12] =	wrdreg s7  }
.LBB2_11:
0x26: {  	_ =	swait.ge [sflag:s6], $0x2800  }
0x27: {  	[sflag:s6] =	ssyncset.done $0x0  }
0x28: {  	[sflag:s6] =	ssyncadd.s32 $0xFFFFD800  }
0x29: {  	_ =	swait.ge [sflag:s9], $0x2800  }
0x2a: {  	[sflag:s9] =	ssyncset.done $0x0  }
0x2b: {  	s0 =	simm.s32 $0xB;
	[sflag:s9] =	ssyncadd.s32 $0xFFFFD800  }
0x2c: {  	_ =	swait.ge [sflag:s0], $0x2800  }
0x2d: {  	[sflag:s0] =	ssyncset.done $0x0  }
0x2e: {  	s26 =	simm.s32 $0xC;
	[sflag:s0] =	ssyncadd.s32 $0xFFFFD800  }
0x2f: {  	_ =	swait.ge [sflag:s26], $0x2800  }
0x30: {  	[sflag:s26] =	ssyncset.done $0x0  }
0x31: {  	[sflag:s26] =	ssyncadd.s32 $0xFFFFD800  }
0x32: {  	[bflag:$0x0] =	sbarrier.arrive $0xFFFF  }
0x33: {  	s26 =	rddreg [dreg:$0x5]  }
0x34: {  	[tilespmem:s11], [sflag:$0xD] =	stream.linear.gather [spmem:s26], $0x2800, $0x38;
	[tilespmem:$0x1E400] =	vst v63  }
0x35: {  	_ =	swait.ge [sflag:s12], $0x2800  }
0x36: {  	[sflag:s12] =	ssyncset.done $0x0  }
0x37: {  	s1 =	rddreg [dreg:$0x7];
	[sflag:s12] =	ssyncadd.s32 $0xFFFFD800  }
0x38: {  	[hbm4b:s1+s4] =	stream.linear.scatter [tilespmem:s11], [sflag:$0xD], $0x2800, $0x38;
	[tilespmem:$0x1E400] =	vst v63  }
0x39: {  	_ =	swait.ge [sflag:s12], $0x2800  }
0x3a: {  	[sflag:s12] =	ssyncset.done $0x0  }
0x3b: {  	s1 =	rddreg [dreg:$0x11];
	[sflag:s12] =	ssyncadd.s32 $0xFFFFD800  }
0x3c: {  	[tilespmem:s11], [sflag:$0xD] =	stream.linear.gather [spmem:s1], $0x2800, $0x38;
	[tilespmem:$0x1E400] =	vst v63  }
0x3d: {  	_ =	swait.ge [sflag:s12], $0x2800  }
0x3e: {  	[sflag:s12] =	ssyncset.done $0x0  }
0x3f: {  	s7 =	rddreg [dreg:$0x8];
	[sflag:s12] =	ssyncadd.s32 $0xFFFFD800  }
0x40: {  	[hbm4b:s7+s4] =	stream.linear.scatter [tilespmem:s11], [sflag:$0xD], $0x2800, $0x38;
	[tilespmem:$0x1E400] =	vst v63  }
0x41: {  	_ =	swait.ge [sflag:s12], $0x2800  }
0x42: {  	[sflag:s12] =	ssyncset.done $0x0  }
0x43: {  	s7 =	rddreg [dreg:$0x12];
	[sflag:s12] =	ssyncadd.s32 $0xFFFFD800  }
0x44: {  	[tilespmem:s11], [sflag:$0xD] =	stream.linear.gather [spmem:s7], $0x2800, $0x38;
	[tilespmem:$0x1E400] =	vst v63  }
0x45: {  	_ =	swait.ge [sflag:s12], $0x2800  }
0x46: {  	[sflag:s12] =	ssyncset.done $0x0  }
0x47: {  	s14 =	rddreg [dreg:$0x9];
	[sflag:s12] =	ssyncadd.s32 $0xFFFFD800  }
0x48: {  	[hbm4b:s14+s4] =	stream.linear.scatter [tilespmem:s11], [sflag:$0xD], $0x2800, $0x38;
	[tilespmem:$0x1E400] =	vst v63  }
0x49: {  	_ =	swait.ge [sflag:s12], $0x2800  }
0x4a: {  	[sflag:s12] =	ssyncset.done $0x0  }
0x4b: {  	s28 =	rddreg [dreg:$0x13];
	[sflag:s12] =	ssyncadd.s32 $0xFFFFD800  }
0x4c: {  	[tilespmem:s11], [sflag:$0xD] =	stream.linear.gather [spmem:s28], $0x2800, $0x38;
	[tilespmem:$0x1E400] =	vst v63  }
0x4d: {  	_ =	swait.ge [sflag:s12], $0x2800  }
0x4e: {  	[sflag:s12] =	ssyncset.done $0x0  }
0x4f: {  	s14 =	rddreg [dreg:$0xa];
	[sflag:s12] =	ssyncadd.s32 $0xFFFFD800  }
0x50: {  	[hbm4b:s14+s4] =	stream.linear.scatter [tilespmem:s11], [sflag:$0xD], $0x2800, $0x38;
	[tilespmem:$0x1E400] =	vst v63  }
0x51: {  	_ =	swait.ge [sflag:s12], $0x2800  }
0x52: {  	[sflag:s12] =	ssyncset.done $0x0  }
0x53: {  	s29 =	rddreg [dreg:$0x14];
	[sflag:s12] =	ssyncadd.s32 $0xFFFFD800  }
0x54: {  	[tilespmem:s11], [sflag:$0xD] =	stream.linear.gather [spmem:s29], $0x2800, $0x38;
	[tilespmem:$0x1E400] =	vst v63  }
0x55: {  	_ =	swait.ge [sflag:s12], $0x2800  }
0x56: {  	[sflag:s12] =	ssyncset.done $0x0  }
0x57: {  	s14 =	rddreg [dreg:$0xb];
	[sflag:s12] =	ssyncadd.s32 $0xFFFFD800  }
0x58: {  	[hbm4b:s14+s4] =	stream.linear.scatter [tilespmem:s11], [sflag:$0xD], $0x2800, $0x38;
	[tilespmem:$0x1E400] =	vst v63  }
0x59: {  	_ =	swait.ge [sflag:s12], $0x2800  }
0x5a: {  	[sflag:s12] =	ssyncset.done $0x0  }
0x5b: {  	s30 =	rddreg [dreg:$0x15];
	[sflag:s12] =	ssyncadd.s32 $0xFFFFD800  }
0x5c: {  	[tilespmem:s11], [sflag:$0xD] =	stream.linear.gather [spmem:s30], $0x2800, $0x38;
	[tilespmem:$0x1E400] =	vst v63  }
0x5d: {  	_ =	swait.ge [sflag:s12], $0x2800  }
0x5e: {  	[sflag:s12] =	ssyncset.done $0x0  }
0x5f: {  	s14 =	rddreg [dreg:$0xc];
	[sflag:s12] =	ssyncadd.s32 $0xFFFFD800  }
0x60: {  	[hbm4b:s14+s4] =	stream.linear.scatter [tilespmem:s11], [sflag:$0xD], $0x2800, $0x38;
	[tilespmem:$0x1E400] =	vst v63  }
0x61: {  	_ =	swait.ge [sflag:s12], $0x2800  }
0x62: {  	[sflag:s12] =	ssyncset.done $0x0  }
0x63: {  	[sflag:s12] =	ssyncadd.s32 $0xFFFFD800  }
0x64: {  	[tilespmem:s11], [sflag:$0xD] =	stream.linear.gather [spmem:s31], $0x2800, $0x38;
	[tilespmem:$0x1E400] =	vst v63  }
0x65: {  	_ =	swait.ge [sflag:s12], $0x2800  }
0x66: {  	[sflag:s12] =	ssyncset.done $0x0  }
0x67: {  	s14 =	rddreg [dreg:$0xd];
	[sflag:s12] =	ssyncadd.s32 $0xFFFFD800  }
0x68: {  	[hbm4b:s14+s4] =	stream.linear.scatter [tilespmem:s11], [sflag:$0xD], $0x2800, $0x38;
	[tilespmem:$0x1E400] =	vst v63  }
0x69: {  	_ =	swait.ge [sflag:s12], $0x2800  }
0x6a: {  	[sflag:s12] =	ssyncset.done $0x0  }
0x6b: {  	[sflag:s12] =	ssyncadd.s32 $0xFFFFD800  }
0x6c: {  	[tilespmem:s11], [sflag:$0xD] =	stream.linear.gather [spmem:s8], $0x2800, $0x38;
	[tilespmem:$0x1E400] =	vst v63  }
0x6d: {  	_ =	swait.ge [sflag:s12], $0x2800  }
0x6e: {  	[sflag:s12] =	ssyncset.done $0x0  }
0x6f: {  	s14 =	rddreg [dreg:$0xe];
	[sflag:s12] =	ssyncadd.s32 $0xFFFFD800  }
0x70: {  	[hbm4b:s14+s4] =	stream.linear.scatter [tilespmem:s11], [sflag:$0xD], $0x2800, $0x38;
	[tilespmem:$0x1E400] =	vst v63  }
0x71: {  	_ =	swait.ge [sflag:s12], $0x2800  }
0x72: {  	s14 =	rddreg [dreg:$0x19]  }
0x73: {  	s0 =	rddreg [dreg:$0xf];
	s14 =	sadd.s32 $0x1, s14  }
0x74: {  	p0 =	sne.s32 s14, s0  }
.Ltmp1:
0x75: {  	_ = 	snop;
	(pc) =	sbr.rel @!p0 .LBB2_12-.Ltmp1, $3  }
0x76: {  	_ =	sdelay $0x1  }
0x77: {  	[sflag:s12] =	ssyncset.done $0x0  }
0x78: {  	[sflag:s12] =	ssyncadd.s32 $0xFFFFD800  }
.LBB2_1:
0x79: {  	[dreg:$0x19] =	wrdreg s14  }
0x7a: {  	s0 =	rddreg [dreg:$0x4]  }
0x7b: {  	[tilespmem:s11], [sflag:$0xD] =	stream.linear.gather [hbm4b:s0+s4], $0x2800, $0x38;
	[tilespmem:$0x1E400] =	vst v63  }
0x7c: {  	_ =	swait.ge [sflag:s12], $0x2800  }
0x7d: {  	[sflag:s12] =	ssyncset.done $0x0  }
0x7e: {  	[sflag:s12] =	ssyncadd.s32 $0xFFFFD800  }
0x7f: {  	[spmem:s26] =	stream.linear.scatter [tilespmem:s11], [sflag:$0xD], $0x2800, $0x38;
	[tilespmem:$0x1E400] =	vst v63  }
0x80: {  	_ =	swait.ge [sflag:s12], $0x2800  }
0x81: {  	[sflag:s12] =	ssyncset.done $0x0  }
0x82: {  	[sflag:s12] =	ssyncadd.s32 $0xFFFFD800  }
0x83: {  	[spmem:s1] =	stream.linear.scatter [tilespmem:s11], [sflag:$0xD], $0x2800, $0x38;
	[tilespmem:$0x1E400] =	vst v63  }
0x84: {  	_ =	swait.ge [sflag:s12], $0x2800  }
0x85: {  	[sflag:s12] =	ssyncset.done $0x0  }
0x86: {  	[sflag:s12] =	ssyncadd.s32 $0xFFFFD800  }
0x87: {  	[spmem:s7] =	stream.linear.scatter [tilespmem:s11], [sflag:$0xD], $0x2800, $0x38;
	[tilespmem:$0x1E400] =	vst v63  }
0x88: {  	_ =	swait.ge [sflag:s12], $0x2800  }
0x89: {  	[sflag:s12] =	ssyncset.done $0x0  }
0x8a: {  	[sflag:s12] =	ssyncadd.s32 $0xFFFFD800  }
0x8b: {  	[spmem:s28] =	stream.linear.scatter [tilespmem:s11], [sflag:$0xD], $0x2800, $0x38;
	[tilespmem:$0x1E400] =	vst v63  }
0x8c: {  	_ =	swait.ge [sflag:s12], $0x2800  }
0x8d: {  	[sflag:s12] =	ssyncset.done $0x0  }
0x8e: {  	[sflag:s12] =	ssyncadd.s32 $0xFFFFD800  }
0x8f: {  	[spmem:s29] =	stream.linear.scatter [tilespmem:s11], [sflag:$0xD], $0x2800, $0x38;
	[tilespmem:$0x1E400] =	vst v63  }
0x90: {  	_ =	swait.ge [sflag:s12], $0x2800  }
0x91: {  	[sflag:s12] =	ssyncset.done $0x0  }
0x92: {  	[sflag:s12] =	ssyncadd.s32 $0xFFFFD800  }
0x93: {  	[spmem:s30] =	stream.linear.scatter [tilespmem:s11], [sflag:$0xD], $0x2800, $0x38;
	[tilespmem:$0x1E400] =	vst v63  }
0x94: {  	_ =	swait.ge [sflag:s12], $0x2800  }
0x95: {  	[sflag:s12] =	ssyncset.done $0x0  }
0x96: {  	[sflag:s12] =	ssyncadd.s32 $0xFFFFD800  }
0x97: {  	[spmem:s31] =	stream.linear.scatter [tilespmem:s11], [sflag:$0xD], $0x2800, $0x38;
	[tilespmem:$0x1E400] =	vst v63  }
0x98: {  	_ =	swait.ge [sflag:s12], $0x2800  }
0x99: {  	[sflag:s12] =	ssyncset.done $0x0  }
0x9a: {  	[sflag:s12] =	ssyncadd.s32 $0xFFFFD800  }
0x9b: {  	[spmem:s8] =	stream.linear.scatter [tilespmem:s11], [sflag:$0xD], $0x2800, $0x38;
	[tilespmem:$0x1E400] =	vst v63  }
0x9c: {  	_ =	swait.ge [sflag:s12], $0x2800  }
0x9d: {  	[sflag:s12] =	ssyncset.done $0x0  }
0x9e: {  	[sflag:s12] =	ssyncadd.s32 $0xFFFFD800  }
0x9f: {  	[bflag:$0x0] =	sbarrier.arrive $0xFFFF  }
0xa0: {  	s26 =	rddreg [dreg:$0x16]  }
0xa1: {  	[tilespmem:s4], [sflag:$0xD] =	stream.linear.gather [hbm4b:s26+s4], $0x50, $0x38;
	[tilespmem:$0x1E400] =	vst v63  }
0xa2: {  	_ =	swait.ge [sflag:s12], $0x50  }
0xa3: {  	[sflag:s12] =	ssyncset.done $0x0  }
0xa4: {  	s1 =	rddreg [dreg:$0x6];
	[sflag:s12] =	ssyncadd.s32 $0xFFFFFFB0  }
0xa5: {  	[tilespmem:s13], [sflag:$0xD] =	stream.linear.gather [hbm4b:s1+s4], $0x50, $0x38;
	[tilespmem:$0x1E400] =	vst v63  }
0xa6: {  	_ =	swait.ge [sflag:s12], $0x50  }
0xa7: {  	[sflag:s12] =	ssyncset.done $0x0  }
0xa8: {  	s14 =	simm.s32 $0x80;
	s7 =	rddreg [dreg:$0x17];
	[sflag:s12] =	ssyncadd.s32 $0xFFFFFFB0  }
0xa9: {  	[tilespmem:s14], [sflag:$0xD] =	stream.linear.gather [hbm4b:s7+s4], $0x50, $0x38;
	[tilespmem:$0x1E400] =	vst v63  }
0xaa: {  	_ =	swait.ge [sflag:s12], $0x50  }
0xab: {  	[sflag:s12] =	ssyncset.done $0x0  }
0xac: {  	s26 =	rddreg [dreg:$0x18];
	[sflag:s12] =	ssyncadd.s32 $0xFFFFFFB0  }
0xad: {  	[tilespmem:s15], [sflag:$0xD] =	stream.linear.gather [hbm4b:s26+s4], $0x50, $0x38;
	[tilespmem:$0x1E400] =	vst v63  }
.Ltmp2:
0xae: {  	_ = 	snop;
	(pc) =	sbr.rel .LBB2_2-.Ltmp2, $4  }
0xaf: {  	_ =	swait.ge [sflag:s12], $0x50  }
0xb0: {  	s29 =	simm.s32 $0x0;
	s30 =	simm.s32 $0x0;
	[sflag:s12] =	ssyncset.done $0x0  }
0xb1: {  	s7 =	simm.s32 $0x3;
	s28 =	rddreg [dreg:$0x10];
	[sflag:s12] =	ssyncadd.s32 $0xFFFFFFB0  }
0xb2: {  	[tilespmem:s11], [sflag:$0x5] =	stream.indirect.gather [hbm4b:s2+s16], $0x80, s4, s16, $0xb8;
	[tilespmem:$0x1E400] =	vst v63  }
.LBB2_7:
0xb3: {  	_ =	swait.ge [sflag:s9], $0x2800  }
0xb4: {  	[sflag:s9] =	ssyncset.done $0x0  }
0xb5: {  	s0 =	sadd.s32 s29, s19;
	s1 =	simm.s32 $0x80;
	[sflag:s9] =	ssyncadd.s32 $0xFFFFD800  }
0xb6: {  	[tilespmem:s1], [sflag:$0x2] =	stream.linear.gather [hbm4b:s0+s4], $0x50, $0x38;
	[tilespmem:$0x1E400] =	vst v63  }
0xb7: {  	s26 =	sadd.s32 s29, s18;
	s8 =	smov.u32 s14  }
0xb8: {  	[tilespmem:s15], [sflag:$0x2] =	stream.linear.gather [hbm4b:s26+s4], $0x50, $0x38;
	[tilespmem:$0x1E400] =	vst v63  }
.LBB2_9:
0xb9: {  	_ =	swait.ge [sflag:s10], $0x50  }
0xba: {  	[sflag:s10] =	ssyncset.done $0x0  }
0xbb: {  	[sflag:s10] =	ssyncadd.s32 $0xFFFFFFB0  }
0xbc: {  	_ =	swait.ge [sflag:s10], $0x50  }
0xbd: {  	[sflag:s10] =	ssyncset.done $0x0  }
0xbe: {  	[sflag:s10] =	ssyncadd.s32 $0xFFFFFFB0  }
0xbf: {  	[tilespmem:s11], [sflag:$0x5] =	stream.indirect.gather [hbm4b:s2+s16], $0x80, s4, s16, $0xb8;
	[tilespmem:$0x1E400] =	vst v63  }
.LBB2_10:
0xc0: {  	s29 =	sadd.s32 $0x28, s29  }
0xc1: {  	p0 =	sne.s32 s29, $0x500  }
.Ltmp3:
0xc2: {  	s0 =	simm.s32 @!p1 $0x8;
	(pc) =	sbr.rel @!p0 .LBB2_11-.Ltmp3, $4  }
0xc3: {  	s1 =	simm.s32 @!p1 $0x380;
	s26 =	simm.s32 @!p1 $0x7C00;
	_ =	swait.ge @!p1 [sflag:s0], $0x2800  }
0xc4: {  	s30 =	sadd.s32 $0x1, s30;
	s28 =	sadd.s32 $0x140, s28;
	[sflag:s0] =	ssyncset.done @!p1 $0x0  }
0xc5: {  	s7 =	sadd.s32 $0x4, s7;
	[sflag:s0] =	ssyncadd.s32 @!p1 $0xFFFFD800;
	s0 =	simm.s32 @!p1 $0x50  }
0xc6: {  	[spmem:s3] =	stream.indirect.scatter.add.f32 @!p1 [tilespmem:s26], [sflag:$0xC], $0x80, s1, s0, $0xb8;
	[tilespmem:$0x1E400] =	vst v63  }
.LBB2_2:
0xc7: {  	s26 =	sadd.s32 $0xFFFFFFFF, s7  }
0xc8: {  	p0 =	sgt.u32 s26, $0x7C  }
0xc9: {  	p1 =	seq.s32 @!p0 s29, $0x0  }
0xca: {  	p1 =	por p1, p0  }
0xcb: {  	s14 =	smov.u32 s8;
	s8 =	smov.u32 s31;
	s31 =	simm.s32 @!p1 $0xB  }
0xcc: {  	p2 =	sgt.u32 s30, $0x1E;
	_ =	swait.ge @!p1 [sflag:s31], $0x2800  }
0xcd: {  	s0 =	simm.s32 @!p0 $0x0;
	s1 =	simm.s32 @!p0 $0x100;
	[sflag:s31] =	ssyncset.done @!p1 $0x0  }
0xce: {  	[sflag:s31] =	ssyncadd.s32 @!p1 $0xFFFFD800;
	s31 =	sadd.s32 @!p0 s29, s25;
	p1 =	seq.s32 @!p2 s29, $0x0  }
0xcf: {  	[tilespmem:s1], [sflag:$0x3] =	stream.linear.gather @!p0 [hbm4b:s31+s0], $0x50, $0x38;
	[tilespmem:$0x1E400] =	vst v63  }
0xd0: {  	s26 =	simm.s32 @!p0 $0x300;
	s31 =	sadd.s32 @!p0 s29, s24;
	p1 =	por p1, p2  }
0xd1: {  	[tilespmem:s26], [sflag:$0x3] =	stream.linear.gather @!p0 [hbm4b:s31+s0], $0x50, $0x38;
	[tilespmem:$0x1E400] =	vst v63  }
0xd2: {  	s0 =	simm.s32 @!p1 $0x2  }
0xd3: {  	_ =	swait.ge @!p1 [sflag:s0], $0x50  }
0xd4: {  	[sflag:s0] =	ssyncset.done @!p1 $0x0  }
0xd5: {  	[sflag:s0] =	ssyncadd.s32 @!p1 $0xFFFFFFB0  }
0xd6: {  	_ =	swait.ge @!p1 [sflag:s0], $0x50  }
0xd7: {  	s26 =	simm.s32 @!p2 $0x80;
	s31 =	simm.s32 @!p2 $0x2C00;
	[sflag:s0] =	ssyncset.done @!p1 $0x0  }
0xd8: {  	[sflag:s0] =	ssyncadd.s32 @!p1 $0xFFFFFFB0;
	s0 =	simm.s32 @!p2 $0x50;
	p1 =	sgt.u32 s7, $0x7C  }
0xd9: {  	[tilespmem:s31], [sflag:$0x6] =	stream.indirect.gather @!p2 [hbm4b:s2+s0], $0x80, s26, s0, $0xb8;
	[tilespmem:$0x1E400] =	vst v63  }
0xda: {  	p3 =	seq.s32 @!p1 s29, $0x0;
	_ =	swait.ge [sflag:s17], $0x2800  }
0xdb: {  	p3 =	por p3, p1;
	[sflag:s17] =	ssyncset.done $0x0  }
0xdc: {  	s0 =	simm.s32 @!p3 $0xC;
	[sflag:s17] =	ssyncadd.s32 $0xFFFFD800  }
0xdd: {  	[spmem:s3] =	stream.indirect.scatter.add.f32 [tilespmem:s11], [sflag:$0x9], $0x80, s13, s16, $0xb8;
	[tilespmem:$0x1E400] =	vst v63  }
0xde: {  	_ =	swait.ge @!p3 [sflag:s0], $0x2800  }
0xdf: {  	s26 =	simm.s32 @!p1 $0x0;
	[sflag:s0] =	ssyncset.done @!p3 $0x0  }
0xe0: {  	s31 =	simm.s32 @!p1 $0x180;
	[sflag:s0] =	ssyncadd.s32 @!p3 $0xFFFFD800;
	s0 =	sadd.s32 @!p1 s29, s23  }
0xe1: {  	[tilespmem:s31], [sflag:$0x4] =	stream.linear.gather @!p1 [hbm4b:s0+s26], $0x50, $0x38;
	[tilespmem:$0x1E400] =	vst v63  }
0xe2: {  	s0 =	sadd.s32 @!p1 s29, s22;
	s31 =	simm.s32 @!p1 $0x380  }
0xe3: {  	[tilespmem:s31], [sflag:$0x4] =	stream.linear.gather @!p1 [hbm4b:s0+s26], $0x50, $0x38;
	[tilespmem:$0x1E400] =	vst v63  }
0xe4: {  	s0 =	simm.s32 @!p0 $0x3  }
0xe5: {  	_ =	swait.ge @!p0 [sflag:s0], $0x50  }
0xe6: {  	[sflag:s0] =	ssyncset.done @!p0 $0x0  }
.Ltmp4:
0xe7: {  	[sflag:s0] =	ssyncadd.s32 @!p0 $0xFFFFFFB0;
	(pc) =	sbr.rel @p2 .LBB2_4-.Ltmp4, $4  }
0xe8: {  	_ =	swait.ge @!p0 [sflag:s0], $0x50  }
0xe9: {  	[sflag:s0] =	ssyncset.done @!p0 $0x0  }
0xea: {  	s26 =	simm.s32 @!p0 $0x5400;
	[sflag:s0] =	ssyncadd.s32 @!p0 $0xFFFFFFB0;
	s0 =	simm.s32 @!p0 $0x50  }
0xeb: {  	[tilespmem:s26], [sflag:$0x7] =	stream.indirect.gather @!p0 [hbm4b:s2+s0], $0x80, s1, s0, $0xb8;
	[tilespmem:$0x1E400] =	vst v63  }
.Ltmp5:
0xec: {  	(pc) =	sbr.rel .LBB2_5-.Ltmp5, $4  }
0xed: {  	_ =	swait.ge [sflag:s20], $0x2800  }
0xee: {  	[sflag:s20] =	ssyncset.done $0x0  }
0xef: {  	s0 =	simm.s32 $0x2C00;
	[sflag:s20] =	ssyncadd.s32 $0xFFFFD800  }
0xf0: {  	[spmem:s3] =	stream.indirect.scatter.add.f32 [tilespmem:s0], [sflag:$0xA], $0x80, s15, s16, $0xb8;
	[tilespmem:$0x1E400] =	vst v63  }
.LBB2_4:
0xf1: {  	p3 =	seq.s32 s29, $0x4D8  }
.Ltmp6:
0xf2: {  	_ = 	snop;
	(pc) =	sbr.rel @p3 .LBB2_6-.Ltmp6, $2  }
0xf3: {  	_ =	sdelay $0x2  }
0xf4: {  	p2 =	por $0x1, $0x1  }
.LBB2_5:
0xf5: {  	_ =	swait.ge [sflag:s6], $0x2800  }
0xf6: {  	[sflag:s6] =	ssyncset.done $0x0  }
0xf7: {  	s0 =	sadd.s32 s29, s21;
	s31 =	sshrl.u32 s28, $0x3;
	[sflag:s6] =	ssyncadd.s32 $0xFFFFD800  }
0xf8: {  	[tilespmem:s4], [sflag:$0x1] =	stream.linear.gather [hbm4b:s0+s4], $0x50, $0x38;
	[tilespmem:$0x1E400] =	vst v63  }
0xf9: {  	p2 =	por $0x0, $0x0;
	s0 =	sadd.s32 s5, s31  }
0xfa: {  	[tilespmem:s13], [sflag:$0x1] =	stream.linear.gather [hbm4b:s0+s4], $0x50, $0x38;
	[tilespmem:$0x1E400] =	vst v63  }
.LBB2_6:
0xfb: {  	s0 =	simm.s32 @!p1 $0x4  }
0xfc: {  	_ =	swait.ge @!p1 [sflag:s0], $0x50  }
0xfd: {  	[sflag:s0] =	ssyncset.done @!p1 $0x0  }
0xfe: {  	[sflag:s0] =	ssyncadd.s32 @!p1 $0xFFFFFFB0  }
0xff: {  	_ =	swait.ge @!p1 [sflag:s0], $0x50  }
0x100: {  	s1 =	simm.s32 @!p1 $0x180;
	[sflag:s0] =	ssyncset.done @!p1 $0x0  }
0x101: {  	s26 =	simm.s32 @!p1 $0x7C00;
	[sflag:s0] =	ssyncadd.s32 @!p1 $0xFFFFFFB0;
	s0 =	simm.s32 @!p1 $0x50  }
0x102: {  	[tilespmem:s26], [sflag:$0x8] =	stream.indirect.gather @!p1 [hbm4b:s2+s0], $0x80, s1, s0, $0xb8;
	[tilespmem:$0x1E400] =	vst v63  }
0x103: {  	s0 =	simm.s32 @!p0 $0x7  }
0x104: {  	_ =	swait.ge @!p0 [sflag:s0], $0x2800  }
0x105: {  	s1 =	simm.s32 @!p0 $0x300;
	[sflag:s0] =	ssyncset.done @!p0 $0x0  }
0x106: {  	s26 =	simm.s32 @!p0 $0x5400;
	[sflag:s0] =	ssyncadd.s32 @!p0 $0xFFFFD800;
	s0 =	simm.s32 @!p0 $0x50  }
0x107: {  	[spmem:s3] =	stream.indirect.scatter.add.f32 @!p0 [tilespmem:s26], [sflag:$0xB], $0x80, s1, s0, $0xb8;
	[tilespmem:$0x1E400] =	vst v63  }
0x108: {  	p0 =	sgt.u32 s30, $0x1D  }
.Ltmp7:
0x109: {  	_ = 	snop;
	(pc) =	sbr.rel @!p0 .LBB2_7-.Ltmp7, $2  }
0x10a: {  	_ =	sdelay $0x2  }
0x10b: {  	s31 =	smov.u32 s8  }
.Ltmp8:
0x10c: {  	(pc) =	sbr.rel @p2 .LBB2_10-.Ltmp8, $4  }
.Ltmp9:
0x10d: {  	(pc) =	sbr.rel @!p2 .LBB2_9-.Ltmp9, $4  }
0x10e: {  	_ = 	snop  }
0x10f: {  	_ = 	snop  }
0x110: {  	s8 =	smov.u32 s14  }
0x111: {  	_ = 	snop  }
.LBB2_12:
0x112: {  	_ =	sfence.sel $0x180000  }
0x113: {  	[bflag:$0x0] =	sbarrier.arrive $0xFFFF  }
0x114: {  	_ =	strace $0x9000004A  }
0x115: {  	s0 =	stileid.u32;
	[bflag:$0x2] =	sbarrier.arrive $0xFFFF  }
0x116: {  	p0 =	sne.s32 s0, $0x0;
	s0 =	rddreg [dreg:$0x3]  }
0x117: {  	s0 =	sadd.s32 @!p0 $0x100000, s0  }
0x118: {  	[sflag:s0] =	ssyncadd.tile.s32 @!p0 $0x1;
	_ =	shalt  }
.Lfunc_end2:
_tile_overlayer_lowered:
.L_overlay_start_2:
0x119: {  	(tag) =	ssettag $0x2  }
0x11a: {  	s0 =	rddreg [dreg:$0x0];
	s2 =	stileid.u32  }
0x11b: {  	s1 =	rddreg [dreg:$0x1];
	p0 =	sne.s32 s2, $0x0  }
0x11c: {  	s3 =	rddreg [dreg:$0x2];
	[bflag:$0x3] =	sbarrier.arrive $0xFFFF;
	s2 =	simm.s32 @!p0 $0x1C0D  }
0x11d: {  	[timem:s3], [sflag:s2] =	dma.local @!p0 [hbm:s0], s1  }
0x11e: {  	s0 =	simm.s32 @!p0 $0xD  }
0x11f: {  	_ =	swait.ge @!p0 [sflag:s0], s1  }
0x120: {  	s1 =	ssub.s32 @!p0 $0x0, s1;
	[sflag:s0] =	ssyncset.done @!p0 $0x0  }
0x121: {  	[sflag:s0] =	ssyncadd.s32 @!p0 s1  }
0x122: {  	[bflag:$0x3] =	sbarrier.arrive $0xFFFF  }
0x123: {  	_ =	shalt  }

</sc_bundles>
